<compile_context>
chip_gen: v7x
topology: tpu7x:2x2x1
jax: 0.10.2.dev20260603
libtpu: 0.0.44.dev20260713+nightly
codegen_flags: <defaults>
</compile_context>

<pallas_src>
import functools

import jax
import jax.numpy as jnp
from jax import lax
from jax.experimental import pallas as pl
from jax.experimental.pallas import tpu as pltpu
from jax.experimental.pallas import tpu_sc as plsc

_EPS = 1e-5
_TOPK = 4


def _rms_router_body(x_ref, rw_ref, w_ref, b_ref, h_ref, logits_ref):
    x = x_ref[...]
    var = jnp.mean(x * x, axis=-1, keepdims=True)
    h = x * jax.lax.rsqrt(var + _EPS) * rw_ref[...]
    logits_ref[...] = jax.lax.dot_general(
        h, w_ref[...], (((1,), (1,)), ((), ())),
        preferred_element_type=jnp.float32) + b_ref[...]
    h_ref[...] = h


def _make_sc_router(T, E):
    info = plsc.get_sparse_core_info()
    NC, NS = 1, info.num_subcores
    NW = NC * NS
    rows_per_w = T // NW
    mesh = plsc.VectorSubcoreMesh(core_axis_name="c", subcore_axis_name="s",
                                  num_cores=NC)

    @functools.partial(
        pl.kernel,
        out_type=jax.ShapeDtypeStruct((T, E), jnp.float32),
        mesh=mesh,
        scratch_types=[
            pltpu.VMEM((rows_per_w, E), jnp.float32),
            pltpu.VMEM((rows_per_w, E), jnp.float32),
        ],
        compiler_params=pltpu.CompilerParams(needs_layout_passes=False),
    )
    def _sc_router(logits_hbm, aff_hbm, rows_v, out_v):
        wid = lax.axis_index("s") * NC + lax.axis_index("c")
        base = wid * rows_per_w
        pltpu.sync_copy(logits_hbm.at[pl.ds(base, rows_per_w)], rows_v)
        iota = lax.iota(jnp.int32, E)

        def _bcast_max(v):
            return plsc.cummax(lax.rev(plsc.cummax(v), (0,)))

        for r in range(rows_per_w):
            row = rows_v[r]
            avail = jnp.ones((E,), jnp.bool_)
            sel_any = jnp.zeros((E,), jnp.bool_)
            m0 = None
            for _ in range(_TOPK):
                cur = jnp.where(avail, row, jnp.float32(-1e30))
                m = _bcast_max(cur)
                if m0 is None:
                    m0 = m
                is_m = (cur == m) & avail
                negidx = jnp.where(is_m, -iota, jnp.int32(-E))
                b = _bcast_max(negidx)
                sel = is_m & (negidx == b)
                avail = avail & jnp.logical_not(sel)
                sel_any = sel_any | sel
            expd = jnp.exp(row - m0)
            masked = jnp.where(sel_any, expd, jnp.float32(0.0))
            z = plsc.cummax(lax.rev(plsc.cumsum(masked), (0,)))
            out_v[r] = masked / z
        pltpu.sync_copy(out_v, aff_hbm.at[pl.ds(base, rows_per_w)])

    return _sc_router


def _topk_affinities(logits):
    T, E = logits.shape
    iota = jax.lax.broadcasted_iota(jnp.int32, (T, E), 1)
    avail = jnp.ones((T, E), dtype=jnp.bool_)
    neg = jnp.float32(-1e30)
    sels, ms = [], []
    for _ in range(_TOPK):
        cur = jnp.where(avail, logits, neg)
        m = jnp.max(cur, axis=-1, keepdims=True)
        is_m = (cur == m) & avail
        fi = jnp.min(jnp.where(is_m, iota, E), axis=-1, keepdims=True)
        sel = iota == fi
        avail = avail & jnp.logical_not(sel)
        sels.append(sel)
        ms.append(m)
    m0 = ms[0]
    es = [jnp.exp(m - m0) for m in ms]
    z = es[0]
    for t in es[1:]:
        z = z + t
    aff = jnp.zeros((T, E), jnp.float32)
    for sel, t in zip(sels, es):
        aff = aff + sel.astype(jnp.float32) * (t / z)
    return aff


def _mlp_body(h_ref, logits_ref, x_ref, wg_ref, wu_ref, bg_ref, bu_ref,
              wd_ref, bd_ref, out_ref, aff_ref):
    e = pl.program_id(0)
    f = pl.program_id(1)

    @pl.when((e == 0) & (f == 0))
    def _init():
        aff_ref[...] = _topk_affinities(logits_ref[...])
        out_ref[...] = x_ref[...] + jnp.dot(
            aff_ref[...], bd_ref[...], preferred_element_type=jnp.float32)

    h = h_ref[...]
    gate = jnp.dot(h, wg_ref[0], preferred_element_type=jnp.float32) + bg_ref[0]
    up = jnp.dot(h, wu_ref[0], preferred_element_type=jnp.float32) + bu_ref[0]
    inter = up * jax.nn.sigmoid(gate)
    contrib = jnp.dot(inter, wd_ref[0], preferred_element_type=jnp.float32)
    E = aff_ref.shape[1]
    onehot = (jax.lax.broadcasted_iota(jnp.int32, (E, 1), 0) == e
              ).astype(jnp.float32)
    aff_col = jnp.dot(aff_ref[...], onehot, preferred_element_type=jnp.float32)
    out_ref[...] += aff_col * contrib


def kernel(hidden_states, rms_weight, router_weight, router_bias,
           W_gu, b_gu, W_down, b_down):
    T, H = hidden_states.shape
    E, _, I2 = W_gu.shape
    I = I2 // 2
    FB = 512
    NF = I // FB

    h, logits = pl.pallas_call(
        _rms_router_body,
        out_shape=(
            jax.ShapeDtypeStruct((T, H), jnp.float32),
            jax.ShapeDtypeStruct((T, E), jnp.float32),
        ),
    )(hidden_states, rms_weight.reshape(1, H), router_weight,
      router_bias.reshape(1, E))

    out = pl.pallas_call(
        _mlp_body,
        grid=(E, NF),
        in_specs=[
            pl.BlockSpec((T, H), lambda e, f: (0, 0)),
            pl.BlockSpec((T, E), lambda e, f: (0, 0)),
            pl.BlockSpec((T, H), lambda e, f: (0, 0)),
            pl.BlockSpec((1, H, FB), lambda e, f: (e, 0, f)),
            pl.BlockSpec((1, H, FB), lambda e, f: (e, 0, f + NF)),
            pl.BlockSpec((1, 1, FB), lambda e, f: (e, 0, f)),
            pl.BlockSpec((1, 1, FB), lambda e, f: (e, 0, f + NF)),
            pl.BlockSpec((1, FB, H), lambda e, f: (e, f, 0)),
            pl.BlockSpec((E, H), lambda e, f: (0, 0)),
        ],
        out_specs=pl.BlockSpec((T, H), lambda e, f: (0, 0)),
        out_shape=jax.ShapeDtypeStruct((T, H), jnp.float32),
        scratch_shapes=[pltpu.VMEM((T, E), jnp.float32)],
        compiler_params=pltpu.CompilerParams(
            vmem_limit_bytes=100 * 1024 * 1024),
    )(h, logits, hidden_states, W_gu, W_gu, b_gu.reshape(E, 1, I2),
      b_gu.reshape(E, 1, I2), W_down, b_down)

    aff = _make_sc_router(T, E)(logits)

    return out, aff

# --- scband reference (transcript-rebuilt; emitter-appended) ---
"""Pipeline reference for scband-nx-dmo-e-45956150067870 (READ-ONLY COPY).

The authoritative reference and input builder live on the scoring server;
editing this copy changes nothing except your own understanding.
"""

import jax, jax.numpy as jnp
import numpy as np

T = 128         # tokens (batch=128, q_len=1)
H = 3072        # HIDDEN_SIZE (module constant)
I = 3072        # INTERMEDIATE_SIZE (module constant)
E = 16          # NUM_EXPERTS (scaled down from 128 for CPU-runnable reference)
TOPK = 4        # EXPERTS_PER_TOKEN (module constant)
EPS = 1e-5      # rmsnorm eps (module constant)


def setup_inputs(seed: int = 0) -> dict:
    key = jax.random.key(seed)
    ks = jax.random.split(key, 8)
    hidden_states = jax.random.normal(ks[0], (T, H), dtype=jnp.float32)
    rms_weight = jnp.ones((H,), jnp.float32) + 0.01 * jax.random.normal(ks[1], (H,), dtype=jnp.float32)
    router_weight = 0.02 * jax.random.normal(ks[2], (E, H), dtype=jnp.float32)
    router_bias = 0.02 * jax.random.normal(ks[3], (E,), dtype=jnp.float32)
    # gate_up weights already in de-interleaved layout: [..., :I] = gate, [..., I:] = up
    W_gu = 0.02 * jax.random.normal(ks[4], (E, H, 2 * I), dtype=jnp.float32)
    b_gu = 0.02 * jax.random.normal(ks[5], (E, 2 * I), dtype=jnp.float32)
    # preshard_hook_cpu: b_reordered[..., HIDDEN_SIZE:] += 1.0  (the '+1' on the up-projection bias)
    b_gu = b_gu.at[:, I:].add(1.0)
    W_down = 0.02 * jax.random.normal(ks[6], (E, I, H), dtype=jnp.float32)
    b_down = 0.02 * jax.random.normal(ks[7], (E, H), dtype=jnp.float32)
    return {
        'hidden_states': hidden_states,
        'rms_weight': rms_weight,
        'router_weight': router_weight,
        'router_bias': router_bias,
        'W_gu': W_gu,
        'b_gu': b_gu,
        'W_down': W_down,
        'b_down': b_down,
    }


def _moe_forward(hidden_states, rms_weight, router_weight, router_bias, W_gu, b_gu, W_down, b_down):
    x = hidden_states
    # GptOssRMSNormV2
    var = jnp.mean(x * x, axis=-1, keepdims=True)
    h = x * jax.lax.rsqrt(var + EPS) * rms_weight
    # router: linear with bias
    router_logits = h @ router_weight.T + router_bias            # [T, E]
    # top-k routing + softmax over the selected logits (as in module forward)
    topk_w, topk_idx = jax.lax.top_k(router_logits.astype(jnp.float32), TOPK)
    topk_aff = jax.nn.softmax(topk_w, axis=-1)
    rows = jnp.arange(T)[:, None]
    expert_affinities = jnp.zeros((T, E), jnp.float32).at[rows, topk_idx].set(topk_aff)
    # expert MLPs: mathematically exact dense evaluation; non-selected experts have
    # zero affinity, so weighting by expert_affinities reproduces top-k MoE exactly.
    gu = jnp.einsum('th,ehf->tef', h, W_gu) + b_gu               # [T, E, 2I]
    gate = gu[..., :I]
    up = gu[..., I:]                                             # up bias already carries the +1
    inter = jax.nn.sigmoid(gate) * up                            # hidden_act = 'sigmoid' GLU
    down = jnp.einsum('tei,eio->teo', inter, W_down) + b_down    # [T, E, H]
    moe_out = jnp.einsum('teo,te->to', down, expert_affinities)  # combine
    out = x + moe_out                                            # residual
    return out, expert_affinities


def reference(hidden_states, rms_weight, router_weight, router_bias, W_gu, b_gu, W_down, b_down):
    return _moe_forward(hidden_states, rms_weight, router_weight, router_bias, W_gu, b_gu, W_down, b_down)

if __name__ == "__main__":
    import jax
    _d = setup_inputs()
    print(jax.jit(kernel)(*tuple(_d.values())))

</pallas_src>

<mosaic_0001>
#map = affine_map<(d0, d1) -> (0, 0)>
module attributes {stable_mosaic.version = 14 : i64} {
  func.func @_sc_router(%arg0: i32, %arg1: i32, %arg2: memref<128x16xf32, #tpu.memory_space<hbm>>, %arg3: memref<128x16xf32, #tpu.memory_space<hbm>>, %arg4: memref<8x16xf32, #tpu.memory_space<vmem>>, %arg5: memref<8x16xf32, #tpu.memory_space<vmem>>) attributes {dimension_semantics = [#tpu.dimension_semantics<core_parallel>, #tpu.dimension_semantics<subcore_parallel>], iteration_bounds = array<i64: 1, 16>, scalar_prefetch = 0 : i64, scratch_operands = 2 : i64, tpu.core_type = #tpu.core_type<sc_vector_subcore>, window_params = [{transform_indices = #map}, {transform_indices = #map}]} {
    %mul3A = arith.constant 1 : i32
    %mul3A_0 = arith.muli %arg1, %mul3A : i32
    %add3A = arith.addi %mul3A_0, %arg0 : i32
    %mul3A_1 = arith.constant 8 : i32
    %mul3A_2 = arith.muli %add3A, %mul3A_1 : i32
    "tpu.region"() ({
      %run_scoped3A = tpu.sem_alloc : memref<!tpu.dma_semaphore, #tpu.memory_space<semaphore_mem>>
      %dma_start3A = arith.constant 0 : i32
      %dma_start3A_1723 = tpu.memref_slice %arg2[%mul3A_2, %dma_start3A] : memref<128x16xf32, #tpu.memory_space<hbm>> -> memref<8x16xf32, #tpu.memory_space<hbm>>
      %dma_start3A_1724 = arith.constant 0 : i32
      %dma_start3A_1725 = tpu.memref_slice %arg2[%mul3A_2, %dma_start3A_1724] : memref<128x16xf32, #tpu.memory_space<hbm>> -> memref<8x16xf32, #tpu.memory_space<hbm>>
      tpu.enqueue_dma source(%dma_start3A_1725 : memref<8x16xf32, #tpu.memory_space<hbm>>) target(%arg4 : memref<8x16xf32, #tpu.memory_space<vmem>>) target_semaphore(%run_scoped3A : memref<!tpu.dma_semaphore, #tpu.memory_space<semaphore_mem>>)
      %dma_wait3A = arith.constant 0 : i32
      %dma_wait3A_1726 = tpu.memref_slice %arg2[%mul3A_2, %dma_wait3A] : memref<128x16xf32, #tpu.memory_space<hbm>> -> memref<8x16xf32, #tpu.memory_space<hbm>>
      %dma_wait3A_1727 = arith.constant 0 : i32
      %dma_wait3A_1728 = tpu.memref_slice %arg2[%mul3A_2, %dma_wait3A_1727] : memref<128x16xf32, #tpu.memory_space<hbm>> -> memref<8x16xf32, #tpu.memory_space<hbm>>
      tpu.wait_dma2 semaphore(%run_scoped3A : memref<!tpu.dma_semaphore, #tpu.memory_space<semaphore_mem>>) src(%dma_wait3A_1728 : memref<8x16xf32, #tpu.memory_space<hbm>>) dst(%arg4 : memref<8x16xf32, #tpu.memory_space<vmem>>)
      tpu.yield
    }) : () -> ()
    %iota3A = tpu.iota {dimensions = array<i32: 0>} : vector<16xi32>
    %get3A = arith.constant 0 : i32
    %get3A_3 = arith.index_cast %get3A : i32 to index
    %get3A_4 = arith.constant 0 : index
    %get3A_5 = tpu.vector_load %arg4[%get3A_3, %get3A_4] {strides = array<i32>} : memref<8x16xf32, #tpu.memory_space<vmem>>, vector<16xf32>,
    %broadcast_in_dim3A = arith.constant true
    %broadcast_in_dim3A_6 = vector.broadcast %broadcast_in_dim3A : i1 to vector<16xi1>
    %broadcast_in_dim3A_7 = arith.constant false
    %broadcast_in_dim3A_8 = vector.broadcast %broadcast_in_dim3A_7 : i1 to vector<16xi1>
    %jit3A = arith.constant -1.000000e+30 : f32
    %broadcast_in_dim3A_9 = vector.broadcast %jit3A : f32 to vector<16xf32>
    %select_n3A = arith.select %broadcast_in_dim3A_6, %get3A_5, %broadcast_in_dim3A_9 : vector<16xi1>, vector<16xf32>
    %broadcast_in_dim3A_10 = arith.constant true
    %broadcast_in_dim3A_11 = vector.broadcast %broadcast_in_dim3A_10 : i1 to vector<16xi1>
    %masked_cummax3A = tpu.scan <max>, %select_n3A masked %broadcast_in_dim3A_11 : vector<16xf32>, vector<16xi1> -> vector<16xf32>
    %rev3A = arith.constant 15 : i32
    %rev3A_12 = vector.broadcast %rev3A : i32 to vector<16xi32>
    %rev3A_13 = tpu.iota {dimensions = array<i32: 0>} : vector<16xi32>
    %rev3A_14 = arith.subi %rev3A_12, %rev3A_13 : vector<16xi32>
    %rev3A_15 = tpu.dynamic_gather %masked_cummax3A[%rev3A_14] in [0] : vector<16xf32>, vector<16xi32> -> vector<16xf32>
    %broadcast_in_dim3A_16 = arith.constant true
    %broadcast_in_dim3A_17 = vector.broadcast %broadcast_in_dim3A_16 : i1 to vector<16xi1>
    %masked_cummax3A_18 = tpu.scan <max>, %rev3A_15 masked %broadcast_in_dim3A_17 : vector<16xf32>, vector<16xi1> -> vector<16xf32>
    %eq3A = arith.cmpf oeq, %select_n3A, %masked_cummax3A_18 : vector<16xf32>
    %and3A = arith.andi %eq3A, %broadcast_in_dim3A_6 : vector<16xi1>
    %neg3A = arith.constant 0 : i32
    %neg3A_19 = vector.broadcast %neg3A : i32 to vector<16xi32>
    %neg3A_20 = arith.subi %neg3A_19, %iota3A : vector<16xi32>
    %jit3A_21 = arith.constant -16 : i32
    %broadcast_in_dim3A_22 = vector.broadcast %jit3A_21 : i32 to vector<16xi32>
    %select_n3A_23 = arith.select %and3A, %neg3A_20, %broadcast_in_dim3A_22 : vector<16xi1>, vector<16xi32>
    %broadcast_in_dim3A_24 = arith.constant true
    %broadcast_in_dim3A_25 = vector.broadcast %broadcast_in_dim3A_24 : i1 to vector<16xi1>
    %masked_cummax3A_26 = arith.constant -2147483648 : i32
    %masked_cummax3A_27 = vector.broadcast %masked_cummax3A_26 : i32 to vector<16xi32>
    %masked_cummax3A_28 = arith.xori %select_n3A_23, %masked_cummax3A_27 : vector<16xi32>
    %masked_cummax3A_29 = tpu.scan <max>, %masked_cummax3A_28 masked %broadcast_in_dim3A_25 : vector<16xi32>, vector<16xi1> -> vector<16xi32>
    %masked_cummax3A_30 = arith.xori %masked_cummax3A_29, %masked_cummax3A_27 : vector<16xi32>
    %rev3A_31 = arith.constant 15 : i32
    %rev3A_32 = vector.broadcast %rev3A_31 : i32 to vector<16xi32>
    %rev3A_33 = tpu.iota {dimensions = array<i32: 0>} : vector<16xi32>
    %rev3A_34 = arith.subi %rev3A_32, %rev3A_33 : vector<16xi32>
    %rev3A_35 = tpu.dynamic_gather %masked_cummax3A_30[%rev3A_34] in [0] : vector<16xi32>, vector<16xi32> -> vector<16xi32>
    %broadcast_in_dim3A_36 = arith.constant true
    %broadcast_in_dim3A_37 = vector.broadcast %broadcast_in_dim3A_36 : i1 to vector<16xi1>
    %masked_cummax3A_38 = arith.constant -2147483648 : i32
    %masked_cummax3A_39 = vector.broadcast %masked_cummax3A_38 : i32 to vector<16xi32>
    %masked_cummax3A_40 = arith.xori %rev3A_35, %masked_cummax3A_39 : vector<16xi32>
    %masked_cummax3A_41 = tpu.scan <max>, %masked_cummax3A_40 masked %broadcast_in_dim3A_37 : vector<16xi32>, vector<16xi1> -> vector<16xi32>
    %masked_cummax3A_42 = arith.xori %masked_cummax3A_41, %masked_cummax3A_39 : vector<16xi32>
    %eq3A_43 = arith.cmpi eq, %select_n3A_23, %masked_cummax3A_42 : vector<16xi32>
    %and3A_44 = arith.andi %and3A, %eq3A_43 : vector<16xi1>
    %not3A = arith.constant dense<true> : vector<16xi1>
    %not3A_45 = arith.xori %and3A_44, %not3A : vector<16xi1>
    %and3A_46 = arith.andi %broadcast_in_dim3A_6, %not3A_45 : vector<16xi1>
    %or3A = arith.ori %broadcast_in_dim3A_8, %and3A_44 : vector<16xi1>
    %jit3A_47 = arith.constant -1.000000e+30 : f32
    %broadcast_in_dim3A_48 = vector.broadcast %jit3A_47 : f32 to vector<16xf32>
    %select_n3A_49 = arith.select %and3A_46, %get3A_5, %broadcast_in_dim3A_48 : vector<16xi1>, vector<16xf32>
    %broadcast_in_dim3A_50 = arith.constant true
    %broadcast_in_dim3A_51 = vector.broadcast %broadcast_in_dim3A_50 : i1 to vector<16xi1>
    %masked_cummax3A_52 = tpu.scan <max>, %select_n3A_49 masked %broadcast_in_dim3A_51 : vector<16xf32>, vector<16xi1> -> vector<16xf32>
    %rev3A_53 = arith.constant 15 : i32
    %rev3A_54 = vector.broadcast %rev3A_53 : i32 to vector<16xi32>
    %rev3A_55 = tpu.iota {dimensions = array<i32: 0>} : vector<16xi32>
    %rev3A_56 = arith.subi %rev3A_54, %rev3A_55 : vector<16xi32>
    %rev3A_57 = tpu.dynamic_gather %masked_cummax3A_52[%rev3A_56] in [0] : vector<16xf32>, vector<16xi32> -> vector<16xf32>
    %broadcast_in_dim3A_58 = arith.constant true
    %broadcast_in_dim3A_59 = vector.broadcast %broadcast_in_dim3A_58 : i1 to vector<16xi1>
    %masked_cummax3A_60 = tpu.scan <max>, %rev3A_57 masked %broadcast_in_dim3A_59 : vector<16xf32>, vector<16xi1> -> vector<16xf32>
    %eq3A_61 = arith.cmpf oeq, %select_n3A_49, %masked_cummax3A_60 : vector<16xf32>
    %and3A_62 = arith.andi %eq3A_61, %and3A_46 : vector<16xi1>
    %neg3A_63 = arith.constant 0 : i32
    %neg3A_64 = vector.broadcast %neg3A_63 : i32 to vector<16xi32>
    %neg3A_65 = arith.subi %neg3A_64, %iota3A : vector<16xi32>
    %jit3A_66 = arith.constant -16 : i32
    %broadcast_in_dim3A_67 = vector.broadcast %jit3A_66 : i32 to vector<16xi32>
    %select_n3A_68 = arith.select %and3A_62, %neg3A_65, %broadcast_in_dim3A_67 : vector<16xi1>, vector<16xi32>
    %broadcast_in_dim3A_69 = arith.constant true
    %broadcast_in_dim3A_70 = vector.broadcast %broadcast_in_dim3A_69 : i1 to vector<16xi1>
    %masked_cummax3A_71 = arith.constant -2147483648 : i32
    %masked_cummax3A_72 = vector.broadcast %masked_cummax3A_71 : i32 to vector<16xi32>
    %masked_cummax3A_73 = arith.xori %select_n3A_68, %masked_cummax3A_72 : vector<16xi32>
    %masked_cummax3A_74 = tpu.scan <max>, %masked_cummax3A_73 masked %broadcast_in_dim3A_70 : vector<16xi32>, vector<16xi1> -> vector<16xi32>
    %masked_cummax3A_75 = arith.xori %masked_cummax3A_74, %masked_cummax3A_72 : vector<16xi32>
    %rev3A_76 = arith.constant 15 : i32
    %rev3A_77 = vector.broadcast %rev3A_76 : i32 to vector<16xi32>
    %rev3A_78 = tpu.iota {dimensions = array<i32: 0>} : vector<16xi32>
    %rev3A_79 = arith.subi %rev3A_77, %rev3A_78 : vector<16xi32>
    %rev3A_80 = tpu.dynamic_gather %masked_cummax3A_75[%rev3A_79] in [0] : vector<16xi32>, vector<16xi32> -> vector<16xi32>
    %broadcast_in_dim3A_81 = arith.constant true
    %broadcast_in_dim3A_82 = vector.broadcast %broadcast_in_dim3A_81 : i1 to vector<16xi1>
    %masked_cummax3A_83 = arith.constant -2147483648 : i32
    %masked_cummax3A_84 = vector.broadcast %masked_cummax3A_83 : i32 to vector<16xi32>
    %masked_cummax3A_85 = arith.xori %rev3A_80, %masked_cummax3A_84 : vector<16xi32>
    %masked_cummax3A_86 = tpu.scan <max>, %masked_cummax3A_85 masked %broadcast_in_dim3A_82 : vector<16xi32>, vector<16xi1> -> vector<16xi32>
    %masked_cummax3A_87 = arith.xori %masked_cummax3A_86, %masked_cummax3A_84 : vector<16xi32>
    %eq3A_88 = arith.cmpi eq, %select_n3A_68, %masked_cummax3A_87 : vector<16xi32>
    %and3A_89 = arith.andi %and3A_62, %eq3A_88 : vector<16xi1>
    %not3A_90 = arith.constant dense<true> : vector<16xi1>
    %not3A_91 = arith.xori %and3A_89, %not3A_90 : vector<16xi1>
    %and3A_92 = arith.andi %and3A_46, %not3A_91 : vector<16xi1>
    %or3A_93 = arith.ori %or3A, %and3A_89 : vector<16xi1>
    %jit3A_94 = arith.constant -1.000000e+30 : f32
    %broadcast_in_dim3A_95 = vector.broadcast %jit3A_94 : f32 to vector<16xf32>
    %select_n3A_96 = arith.select %and3A_92, %get3A_5, %broadcast_in_dim3A_95 : vector<16xi1>, vector<16xf32>
    %broadcast_in_dim3A_97 = arith.constant true
    %broadcast_in_dim3A_98 = vector.broadcast %broadcast_in_dim3A_97 : i1 to vector<16xi1>
    %masked_cummax3A_99 = tpu.scan <max>, %select_n3A_96 masked %broadcast_in_dim3A_98 : vector<16xf32>, vector<16xi1> -> vector<16xf32>
    %rev3A_100 = arith.constant 15 : i32
    %rev3A_101 = vector.broadcast %rev3A_100 : i32 to vector<16xi32>
    %rev3A_102 = tpu.iota {dimensions = array<i32: 0>} : vector<16xi32>
    %rev3A_103 = arith.subi %rev3A_101, %rev3A_102 : vector<16xi32>
    %rev3A_104 = tpu.dynamic_gather %masked_cummax3A_99[%rev3A_103] in [0] : vector<16xf32>, vector<16xi32> -> vector<16xf32>
    %broadcast_in_dim3A_105 = arith.constant true
    %broadcast_in_dim3A_106 = vector.broadcast %broadcast_in_dim3A_105 : i1 to vector<16xi1>
    %masked_cummax3A_107 = tpu.scan <max>, %rev3A_104 masked %broadcast_in_dim3A_106 : vector<16xf32>, vector<16xi1> -> vector<16xf32>
    %eq3A_108 = arith.cmpf oeq, %select_n3A_96, %masked_cummax3A_107 : vector<16xf32>
    %and3A_109 = arith.andi %eq3A_108, %and3A_92 : vector<16xi1>
    %neg3A_110 = arith.constant 0 : i32
    %neg3A_111 = vector.broadcast %neg3A_110 : i32 to vector<16xi32>
    %neg3A_112 = arith.subi %neg3A_111, %iota3A : vector<16xi32>
    %jit3A_113 = arith.constant -16 : i32
    %broadcast_in_dim3A_114 = vector.broadcast %jit3A_113 : i32 to vector<16xi32>
    %select_n3A_115 = arith.select %and3A_109, %neg3A_112, %broadcast_in_dim3A_114 : vector<16xi1>, vector<16xi32>
    %broadcast_in_dim3A_116 = arith.constant true
    %broadcast_in_dim3A_117 = vector.broadcast %broadcast_in_dim3A_116 : i1 to vector<16xi1>
    %masked_cummax3A_118 = arith.constant -2147483648 : i32
    %masked_cummax3A_119 = vector.broadcast %masked_cummax3A_118 : i32 to vector<16xi32>
    %masked_cummax3A_120 = arith.xori %select_n3A_115, %masked_cummax3A_119 : vector<16xi32>
    %masked_cummax3A_121 = tpu.scan <max>, %masked_cummax3A_120 masked %broadcast_in_dim3A_117 : vector<16xi32>, vector<16xi1> -> vector<16xi32>
    %masked_cummax3A_122 = arith.xori %masked_cummax3A_121, %masked_cummax3A_119 : vector<16xi32>
    %rev3A_123 = arith.constant 15 : i32
    %rev3A_124 = vector.broadcast %rev3A_123 : i32 to vector<16xi32>
    %rev3A_125 = tpu.iota {dimensions = array<i32: 0>} : vector<16xi32>
    %rev3A_126 = arith.subi %rev3A_124, %rev3A_125 : vector<16xi32>
    %rev3A_127 = tpu.dynamic_gather %masked_cummax3A_122[%rev3A_126] in [0] : vector<16xi32>, vector<16xi32> -> vector<16xi32>
    %broadcast_in_dim3A_128 = arith.constant true
    %broadcast_in_dim3A_129 = vector.broadcast %broadcast_in_dim3A_128 : i1 to vector<16xi1>
    %masked_cummax3A_130 = arith.constant -2147483648 : i32
    %masked_cummax3A_131 = vector.broadcast %masked_cummax3A_130 : i32 to vector<16xi32>
    %masked_cummax3A_132 = arith.xori %rev3A_127, %masked_cummax3A_131 : vector<16xi32>
    %masked_cummax3A_133 = tpu.scan <max>, %masked_cummax3A_132 masked %broadcast_in_dim3A_129 : vector<16xi32>, vector<16xi1> -> vector<16xi32>
    %masked_cummax3A_134 = arith.xori %masked_cummax3A_133, %masked_cummax3A_131 : vector<16xi32>
    %eq3A_135 = arith.cmpi eq, %select_n3A_115, %masked_cummax3A_134 : vector<16xi32>
    %and3A_136 = arith.andi %and3A_109, %eq3A_135 : vector<16xi1>
    %not3A_137 = arith.constant dense<true> : vector<16xi1>
    %not3A_138 = arith.xori %and3A_136, %not3A_137 : vector<16xi1>
    %and3A_139 = arith.andi %and3A_92, %not3A_138 : vector<16xi1>
    %or3A_140 = arith.ori %or3A_93, %and3A_136 : vector<16xi1>
    %jit3A_141 = arith.constant -1.000000e+30 : f32
    %broadcast_in_dim3A_142 = vector.broadcast %jit3A_141 : f32 to vector<16xf32>
    %select_n3A_143 = arith.select %and3A_139, %get3A_5, %broadcast_in_dim3A_142 : vector<16xi1>, vector<16xf32>
    %broadcast_in_dim3A_144 = arith.constant true
    %broadcast_in_dim3A_145 = vector.broadcast %broadcast_in_dim3A_144 : i1 to vector<16xi1>
    %masked_cummax3A_146 = tpu.scan <max>, %select_n3A_143 masked %broadcast_in_dim3A_145 : vector<16xf32>, vector<16xi1> -> vector<16xf32>
    %rev3A_147 = arith.constant 15 : i32
    %rev3A_148 = vector.broadcast %rev3A_147 : i32 to vector<16xi32>
    %rev3A_149 = tpu.iota {dimensions = array<i32: 0>} : vector<16xi32>
    %rev3A_150 = arith.subi %rev3A_148, %rev3A_149 : vector<16xi32>
    %rev3A_151 = tpu.dynamic_gather %masked_cummax3A_146[%rev3A_150] in [0] : vector<16xf32>, vector<16xi32> -> vector<16xf32>
    %broadcast_in_dim3A_152 = arith.constant true
    %broadcast_in_dim3A_153 = vector.broadcast %broadcast_in_dim3A_152 : i1 to vector<16xi1>
    %masked_cummax3A_154 = tpu.scan <max>, %rev3A_151 masked %broadcast_in_dim3A_153 : vector<16xf32>, vector<16xi1> -> vector<16xf32>
    %eq3A_155 = arith.cmpf oeq, %select_n3A_143, %masked_cummax3A_154 : vector<16xf32>
    %and3A_156 = arith.andi %eq3A_155, %and3A_139 : vector<16xi1>
    %neg3A_157 = arith.constant 0 : i32
    %neg3A_158 = vector.broadcast %neg3A_157 : i32 to vector<16xi32>
    %neg3A_159 = arith.subi %neg3A_158, %iota3A : vector<16xi32>
    %jit3A_160 = arith.constant -16 : i32
    %broadcast_in_dim3A_161 = vector.broadcast %jit3A_160 : i32 to vector<16xi32>
    %select_n3A_162 = arith.select %and3A_156, %neg3A_159, %broadcast_in_dim3A_161 : vector<16xi1>, vector<16xi32>
    %broadcast_in_dim3A_163 = arith.constant true
    %broadcast_in_dim3A_164 = vector.broadcast %broadcast_in_dim3A_163 : i1 to vector<16xi1>
    %masked_cummax3A_165 = arith.constant -2147483648 : i32
    %masked_cummax3A_166 = vector.broadcast %masked_cummax3A_165 : i32 to vector<16xi32>
    %masked_cummax3A_167 = arith.xori %select_n3A_162, %masked_cummax3A_166 : vector<16xi32>
    %masked_cummax3A_168 = tpu.scan <max>, %masked_cummax3A_167 masked %broadcast_in_dim3A_164 : vector<16xi32>, vector<16xi1> -> vector<16xi32>
    %masked_cummax3A_169 = arith.xori %masked_cummax3A_168, %masked_cummax3A_166 : vector<16xi32>
    %rev3A_170 = arith.constant 15 : i32
    %rev3A_171 = vector.broadcast %rev3A_170 : i32 to vector<16xi32>
    %rev3A_172 = tpu.iota {dimensions = array<i32: 0>} : vector<16xi32>
    %rev3A_173 = arith.subi %rev3A_171, %rev3A_172 : vector<16xi32>
    %rev3A_174 = tpu.dynamic_gather %masked_cummax3A_169[%rev3A_173] in [0] : vector<16xi32>, vector<16xi32> -> vector<16xi32>
    %broadcast_in_dim3A_175 = arith.constant true
    %broadcast_in_dim3A_176 = vector.broadcast %broadcast_in_dim3A_175 : i1 to vector<16xi1>
    %masked_cummax3A_177 = arith.constant -2147483648 : i32
    %masked_cummax3A_178 = vector.broadcast %masked_cummax3A_177 : i32 to vector<16xi32>
    %masked_cummax3A_179 = arith.xori %rev3A_174, %masked_cummax3A_178 : vector<16xi32>
    %masked_cummax3A_180 = tpu.scan <max>, %masked_cummax3A_179 masked %broadcast_in_dim3A_176 : vector<16xi32>, vector<16xi1> -> vector<16xi32>
    %masked_cummax3A_181 = arith.xori %masked_cummax3A_180, %masked_cummax3A_178 : vector<16xi32>
    %eq3A_182 = arith.cmpi eq, %select_n3A_162, %masked_cummax3A_181 : vector<16xi32>
    %and3A_183 = arith.andi %and3A_156, %eq3A_182 : vector<16xi1>
    %not3A_184 = arith.constant dense<true> : vector<16xi1>
    %not3A_185 = arith.xori %and3A_183, %not3A_184 : vector<16xi1>
    %and3A_186 = arith.andi %and3A_139, %not3A_185 : vector<16xi1>
    %or3A_187 = arith.ori %or3A_140, %and3A_183 : vector<16xi1>
    %sub3A = arith.subf %get3A_5, %masked_cummax3A_18 : vector<16xf32>
    %exp3A = math.exp %sub3A : vector<16xf32>
    %jit3A_188 = arith.constant 0.000000e+00 : f32
    %broadcast_in_dim3A_189 = vector.broadcast %jit3A_188 : f32 to vector<16xf32>
    %select_n3A_190 = arith.select %or3A_187, %exp3A, %broadcast_in_dim3A_189 : vector<16xi1>, vector<16xf32>
    %broadcast_in_dim3A_191 = arith.constant true
    %broadcast_in_dim3A_192 = vector.broadcast %broadcast_in_dim3A_191 : i1 to vector<16xi1>
    %masked_cumsum3A = tpu.scan <sum>, %select_n3A_190 masked %broadcast_in_dim3A_192 : vector<16xf32>, vector<16xi1> -> vector<16xf32>
    %rev3A_193 = arith.constant 15 : i32
    %rev3A_194 = vector.broadcast %rev3A_193 : i32 to vector<16xi32>
    %rev3A_195 = tpu.iota {dimensions = array<i32: 0>} : vector<16xi32>
    %rev3A_196 = arith.subi %rev3A_194, %rev3A_195 : vector<16xi32>
    %rev3A_197 = tpu.dynamic_gather %masked_cumsum3A[%rev3A_196] in [0] : vector<16xf32>, vector<16xi32> -> vector<16xf32>
    %broadcast_in_dim3A_198 = arith.constant true
    %broadcast_in_dim3A_199 = vector.broadcast %broadcast_in_dim3A_198 : i1 to vector<16xi1>
    %masked_cummax3A_200 = tpu.scan <max>, %rev3A_197 masked %broadcast_in_dim3A_199 : vector<16xf32>, vector<16xi1> -> vector<16xf32>
    %div3A = arith.divf %select_n3A_190, %masked_cummax3A_200 : vector<16xf32>
    %swap3A = arith.constant 0 : i32
    %swap3A_201 = arith.index_cast %swap3A : i32 to index
    %swap3A_202 = arith.constant 0 : index
    %swap3A_203 = tpu.vector_load %arg5[%swap3A_201, %swap3A_202] {strides = array<i32>} : memref<8x16xf32, #tpu.memory_space<vmem>>, vector<16xf32>,
    tpu.vector_store %arg5[%swap3A_201, %swap3A_202], %div3A {strides = array<i32>} : memref<8x16xf32, #tpu.memory_space<vmem>>, vector<16xf32>,
    %get3A_204 = arith.constant 1 : i32
    %get3A_205 = arith.index_cast %get3A_204 : i32 to index
    %get3A_206 = arith.constant 0 : index
    %get3A_207 = tpu.vector_load %arg4[%get3A_205, %get3A_206] {strides = array<i32>} : memref<8x16xf32, #tpu.memory_space<vmem>>, vector<16xf32>,
    %broadcast_in_dim3A_208 = arith.constant true
    %broadcast_in_dim3A_209 = vector.broadcast %broadcast_in_dim3A_208 : i1 to vector<16xi1>
    %broadcast_in_dim3A_210 = arith.constant false
    %broadcast_in_dim3A_211 = vector.broadcast %broadcast_in_dim3A_210 : i1 to vector<16xi1>
    %jit3A_212 = arith.constant -1.000000e+30 : f32
    %broadcast_in_dim3A_213 = vector.broadcast %jit3A_212 : f32 to vector<16xf32>
    %select_n3A_214 = arith.select %broadcast_in_dim3A_209, %get3A_207, %broadcast_in_dim3A_213 : vector<16xi1>, vector<16xf32>
    %broadcast_in_dim3A_215 = arith.constant true
    %broadcast_in_dim3A_216 = vector.broadcast %broadcast_in_dim3A_215 : i1 to vector<16xi1>
    %masked_cummax3A_217 = tpu.scan <max>, %select_n3A_214 masked %broadcast_in_dim3A_216 : vector<16xf32>, vector<16xi1> -> vector<16xf32>
    %rev3A_218 = arith.constant 15 : i32
    %rev3A_219 = vector.broadcast %rev3A_218 : i32 to vector<16xi32>
    %rev3A_220 = tpu.iota {dimensions = array<i32: 0>} : vector<16xi32>
    %rev3A_221 = arith.subi %rev3A_219, %rev3A_220 : vector<16xi32>
    %rev3A_222 = tpu.dynamic_gather %masked_cummax3A_217[%rev3A_221] in [0] : vector<16xf32>, vector<16xi32> -> vector<16xf32>
    %broadcast_in_dim3A_223 = arith.constant true
    %broadcast_in_dim3A_224 = vector.broadcast %broadcast_in_dim3A_223 : i1 to vector<16xi1>
    %masked_cummax3A_225 = tpu.scan <max>, %rev3A_222 masked %broadcast_in_dim3A_224 : vector<16xf32>, vector<16xi1> -> vector<16xf32>
    %eq3A_226 = arith.cmpf oeq, %select_n3A_214, %masked_cummax3A_225 : vector<16xf32>
    %and3A_227 = arith.andi %eq3A_226, %broadcast_in_dim3A_209 : vector<16xi1>
    %neg3A_228 = arith.constant 0 : i32
    %neg3A_229 = vector.broadcast %neg3A_228 : i32 to vector<16xi32>
    %neg3A_230 = arith.subi %neg3A_229, %iota3A : vector<16xi32>
    %jit3A_231 = arith.constant -16 : i32
    %broadcast_in_dim3A_232 = vector.broadcast %jit3A_231 : i32 to vector<16xi32>
    %select_n3A_233 = arith.select %and3A_227, %neg3A_230, %broadcast_in_dim3A_232 : vector<16xi1>, vector<16xi32>
    %broadcast_in_dim3A_234 = arith.constant true
    %broadcast_in_dim3A_235 = vector.broadcast %broadcast_in_dim3A_234 : i1 to vector<16xi1>
    %masked_cummax3A_236 = arith.constant -2147483648 : i32
    %masked_cummax3A_237 = vector.broadcast %masked_cummax3A_236 : i32 to vector<16xi32>
    %masked_cummax3A_238 = arith.xori %select_n3A_233, %masked_cummax3A_237 : vector<16xi32>
    %masked_cummax3A_239 = tpu.scan <max>, %masked_cummax3A_238 masked %broadcast_in_dim3A_235 : vector<16xi32>, vector<16xi1> -> vector<16xi32>
    %masked_cummax3A_240 = arith.xori %masked_cummax3A_239, %masked_cummax3A_237 : vector<16xi32>
    %rev3A_241 = arith.constant 15 : i32
    %rev3A_242 = vector.broadcast %rev3A_241 : i32 to vector<16xi32>
    %rev3A_243 = tpu.iota {dimensions = array<i32: 0>} : vector<16xi32>
    %rev3A_244 = arith.subi %rev3A_242, %rev3A_243 : vector<16xi32>
    %rev3A_245 = tpu.dynamic_gather %masked_cummax3A_240[%rev3A_244] in [0] : vector<16xi32>, vector<16xi32> -> vector<16xi32>
    %broadcast_in_dim3A_246 = arith.constant true
    %broadcast_in_dim3A_247 = vector.broadcast %broadcast_in_dim3A_246 : i1 to vector<16xi1>
    %masked_cummax3A_248 = arith.constant -2147483648 : i32
    %masked_cummax3A_249 = vector.broadcast %masked_cummax3A_248 : i32 to vector<16xi32>
    %masked_cummax3A_250 = arith.xori %rev3A_245, %masked_cummax3A_249 : vector<16xi32>
    %masked_cummax3A_251 = tpu.scan <max>, %masked_cummax3A_250 masked %broadcast_in_dim3A_247 : vector<16xi32>, vector<16xi1> -> vector<16xi32>
    %masked_cummax3A_252 = arith.xori %masked_cummax3A_251, %masked_cummax3A_249 : vector<16xi32>
    %eq3A_253 = arith.cmpi eq, %select_n3A_233, %masked_cummax3A_252 : vector<16xi32>
    %and3A_254 = arith.andi %and3A_227, %eq3A_253 : vector<16xi1>
    %not3A_255 = arith.constant dense<true> : vector<16xi1>
    %not3A_256 = arith.xori %and3A_254, %not3A_255 : vector<16xi1>
    %and3A_257 = arith.andi %broadcast_in_dim3A_209, %not3A_256 : vector<16xi1>
    %or3A_258 = arith.ori %broadcast_in_dim3A_211, %and3A_254 : vector<16xi1>
    %jit3A_259 = arith.constant -1.000000e+30 : f32
    %broadcast_in_dim3A_260 = vector.broadcast %jit3A_259 : f32 to vector<16xf32>
    %select_n3A_261 = arith.select %and3A_257, %get3A_207, %broadcast_in_dim3A_260 : vector<16xi1>, vector<16xf32>
    %broadcast_in_dim3A_262 = arith.constant true
    %broadcast_in_dim3A_263 = vector.broadcast %broadcast_in_dim3A_262 : i1 to vector<16xi1>
    %masked_cummax3A_264 = tpu.scan <max>, %select_n3A_261 masked %broadcast_in_dim3A_263 : vector<16xf32>, vector<16xi1> -> vector<16xf32>
    %rev3A_265 = arith.constant 15 : i32
    %rev3A_266 = vector.broadcast %rev3A_265 : i32 to vector<16xi32>
    %rev3A_267 = tpu.iota {dimensions = array<i32: 0>} : vector<16xi32>
    %rev3A_268 = arith.subi %rev3A_266, %rev3A_267 : vector<16xi32>
    %rev3A_269 = tpu.dynamic_gather %masked_cummax3A_264[%rev3A_268] in [0] : vector<16xf32>, vector<16xi32> -> vector<16xf32>
    %broadcast_in_dim3A_270 = arith.constant true
    %broadcast_in_dim3A_271 = vector.broadcast %broadcast_in_dim3A_270 : i1 to vector<16xi1>
    %masked_cummax3A_272 = tpu.scan <max>, %rev3A_269 masked %broadcast_in_dim3A_271 : vector<16xf32>, vector<16xi1> -> vector<16xf32>
    %eq3A_273 = arith.cmpf oeq, %select_n3A_261, %masked_cummax3A_272 : vector<16xf32>
    %and3A_274 = arith.andi %eq3A_273, %and3A_257 : vector<16xi1>
    %neg3A_275 = arith.constant 0 : i32
    %neg3A_276 = vector.broadcast %neg3A_275 : i32 to vector<16xi32>
    %neg3A_277 = arith.subi %neg3A_276, %iota3A : vector<16xi32>
    %jit3A_278 = arith.constant -16 : i32
    %broadcast_in_dim3A_279 = vector.broadcast %jit3A_278 : i32 to vector<16xi32>
    %select_n3A_280 = arith.select %and3A_274, %neg3A_277, %broadcast_in_dim3A_279 : vector<16xi1>, vector<16xi32>
    %broadcast_in_dim3A_281 = arith.constant true
    %broadcast_in_dim3A_282 = vector.broadcast %broadcast_in_dim3A_281 : i1 to vector<16xi1>
    %masked_cummax3A_283 = arith.constant -2147483648 : i32
    %masked_cummax3A_284 = vector.broadcast %masked_cummax3A_283 : i32 to vector<16xi32>
    %masked_cummax3A_285 = arith.xori %select_n3A_280, %masked_cummax3A_284 : vector<16xi32>
    %masked_cummax3A_286 = tpu.scan <max>, %masked_cummax3A_285 masked %broadcast_in_dim3A_282 : vector<16xi32>, vector<16xi1> -> vector<16xi32>
    %masked_cummax3A_287 = arith.xori %masked_cummax3A_286, %masked_cummax3A_284 : vector<16xi32>
    %rev3A_288 = arith.constant 15 : i32
    %rev3A_289 = vector.broadcast %rev3A_288 : i32 to vector<16xi32>
    %rev3A_290 = tpu.iota {dimensions = array<i32: 0>} : vector<16xi32>
    %rev3A_291 = arith.subi %rev3A_289, %rev3A_290 : vector<16xi32>
    %rev3A_292 = tpu.dynamic_gather %masked_cummax3A_287[%rev3A_291] in [0] : vector<16xi32>, vector<16xi32> -> vector<16xi32>
    %broadcast_in_dim3A_293 = arith.constant true
    %broadcast_in_dim3A_294 = vector.broadcast %broadcast_in_dim3A_293 : i1 to vector<16xi1>
    %masked_cummax3A_295 = arith.constant -2147483648 : i32
    %masked_cummax3A_296 = vector.broadcast %masked_cummax3A_295 : i32 to vector<16xi32>
    %masked_cummax3A_297 = arith.xori %rev3A_292, %masked_cummax3A_296 : vector<16xi32>
    %masked_cummax3A_298 = tpu.scan <max>, %masked_cummax3A_297 masked %broadcast_in_dim3A_294 : vector<16xi32>, vector<16xi1> -> vector<16xi32>
    %masked_cummax3A_299 = arith.xori %masked_cummax3A_298, %masked_cummax3A_296 : vector<16xi32>
    %eq3A_300 = arith.cmpi eq, %select_n3A_280, %masked_cummax3A_299 : vector<16xi32>
    %and3A_301 = arith.andi %and3A_274, %eq3A_300 : vector<16xi1>
    %not3A_302 = arith.constant dense<true> : vector<16xi1>
    %not3A_303 = arith.xori %and3A_301, %not3A_302 : vector<16xi1>
    %and3A_304 = arith.andi %and3A_257, %not3A_303 : vector<16xi1>
    %or3A_305 = arith.ori %or3A_258, %and3A_301 : vector<16xi1>
    %jit3A_306 = arith.constant -1.000000e+30 : f32
    %broadcast_in_dim3A_307 = vector.broadcast %jit3A_306 : f32 to vector<16xf32>
    %select_n3A_308 = arith.select %and3A_304, %get3A_207, %broadcast_in_dim3A_307 : vector<16xi1>, vector<16xf32>
    %broadcast_in_dim3A_309 = arith.constant true
    %broadcast_in_dim3A_310 = vector.broadcast %broadcast_in_dim3A_309 : i1 to vector<16xi1>
    %masked_cummax3A_311 = tpu.scan <max>, %select_n3A_308 masked %broadcast_in_dim3A_310 : vector<16xf32>, vector<16xi1> -> vector<16xf32>
    %rev3A_312 = arith.constant 15 : i32
    %rev3A_313 = vector.broadcast %rev3A_312 : i32 to vector<16xi32>
    %rev3A_314 = tpu.iota {dimensions = array<i32: 0>} : vector<16xi32>
    %rev3A_315 = arith.subi %rev3A_313, %rev3A_314 : vector<16xi32>
    %rev3A_316 = tpu.dynamic_gather %masked_cummax3A_311[%rev3A_315] in [0] : vector<16xf32>, vector<16xi32> -> vector<16xf32>
    %broadcast_in_dim3A_317 = arith.constant true
    %broadcast_in_dim3A_318 = vector.broadcast %broadcast_in_dim3A_317 : i1 to vector<16xi1>
    %masked_cummax3A_319 = tpu.scan <max>, %rev3A_316 masked %broadcast_in_dim3A_318 : vector<16xf32>, vector<16xi1> -> vector<16xf32>
    %eq3A_320 = arith.cmpf oeq, %select_n3A_308, %masked_cummax3A_319 : vector<16xf32>
    %and3A_321 = arith.andi %eq3A_320, %and3A_304 : vector<16xi1>
    %neg3A_322 = arith.constant 0 : i32
    %neg3A_323 = vector.broadcast %neg3A_322 : i32 to vector<16xi32>
    %neg3A_324 = arith.subi %neg3A_323, %iota3A : vector<16xi32>
    %jit3A_325 = arith.constant -16 : i32
    %broadcast_in_dim3A_326 = vector.broadcast %jit3A_325 : i32 to vector<16xi32>
    %select_n3A_327 = arith.select %and3A_321, %neg3A_324, %broadcast_in_dim3A_326 : vector<16xi1>, vector<16xi32>
    %broadcast_in_dim3A_328 = arith.constant true
    %broadcast_in_dim3A_329 = vector.broadcast %broadcast_in_dim3A_328 : i1 to vector<16xi1>
    %masked_cummax3A_330 = arith.constant -2147483648 : i32
    %masked_cummax3A_331 = vector.broadcast %masked_cummax3A_330 : i32 to vector<16xi32>
    %masked_cummax3A_332 = arith.xori %select_n3A_327, %masked_cummax3A_331 : vector<16xi32>
    %masked_cummax3A_333 = tpu.scan <max>, %masked_cummax3A_332 masked %broadcast_in_dim3A_329 : vector<16xi32>, vector<16xi1> -> vector<16xi32>
    %masked_cummax3A_334 = arith.xori %masked_cummax3A_333, %masked_cummax3A_331 : vector<16xi32>
    %rev3A_335 = arith.constant 15 : i32
    %rev3A_336 = vector.broadcast %rev3A_335 : i32 to vector<16xi32>
    %rev3A_337 = tpu.iota {dimensions = array<i32: 0>} : vector<16xi32>
    %rev3A_338 = arith.subi %rev3A_336, %rev3A_337 : vector<16xi32>
    %rev3A_339 = tpu.dynamic_gather %masked_cummax3A_334[%rev3A_338] in [0] : vector<16xi32>, vector<16xi32> -> vector<16xi32>
    %broadcast_in_dim3A_340 = arith.constant true
    %broadcast_in_dim3A_341 = vector.broadcast %broadcast_in_dim3A_340 : i1 to vector<16xi1>
    %masked_cummax3A_342 = arith.constant -2147483648 : i32
    %masked_cummax3A_343 = vector.broadcast %masked_cummax3A_342 : i32 to vector<16xi32>
    %masked_cummax3A_344 = arith.xori %rev3A_339, %masked_cummax3A_343 : vector<16xi32>
    %masked_cummax3A_345 = tpu.scan <max>, %masked_cummax3A_344 masked %broadcast_in_dim3A_341 : vector<16xi32>, vector<16xi1> -> vector<16xi32>
    %masked_cummax3A_346 = arith.xori %masked_cummax3A_345, %masked_cummax3A_343 : vector<16xi32>
    %eq3A_347 = arith.cmpi eq, %select_n3A_327, %masked_cummax3A_346 : vector<16xi32>
    %and3A_348 = arith.andi %and3A_321, %eq3A_347 : vector<16xi1>
    %not3A_349 = arith.constant dense<true> : vector<16xi1>
    %not3A_350 = arith.xori %and3A_348, %not3A_349 : vector<16xi1>
    %and3A_351 = arith.andi %and3A_304, %not3A_350 : vector<16xi1>
    %or3A_352 = arith.ori %or3A_305, %and3A_348 : vector<16xi1>
    %jit3A_353 = arith.constant -1.000000e+30 : f32
    %broadcast_in_dim3A_354 = vector.broadcast %jit3A_353 : f32 to vector<16xf32>
    %select_n3A_355 = arith.select %and3A_351, %get3A_207, %broadcast_in_dim3A_354 : vector<16xi1>, vector<16xf32>
    %broadcast_in_dim3A_356 = arith.constant true
    %broadcast_in_dim3A_357 = vector.broadcast %broadcast_in_dim3A_356 : i1 to vector<16xi1>
    %masked_cummax3A_358 = tpu.scan <max>, %select_n3A_355 masked %broadcast_in_dim3A_357 : vector<16xf32>, vector<16xi1> -> vector<16xf32>
    %rev3A_359 = arith.constant 15 : i32
    %rev3A_360 = vector.broadcast %rev3A_359 : i32 to vector<16xi32>
    %rev3A_361 = tpu.iota {dimensions = array<i32: 0>} : vector<16xi32>
    %rev3A_362 = arith.subi %rev3A_360, %rev3A_361 : vector<16xi32>
    %rev3A_363 = tpu.dynamic_gather %masked_cummax3A_358[%rev3A_362] in [0] : vector<16xf32>, vector<16xi32> -> vector<16xf32>
    %broadcast_in_dim3A_364 = arith.constant true
    %broadcast_in_dim3A_365 = vector.broadcast %broadcast_in_dim3A_364 : i1 to vector<16xi1>
    %masked_cummax3A_366 = tpu.scan <max>, %rev3A_363 masked %broadcast_in_dim3A_365 : vector<16xf32>, vector<16xi1> -> vector<16xf32>
    %eq3A_367 = arith.cmpf oeq, %select_n3A_355, %masked_cummax3A_366 : vector<16xf32>
    %and3A_368 = arith.andi %eq3A_367, %and3A_351 : vector<16xi1>
    %neg3A_369 = arith.constant 0 : i32
    %neg3A_370 = vector.broadcast %neg3A_369 : i32 to vector<16xi32>
    %neg3A_371 = arith.subi %neg3A_370, %iota3A : vector<16xi32>
    %jit3A_372 = arith.constant -16 : i32
    %broadcast_in_dim3A_373 = vector.broadcast %jit3A_372 : i32 to vector<16xi32>
    %select_n3A_374 = arith.select %and3A_368, %neg3A_371, %broadcast_in_dim3A_373 : vector<16xi1>, vector<16xi32>
    %broadcast_in_dim3A_375 = arith.constant true
    %broadcast_in_dim3A_376 = vector.broadcast %broadcast_in_dim3A_375 : i1 to vector<16xi1>
    %masked_cummax3A_377 = arith.constant -2147483648 : i32
    %masked_cummax3A_378 = vector.broadcast %masked_cummax3A_377 : i32 to vector<16xi32>
    %masked_cummax3A_379 = arith.xori %select_n3A_374, %masked_cummax3A_378 : vector<16xi32>
    %masked_cummax3A_380 = tpu.scan <max>, %masked_cummax3A_379 masked %broadcast_in_dim3A_376 : vector<16xi32>, vector<16xi1> -> vector<16xi32>
    %masked_cummax3A_381 = arith.xori %masked_cummax3A_380, %masked_cummax3A_378 : vector<16xi32>
    %rev3A_382 = arith.constant 15 : i32
    %rev3A_383 = vector.broadcast %rev3A_382 : i32 to vector<16xi32>
    %rev3A_384 = tpu.iota {dimensions = array<i32: 0>} : vector<16xi32>
    %rev3A_385 = arith.subi %rev3A_383, %rev3A_384 : vector<16xi32>
    %rev3A_386 = tpu.dynamic_gather %masked_cummax3A_381[%rev3A_385] in [0] : vector<16xi32>, vector<16xi32> -> vector<16xi32>
    %broadcast_in_dim3A_387 = arith.constant true
    %broadcast_in_dim3A_388 = vector.broadcast %broadcast_in_dim3A_387 : i1 to vector<16xi1>
    %masked_cummax3A_389 = arith.constant -2147483648 : i32
    %masked_cummax3A_390 = vector.broadcast %masked_cummax3A_389 : i32 to vector<16xi32>
    %masked_cummax3A_391 = arith.xori %rev3A_386, %masked_cummax3A_390 : vector<16xi32>
    %masked_cummax3A_392 = tpu.scan <max>, %masked_cummax3A_391 masked %broadcast_in_dim3A_388 : vector<16xi32>, vector<16xi1> -> vector<16xi32>
    %masked_cummax3A_393 = arith.xori %masked_cummax3A_392, %masked_cummax3A_390 : vector<16xi32>
    %eq3A_394 = arith.cmpi eq, %select_n3A_374, %masked_cummax3A_393 : vector<16xi32>
    %and3A_395 = arith.andi %and3A_368, %eq3A_394 : vector<16xi1>
    %not3A_396 = arith.constant dense<true> : vector<16xi1>
    %not3A_397 = arith.xori %and3A_395, %not3A_396 : vector<16xi1>
    %and3A_398 = arith.andi %and3A_351, %not3A_397 : vector<16xi1>
    %or3A_399 = arith.ori %or3A_352, %and3A_395 : vector<16xi1>
    %sub3A_400 = arith.subf %get3A_207, %masked_cummax3A_225 : vector<16xf32>
    %exp3A_401 = math.exp %sub3A_400 : vector<16xf32>
    %jit3A_402 = arith.constant 0.000000e+00 : f32
    %broadcast_in_dim3A_403 = vector.broadcast %jit3A_402 : f32 to vector<16xf32>
    %select_n3A_404 = arith.select %or3A_399, %exp3A_401, %broadcast_in_dim3A_403 : vector<16xi1>, vector<16xf32>
    %broadcast_in_dim3A_405 = arith.constant true
    %broadcast_in_dim3A_406 = vector.broadcast %broadcast_in_dim3A_405 : i1 to vector<16xi1>
    %masked_cumsum3A_407 = tpu.scan <sum>, %select_n3A_404 masked %broadcast_in_dim3A_406 : vector<16xf32>, vector<16xi1> -> vector<16xf32>
    %rev3A_408 = arith.constant 15 : i32
    %rev3A_409 = vector.broadcast %rev3A_408 : i32 to vector<16xi32>
    %rev3A_410 = tpu.iota {dimensions = array<i32: 0>} : vector<16xi32>
    %rev3A_411 = arith.subi %rev3A_409, %rev3A_410 : vector<16xi32>
    %rev3A_412 = tpu.dynamic_gather %masked_cumsum3A_407[%rev3A_411] in [0] : vector<16xf32>, vector<16xi32> -> vector<16xf32>
    %broadcast_in_dim3A_413 = arith.constant true
    %broadcast_in_dim3A_414 = vector.broadcast %broadcast_in_dim3A_413 : i1 to vector<16xi1>
    %masked_cummax3A_415 = tpu.scan <max>, %rev3A_412 masked %broadcast_in_dim3A_414 : vector<16xf32>, vector<16xi1> -> vector<16xf32>
    %div3A_416 = arith.divf %select_n3A_404, %masked_cummax3A_415 : vector<16xf32>
    %swap3A_417 = arith.constant 1 : i32
    %swap3A_418 = arith.index_cast %swap3A_417 : i32 to index
    %swap3A_419 = arith.constant 0 : index
    %swap3A_420 = tpu.vector_load %arg5[%swap3A_418, %swap3A_419] {strides = array<i32>} : memref<8x16xf32, #tpu.memory_space<vmem>>, vector<16xf32>,
    tpu.vector_store %arg5[%swap3A_418, %swap3A_419], %div3A_416 {strides = array<i32>} : memref<8x16xf32, #tpu.memory_space<vmem>>, vector<16xf32>,
    %get3A_421 = arith.constant 2 : i32
    %get3A_422 = arith.index_cast %get3A_421 : i32 to index
    %get3A_423 = arith.constant 0 : index
    %get3A_424 = tpu.vector_load %arg4[%get3A_422, %get3A_423] {strides = array<i32>} : memref<8x16xf32, #tpu.memory_space<vmem>>, vector<16xf32>,
    %broadcast_in_dim3A_425 = arith.constant true
    %broadcast_in_dim3A_426 = vector.broadcast %broadcast_in_dim3A_425 : i1 to vector<16xi1>
    %broadcast_in_dim3A_427 = arith.constant false
    %broadcast_in_dim3A_428 = vector.broadcast %broadcast_in_dim3A_427 : i1 to vector<16xi1>
    %jit3A_429 = arith.constant -1.000000e+30 : f32
    %broadcast_in_dim3A_430 = vector.broadcast %jit3A_429 : f32 to vector<16xf32>
    %select_n3A_431 = arith.select %broadcast_in_dim3A_426, %get3A_424, %broadcast_in_dim3A_430 : vector<16xi1>, vector<16xf32>
    %broadcast_in_dim3A_432 = arith.constant true
    %broadcast_in_dim3A_433 = vector.broadcast %broadcast_in_dim3A_432 : i1 to vector<16xi1>
    %masked_cummax3A_434 = tpu.scan <max>, %select_n3A_431 masked %broadcast_in_dim3A_433 : vector<16xf32>, vector<16xi1> -> vector<16xf32>
    %rev3A_435 = arith.constant 15 : i32
    %rev3A_436 = vector.broadcast %rev3A_435 : i32 to vector<16xi32>
    %rev3A_437 = tpu.iota {dimensions = array<i32: 0>} : vector<16xi32>
    %rev3A_438 = arith.subi %rev3A_436, %rev3A_437 : vector<16xi32>
    %rev3A_439 = tpu.dynamic_gather %masked_cummax3A_434[%rev3A_438] in [0] : vector<16xf32>, vector<16xi32> -> vector<16xf32>
    %broadcast_in_dim3A_440 = arith.constant true
    %broadcast_in_dim3A_441 = vector.broadcast %broadcast_in_dim3A_440 : i1 to vector<16xi1>
    %masked_cummax3A_442 = tpu.scan <max>, %rev3A_439 masked %broadcast_in_dim3A_441 : vector<16xf32>, vector<16xi1> -> vector<16xf32>
    %eq3A_443 = arith.cmpf oeq, %select_n3A_431, %masked_cummax3A_442 : vector<16xf32>
    %and3A_444 = arith.andi %eq3A_443, %broadcast_in_dim3A_426 : vector<16xi1>
    %neg3A_445 = arith.constant 0 : i32
    %neg3A_446 = vector.broadcast %neg3A_445 : i32 to vector<16xi32>
    %neg3A_447 = arith.subi %neg3A_446, %iota3A : vector<16xi32>
    %jit3A_448 = arith.constant -16 : i32
    %broadcast_in_dim3A_449 = vector.broadcast %jit3A_448 : i32 to vector<16xi32>
    %select_n3A_450 = arith.select %and3A_444, %neg3A_447, %broadcast_in_dim3A_449 : vector<16xi1>, vector<16xi32>
    %broadcast_in_dim3A_451 = arith.constant true
    %broadcast_in_dim3A_452 = vector.broadcast %broadcast_in_dim3A_451 : i1 to vector<16xi1>
    %masked_cummax3A_453 = arith.constant -2147483648 : i32
    %masked_cummax3A_454 = vector.broadcast %masked_cummax3A_453 : i32 to vector<16xi32>
    %masked_cummax3A_455 = arith.xori %select_n3A_450, %masked_cummax3A_454 : vector<16xi32>
    %masked_cummax3A_456 = tpu.scan <max>, %masked_cummax3A_455 masked %broadcast_in_dim3A_452 : vector<16xi32>, vector<16xi1> -> vector<16xi32>
    %masked_cummax3A_457 = arith.xori %masked_cummax3A_456, %masked_cummax3A_454 : vector<16xi32>
    %rev3A_458 = arith.constant 15 : i32
    %rev3A_459 = vector.broadcast %rev3A_458 : i32 to vector<16xi32>
    %rev3A_460 = tpu.iota {dimensions = array<i32: 0>} : vector<16xi32>
    %rev3A_461 = arith.subi %rev3A_459, %rev3A_460 : vector<16xi32>
    %rev3A_462 = tpu.dynamic_gather %masked_cummax3A_457[%rev3A_461] in [0] : vector<16xi32>, vector<16xi32> -> vector<16xi32>
    %broadcast_in_dim3A_463 = arith.constant true
    %broadcast_in_dim3A_464 = vector.broadcast %broadcast_in_dim3A_463 : i1 to vector<16xi1>
    %masked_cummax3A_465 = arith.constant -2147483648 : i32
    %masked_cummax3A_466 = vector.broadcast %masked_cummax3A_465 : i32 to vector<16xi32>
    %masked_cummax3A_467 = arith.xori %rev3A_462, %masked_cummax3A_466 : vector<16xi32>
    %masked_cummax3A_468 = tpu.scan <max>, %masked_cummax3A_467 masked %broadcast_in_dim3A_464 : vector<16xi32>, vector<16xi1> -> vector<16xi32>
    %masked_cummax3A_469 = arith.xori %masked_cummax3A_468, %masked_cummax3A_466 : vector<16xi32>
    %eq3A_470 = arith.cmpi eq, %select_n3A_450, %masked_cummax3A_469 : vector<16xi32>
    %and3A_471 = arith.andi %and3A_444, %eq3A_470 : vector<16xi1>
    %not3A_472 = arith.constant dense<true> : vector<16xi1>
    %not3A_473 = arith.xori %and3A_471, %not3A_472 : vector<16xi1>
    %and3A_474 = arith.andi %broadcast_in_dim3A_426, %not3A_473 : vector<16xi1>
    %or3A_475 = arith.ori %broadcast_in_dim3A_428, %and3A_471 : vector<16xi1>
    %jit3A_476 = arith.constant -1.000000e+30 : f32
    %broadcast_in_dim3A_477 = vector.broadcast %jit3A_476 : f32 to vector<16xf32>
    %select_n3A_478 = arith.select %and3A_474, %get3A_424, %broadcast_in_dim3A_477 : vector<16xi1>, vector<16xf32>
    %broadcast_in_dim3A_479 = arith.constant true
    %broadcast_in_dim3A_480 = vector.broadcast %broadcast_in_dim3A_479 : i1 to vector<16xi1>
    %masked_cummax3A_481 = tpu.scan <max>, %select_n3A_478 masked %broadcast_in_dim3A_480 : vector<16xf32>, vector<16xi1> -> vector<16xf32>
    %rev3A_482 = arith.constant 15 : i32
    %rev3A_483 = vector.broadcast %rev3A_482 : i32 to vector<16xi32>
    %rev3A_484 = tpu.iota {dimensions = array<i32: 0>} : vector<16xi32>
    %rev3A_485 = arith.subi %rev3A_483, %rev3A_484 : vector<16xi32>
    %rev3A_486 = tpu.dynamic_gather %masked_cummax3A_481[%rev3A_485] in [0] : vector<16xf32>, vector<16xi32> -> vector<16xf32>
    %broadcast_in_dim3A_487 = arith.constant true
    %broadcast_in_dim3A_488 = vector.broadcast %broadcast_in_dim3A_487 : i1 to vector<16xi1>
    %masked_cummax3A_489 = tpu.scan <max>, %rev3A_486 masked %broadcast_in_dim3A_488 : vector<16xf32>, vector<16xi1> -> vector<16xf32>
    %eq3A_490 = arith.cmpf oeq, %select_n3A_478, %masked_cummax3A_489 : vector<16xf32>
    %and3A_491 = arith.andi %eq3A_490, %and3A_474 : vector<16xi1>
    %neg3A_492 = arith.constant 0 : i32
    %neg3A_493 = vector.broadcast %neg3A_492 : i32 to vector<16xi32>
    %neg3A_494 = arith.subi %neg3A_493, %iota3A : vector<16xi32>
    %jit3A_495 = arith.constant -16 : i32
    %broadcast_in_dim3A_496 = vector.broadcast %jit3A_495 : i32 to vector<16xi32>
    %select_n3A_497 = arith.select %and3A_491, %neg3A_494, %broadcast_in_dim3A_496 : vector<16xi1>, vector<16xi32>
    %broadcast_in_dim3A_498 = arith.constant true
    %broadcast_in_dim3A_499 = vector.broadcast %broadcast_in_dim3A_498 : i1 to vector<16xi1>
    %masked_cummax3A_500 = arith.constant -2147483648 : i32
    %masked_cummax3A_501 = vector.broadcast %masked_cummax3A_500 : i32 to vector<16xi32>
    %masked_cummax3A_502 = arith.xori %select_n3A_497, %masked_cummax3A_501 : vector<16xi32>
    %masked_cummax3A_503 = tpu.scan <max>, %masked_cummax3A_502 masked %broadcast_in_dim3A_499 : vector<16xi32>, vector<16xi1> -> vector<16xi32>
    %masked_cummax3A_504 = arith.xori %masked_cummax3A_503, %masked_cummax3A_501 : vector<16xi32>
    %rev3A_505 = arith.constant 15 : i32
    %rev3A_506 = vector.broadcast %rev3A_505 : i32 to vector<16xi32>
    %rev3A_507 = tpu.iota {dimensions = array<i32: 0>} : vector<16xi32>
    %rev3A_508 = arith.subi %rev3A_506, %rev3A_507 : vector<16xi32>
    %rev3A_509 = tpu.dynamic_gather %masked_cummax3A_504[%rev3A_508] in [0] : vector<16xi32>, vector<16xi32> -> vector<16xi32>
    %broadcast_in_dim3A_510 = arith.constant true
    %broadcast_in_dim3A_511 = vector.broadcast %broadcast_in_dim3A_510 : i1 to vector<16xi1>
    %masked_cummax3A_512 = arith.constant -2147483648 : i32
    %masked_cummax3A_513 = vector.broadcast %masked_cummax3A_512 : i32 to vector<16xi32>
    %masked_cummax3A_514 = arith.xori %rev3A_509, %masked_cummax3A_513 : vector<16xi32>
    %masked_cummax3A_515 = tpu.scan <max>, %masked_cummax3A_514 masked %broadcast_in_dim3A_511 : vector<16xi32>, vector<16xi1> -> vector<16xi32>
    %masked_cummax3A_516 = arith.xori %masked_cummax3A_515, %masked_cummax3A_513 : vector<16xi32>
    %eq3A_517 = arith.cmpi eq, %select_n3A_497, %masked_cummax3A_516 : vector<16xi32>
    %and3A_518 = arith.andi %and3A_491, %eq3A_517 : vector<16xi1>
    %not3A_519 = arith.constant dense<true> : vector<16xi1>
    %not3A_520 = arith.xori %and3A_518, %not3A_519 : vector<16xi1>
    %and3A_521 = arith.andi %and3A_474, %not3A_520 : vector<16xi1>
    %or3A_522 = arith.ori %or3A_475, %and3A_518 : vector<16xi1>
    %jit3A_523 = arith.constant -1.000000e+30 : f32
    %broadcast_in_dim3A_524 = vector.broadcast %jit3A_523 : f32 to vector<16xf32>
    %select_n3A_525 = arith.select %and3A_521, %get3A_424, %broadcast_in_dim3A_524 : vector<16xi1>, vector<16xf32>
    %broadcast_in_dim3A_526 = arith.constant true
    %broadcast_in_dim3A_527 = vector.broadcast %broadcast_in_dim3A_526 : i1 to vector<16xi1>
    %masked_cummax3A_528 = tpu.scan <max>, %select_n3A_525 masked %broadcast_in_dim3A_527 : vector<16xf32>, vector<16xi1> -> vector<16xf32>
    %rev3A_529 = arith.constant 15 : i32
    %rev3A_530 = vector.broadcast %rev3A_529 : i32 to vector<16xi32>
    %rev3A_531 = tpu.iota {dimensions = array<i32: 0>} : vector<16xi32>
    %rev3A_532 = arith.subi %rev3A_530, %rev3A_531 : vector<16xi32>
    %rev3A_533 = tpu.dynamic_gather %masked_cummax3A_528[%rev3A_532] in [0] : vector<16xf32>, vector<16xi32> -> vector<16xf32>
    %broadcast_in_dim3A_534 = arith.constant true
    %broadcast_in_dim3A_535 = vector.broadcast %broadcast_in_dim3A_534 : i1 to vector<16xi1>
    %masked_cummax3A_536 = tpu.scan <max>, %rev3A_533 masked %broadcast_in_dim3A_535 : vector<16xf32>, vector<16xi1> -> vector<16xf32>
    %eq3A_537 = arith.cmpf oeq, %select_n3A_525, %masked_cummax3A_536 : vector<16xf32>
    %and3A_538 = arith.andi %eq3A_537, %and3A_521 : vector<16xi1>
    %neg3A_539 = arith.constant 0 : i32
    %neg3A_540 = vector.broadcast %neg3A_539 : i32 to vector<16xi32>
    %neg3A_541 = arith.subi %neg3A_540, %iota3A : vector<16xi32>
    %jit3A_542 = arith.constant -16 : i32
    %broadcast_in_dim3A_543 = vector.broadcast %jit3A_542 : i32 to vector<16xi32>
    %select_n3A_544 = arith.select %and3A_538, %neg3A_541, %broadcast_in_dim3A_543 : vector<16xi1>, vector<16xi32>
    %broadcast_in_dim3A_545 = arith.constant true
    %broadcast_in_dim3A_546 = vector.broadcast %broadcast_in_dim3A_545 : i1 to vector<16xi1>
    %masked_cummax3A_547 = arith.constant -2147483648 : i32
    %masked_cummax3A_548 = vector.broadcast %masked_cummax3A_547 : i32 to vector<16xi32>
    %masked_cummax3A_549 = arith.xori %select_n3A_544, %masked_cummax3A_548 : vector<16xi32>
    %masked_cummax3A_550 = tpu.scan <max>, %masked_cummax3A_549 masked %broadcast_in_dim3A_546 : vector<16xi32>, vector<16xi1> -> vector<16xi32>
    %masked_cummax3A_551 = arith.xori %masked_cummax3A_550, %masked_cummax3A_548 : vector<16xi32>
    %rev3A_552 = arith.constant 15 : i32
    %rev3A_553 = vector.broadcast %rev3A_552 : i32 to vector<16xi32>
    %rev3A_554 = tpu.iota {dimensions = array<i32: 0>} : vector<16xi32>
    %rev3A_555 = arith.subi %rev3A_553, %rev3A_554 : vector<16xi32>
    %rev3A_556 = tpu.dynamic_gather %masked_cummax3A_551[%rev3A_555] in [0] : vector<16xi32>, vector<16xi32> -> vector<16xi32>
    %broadcast_in_dim3A_557 = arith.constant true
    %broadcast_in_dim3A_558 = vector.broadcast %broadcast_in_dim3A_557 : i1 to vector<16xi1>
    %masked_cummax3A_559 = arith.constant -2147483648 : i32
    %masked_cummax3A_560 = vector.broadcast %masked_cummax3A_559 : i32 to vector<16xi32>
    %masked_cummax3A_561 = arith.xori %rev3A_556, %masked_cummax3A_560 : vector<16xi32>
    %masked_cummax3A_562 = tpu.scan <max>, %masked_cummax3A_561 masked %broadcast_in_dim3A_558 : vector<16xi32>, vector<16xi1> -> vector<16xi32>
    %masked_cummax3A_563 = arith.xori %masked_cummax3A_562, %masked_cummax3A_560 : vector<16xi32>
    %eq3A_564 = arith.cmpi eq, %select_n3A_544, %masked_cummax3A_563 : vector<16xi32>
    %and3A_565 = arith.andi %and3A_538, %eq3A_564 : vector<16xi1>
    %not3A_566 = arith.constant dense<true> : vector<16xi1>
    %not3A_567 = arith.xori %and3A_565, %not3A_566 : vector<16xi1>
    %and3A_568 = arith.andi %and3A_521, %not3A_567 : vector<16xi1>
    %or3A_569 = arith.ori %or3A_522, %and3A_565 : vector<16xi1>
    %jit3A_570 = arith.constant -1.000000e+30 : f32
    %broadcast_in_dim3A_571 = vector.broadcast %jit3A_570 : f32 to vector<16xf32>
    %select_n3A_572 = arith.select %and3A_568, %get3A_424, %broadcast_in_dim3A_571 : vector<16xi1>, vector<16xf32>
    %broadcast_in_dim3A_573 = arith.constant true
    %broadcast_in_dim3A_574 = vector.broadcast %broadcast_in_dim3A_573 : i1 to vector<16xi1>
    %masked_cummax3A_575 = tpu.scan <max>, %select_n3A_572 masked %broadcast_in_dim3A_574 : vector<16xf32>, vector<16xi1> -> vector<16xf32>
    %rev3A_576 = arith.constant 15 : i32
    %rev3A_577 = vector.broadcast %rev3A_576 : i32 to vector<16xi32>
    %rev3A_578 = tpu.iota {dimensions = array<i32: 0>} : vector<16xi32>
    %rev3A_579 = arith.subi %rev3A_577, %rev3A_578 : vector<16xi32>
    %rev3A_580 = tpu.dynamic_gather %masked_cummax3A_575[%rev3A_579] in [0] : vector<16xf32>, vector<16xi32> -> vector<16xf32>
    %broadcast_in_dim3A_581 = arith.constant true
    %broadcast_in_dim3A_582 = vector.broadcast %broadcast_in_dim3A_581 : i1 to vector<16xi1>
    %masked_cummax3A_583 = tpu.scan <max>, %rev3A_580 masked %broadcast_in_dim3A_582 : vector<16xf32>, vector<16xi1> -> vector<16xf32>
    %eq3A_584 = arith.cmpf oeq, %select_n3A_572, %masked_cummax3A_583 : vector<16xf32>
    %and3A_585 = arith.andi %eq3A_584, %and3A_568 : vector<16xi1>
    %neg3A_586 = arith.constant 0 : i32
    %neg3A_587 = vector.broadcast %neg3A_586 : i32 to vector<16xi32>
    %neg3A_588 = arith.subi %neg3A_587, %iota3A : vector<16xi32>
    %jit3A_589 = arith.constant -16 : i32
    %broadcast_in_dim3A_590 = vector.broadcast %jit3A_589 : i32 to vector<16xi32>
    %select_n3A_591 = arith.select %and3A_585, %neg3A_588, %broadcast_in_dim3A_590 : vector<16xi1>, vector<16xi32>
    %broadcast_in_dim3A_592 = arith.constant true
    %broadcast_in_dim3A_593 = vector.broadcast %broadcast_in_dim3A_592 : i1 to vector<16xi1>
    %masked_cummax3A_594 = arith.constant -2147483648 : i32
    %masked_cummax3A_595 = vector.broadcast %masked_cummax3A_594 : i32 to vector<16xi32>
    %masked_cummax3A_596 = arith.xori %select_n3A_591, %masked_cummax3A_595 : vector<16xi32>
    %masked_cummax3A_597 = tpu.scan <max>, %masked_cummax3A_596 masked %broadcast_in_dim3A_593 : vector<16xi32>, vector<16xi1> -> vector<16xi32>
    %masked_cummax3A_598 = arith.xori %masked_cummax3A_597, %masked_cummax3A_595 : vector<16xi32>
    %rev3A_599 = arith.constant 15 : i32
    %rev3A_600 = vector.broadcast %rev3A_599 : i32 to vector<16xi32>
    %rev3A_601 = tpu.iota {dimensions = array<i32: 0>} : vector<16xi32>
    %rev3A_602 = arith.subi %rev3A_600, %rev3A_601 : vector<16xi32>
    %rev3A_603 = tpu.dynamic_gather %masked_cummax3A_598[%rev3A_602] in [0] : vector<16xi32>, vector<16xi32> -> vector<16xi32>
    %broadcast_in_dim3A_604 = arith.constant true
    %broadcast_in_dim3A_605 = vector.broadcast %broadcast_in_dim3A_604 : i1 to vector<16xi1>
    %masked_cummax3A_606 = arith.constant -2147483648 : i32
    %masked_cummax3A_607 = vector.broadcast %masked_cummax3A_606 : i32 to vector<16xi32>
    %masked_cummax3A_608 = arith.xori %rev3A_603, %masked_cummax3A_607 : vector<16xi32>
    %masked_cummax3A_609 = tpu.scan <max>, %masked_cummax3A_608 masked %broadcast_in_dim3A_605 : vector<16xi32>, vector<16xi1> -> vector<16xi32>
    %masked_cummax3A_610 = arith.xori %masked_cummax3A_609, %masked_cummax3A_607 : vector<16xi32>
    %eq3A_611 = arith.cmpi eq, %select_n3A_591, %masked_cummax3A_610 : vector<16xi32>
    %and3A_612 = arith.andi %and3A_585, %eq3A_611 : vector<16xi1>
    %not3A_613 = arith.constant dense<true> : vector<16xi1>
    %not3A_614 = arith.xori %and3A_612, %not3A_613 : vector<16xi1>
    %and3A_615 = arith.andi %and3A_568, %not3A_614 : vector<16xi1>
    %or3A_616 = arith.ori %or3A_569, %and3A_612 : vector<16xi1>
    %sub3A_617 = arith.subf %get3A_424, %masked_cummax3A_442 : vector<16xf32>
    %exp3A_618 = math.exp %sub3A_617 : vector<16xf32>
    %jit3A_619 = arith.constant 0.000000e+00 : f32
    %broadcast_in_dim3A_620 = vector.broadcast %jit3A_619 : f32 to vector<16xf32>
    %select_n3A_621 = arith.select %or3A_616, %exp3A_618, %broadcast_in_dim3A_620 : vector<16xi1>, vector<16xf32>
    %broadcast_in_dim3A_622 = arith.constant true
    %broadcast_in_dim3A_623 = vector.broadcast %broadcast_in_dim3A_622 : i1 to vector<16xi1>
    %masked_cumsum3A_624 = tpu.scan <sum>, %select_n3A_621 masked %broadcast_in_dim3A_623 : vector<16xf32>, vector<16xi1> -> vector<16xf32>
    %rev3A_625 = arith.constant 15 : i32
    %rev3A_626 = vector.broadcast %rev3A_625 : i32 to vector<16xi32>
    %rev3A_627 = tpu.iota {dimensions = array<i32: 0>} : vector<16xi32>
    %rev3A_628 = arith.subi %rev3A_626, %rev3A_627 : vector<16xi32>
    %rev3A_629 = tpu.dynamic_gather %masked_cumsum3A_624[%rev3A_628] in [0] : vector<16xf32>, vector<16xi32> -> vector<16xf32>
    %broadcast_in_dim3A_630 = arith.constant true
    %broadcast_in_dim3A_631 = vector.broadcast %broadcast_in_dim3A_630 : i1 to vector<16xi1>
    %masked_cummax3A_632 = tpu.scan <max>, %rev3A_629 masked %broadcast_in_dim3A_631 : vector<16xf32>, vector<16xi1> -> vector<16xf32>
    %div3A_633 = arith.divf %select_n3A_621, %masked_cummax3A_632 : vector<16xf32>
    %swap3A_634 = arith.constant 2 : i32
    %swap3A_635 = arith.index_cast %swap3A_634 : i32 to index
    %swap3A_636 = arith.constant 0 : index
    %swap3A_637 = tpu.vector_load %arg5[%swap3A_635, %swap3A_636] {strides = array<i32>} : memref<8x16xf32, #tpu.memory_space<vmem>>, vector<16xf32>,
    tpu.vector_store %arg5[%swap3A_635, %swap3A_636], %div3A_633 {strides = array<i32>} : memref<8x16xf32, #tpu.memory_space<vmem>>, vector<16xf32>,
    %get3A_638 = arith.constant 3 : i32
    %get3A_639 = arith.index_cast %get3A_638 : i32 to index
    %get3A_640 = arith.constant 0 : index
    %get3A_641 = tpu.vector_load %arg4[%get3A_639, %get3A_640] {strides = array<i32>} : memref<8x16xf32, #tpu.memory_space<vmem>>, vector<16xf32>,
    %broadcast_in_dim3A_642 = arith.constant true
    %broadcast_in_dim3A_643 = vector.broadcast %broadcast_in_dim3A_642 : i1 to vector<16xi1>
    %broadcast_in_dim3A_644 = arith.constant false
    %broadcast_in_dim3A_645 = vector.broadcast %broadcast_in_dim3A_644 : i1 to vector<16xi1>
    %jit3A_646 = arith.constant -1.000000e+30 : f32
    %broadcast_in_dim3A_647 = vector.broadcast %jit3A_646 : f32 to vector<16xf32>
    %select_n3A_648 = arith.select %broadcast_in_dim3A_643, %get3A_641, %broadcast_in_dim3A_647 : vector<16xi1>, vector<16xf32>
    %broadcast_in_dim3A_649 = arith.constant true
    %broadcast_in_dim3A_650 = vector.broadcast %broadcast_in_dim3A_649 : i1 to vector<16xi1>
    %masked_cummax3A_651 = tpu.scan <max>, %select_n3A_648 masked %broadcast_in_dim3A_650 : vector<16xf32>, vector<16xi1> -> vector<16xf32>
    %rev3A_652 = arith.constant 15 : i32
    %rev3A_653 = vector.broadcast %rev3A_652 : i32 to vector<16xi32>
    %rev3A_654 = tpu.iota {dimensions = array<i32: 0>} : vector<16xi32>
    %rev3A_655 = arith.subi %rev3A_653, %rev3A_654 : vector<16xi32>
    %rev3A_656 = tpu.dynamic_gather %masked_cummax3A_651[%rev3A_655] in [0] : vector<16xf32>, vector<16xi32> -> vector<16xf32>
    %broadcast_in_dim3A_657 = arith.constant true
    %broadcast_in_dim3A_658 = vector.broadcast %broadcast_in_dim3A_657 : i1 to vector<16xi1>
    %masked_cummax3A_659 = tpu.scan <max>, %rev3A_656 masked %broadcast_in_dim3A_658 : vector<16xf32>, vector<16xi1> -> vector<16xf32>
    %eq3A_660 = arith.cmpf oeq, %select_n3A_648, %masked_cummax3A_659 : vector<16xf32>
    %and3A_661 = arith.andi %eq3A_660, %broadcast_in_dim3A_643 : vector<16xi1>
    %neg3A_662 = arith.constant 0 : i32
    %neg3A_663 = vector.broadcast %neg3A_662 : i32 to vector<16xi32>
    %neg3A_664 = arith.subi %neg3A_663, %iota3A : vector<16xi32>
    %jit3A_665 = arith.constant -16 : i32
    %broadcast_in_dim3A_666 = vector.broadcast %jit3A_665 : i32 to vector<16xi32>
    %select_n3A_667 = arith.select %and3A_661, %neg3A_664, %broadcast_in_dim3A_666 : vector<16xi1>, vector<16xi32>
    %broadcast_in_dim3A_668 = arith.constant true
    %broadcast_in_dim3A_669 = vector.broadcast %broadcast_in_dim3A_668 : i1 to vector<16xi1>
    %masked_cummax3A_670 = arith.constant -2147483648 : i32
    %masked_cummax3A_671 = vector.broadcast %masked_cummax3A_670 : i32 to vector<16xi32>
    %masked_cummax3A_672 = arith.xori %select_n3A_667, %masked_cummax3A_671 : vector<16xi32>
    %masked_cummax3A_673 = tpu.scan <max>, %masked_cummax3A_672 masked %broadcast_in_dim3A_669 : vector<16xi32>, vector<16xi1> -> vector<16xi32>
    %masked_cummax3A_674 = arith.xori %masked_cummax3A_673, %masked_cummax3A_671 : vector<16xi32>
    %rev3A_675 = arith.constant 15 : i32
    %rev3A_676 = vector.broadcast %rev3A_675 : i32 to vector<16xi32>
    %rev3A_677 = tpu.iota {dimensions = array<i32: 0>} : vector<16xi32>
    %rev3A_678 = arith.subi %rev3A_676, %rev3A_677 : vector<16xi32>
    %rev3A_679 = tpu.dynamic_gather %masked_cummax3A_674[%rev3A_678] in [0] : vector<16xi32>, vector<16xi32> -> vector<16xi32>
    %broadcast_in_dim3A_680 = arith.constant true
    %broadcast_in_dim3A_681 = vector.broadcast %broadcast_in_dim3A_680 : i1 to vector<16xi1>
    %masked_cummax3A_682 = arith.constant -2147483648 : i32
    %masked_cummax3A_683 = vector.broadcast %masked_cummax3A_682 : i32 to vector<16xi32>
    %masked_cummax3A_684 = arith.xori %rev3A_679, %masked_cummax3A_683 : vector<16xi32>
    %masked_cummax3A_685 = tpu.scan <max>, %masked_cummax3A_684 masked %broadcast_in_dim3A_681 : vector<16xi32>, vector<16xi1> -> vector<16xi32>
    %masked_cummax3A_686 = arith.xori %masked_cummax3A_685, %masked_cummax3A_683 : vector<16xi32>
    %eq3A_687 = arith.cmpi eq, %select_n3A_667, %masked_cummax3A_686 : vector<16xi32>
    %and3A_688 = arith.andi %and3A_661, %eq3A_687 : vector<16xi1>
    %not3A_689 = arith.constant dense<true> : vector<16xi1>
    %not3A_690 = arith.xori %and3A_688, %not3A_689 : vector<16xi1>
    %and3A_691 = arith.andi %broadcast_in_dim3A_643, %not3A_690 : vector<16xi1>
    %or3A_692 = arith.ori %broadcast_in_dim3A_645, %and3A_688 : vector<16xi1>
    %jit3A_693 = arith.constant -1.000000e+30 : f32
    %broadcast_in_dim3A_694 = vector.broadcast %jit3A_693 : f32 to vector<16xf32>
    %select_n3A_695 = arith.select %and3A_691, %get3A_641, %broadcast_in_dim3A_694 : vector<16xi1>, vector<16xf32>
    %broadcast_in_dim3A_696 = arith.constant true
    %broadcast_in_dim3A_697 = vector.broadcast %broadcast_in_dim3A_696 : i1 to vector<16xi1>
    %masked_cummax3A_698 = tpu.scan <max>, %select_n3A_695 masked %broadcast_in_dim3A_697 : vector<16xf32>, vector<16xi1> -> vector<16xf32>
    %rev3A_699 = arith.constant 15 : i32
    %rev3A_700 = vector.broadcast %rev3A_699 : i32 to vector<16xi32>
    %rev3A_701 = tpu.iota {dimensions = array<i32: 0>} : vector<16xi32>
    %rev3A_702 = arith.subi %rev3A_700, %rev3A_701 : vector<16xi32>
    %rev3A_703 = tpu.dynamic_gather %masked_cummax3A_698[%rev3A_702] in [0] : vector<16xf32>, vector<16xi32> -> vector<16xf32>
    %broadcast_in_dim3A_704 = arith.constant true
    %broadcast_in_dim3A_705 = vector.broadcast %broadcast_in_dim3A_704 : i1 to vector<16xi1>
    %masked_cummax3A_706 = tpu.scan <max>, %rev3A_703 masked %broadcast_in_dim3A_705 : vector<16xf32>, vector<16xi1> -> vector<16xf32>
    %eq3A_707 = arith.cmpf oeq, %select_n3A_695, %masked_cummax3A_706 : vector<16xf32>
    %and3A_708 = arith.andi %eq3A_707, %and3A_691 : vector<16xi1>
    %neg3A_709 = arith.constant 0 : i32
    %neg3A_710 = vector.broadcast %neg3A_709 : i32 to vector<16xi32>
    %neg3A_711 = arith.subi %neg3A_710, %iota3A : vector<16xi32>
    %jit3A_712 = arith.constant -16 : i32
    %broadcast_in_dim3A_713 = vector.broadcast %jit3A_712 : i32 to vector<16xi32>
    %select_n3A_714 = arith.select %and3A_708, %neg3A_711, %broadcast_in_dim3A_713 : vector<16xi1>, vector<16xi32>
    %broadcast_in_dim3A_715 = arith.constant true
    %broadcast_in_dim3A_716 = vector.broadcast %broadcast_in_dim3A_715 : i1 to vector<16xi1>
    %masked_cummax3A_717 = arith.constant -2147483648 : i32
    %masked_cummax3A_718 = vector.broadcast %masked_cummax3A_717 : i32 to vector<16xi32>
    %masked_cummax3A_719 = arith.xori %select_n3A_714, %masked_cummax3A_718 : vector<16xi32>
    %masked_cummax3A_720 = tpu.scan <max>, %masked_cummax3A_719 masked %broadcast_in_dim3A_716 : vector<16xi32>, vector<16xi1> -> vector<16xi32>
    %masked_cummax3A_721 = arith.xori %masked_cummax3A_720, %masked_cummax3A_718 : vector<16xi32>
    %rev3A_722 = arith.constant 15 : i32
    %rev3A_723 = vector.broadcast %rev3A_722 : i32 to vector<16xi32>
    %rev3A_724 = tpu.iota {dimensions = array<i32: 0>} : vector<16xi32>
    %rev3A_725 = arith.subi %rev3A_723, %rev3A_724 : vector<16xi32>
    %rev3A_726 = tpu.dynamic_gather %masked_cummax3A_721[%rev3A_725] in [0] : vector<16xi32>, vector<16xi32> -> vector<16xi32>
    %broadcast_in_dim3A_727 = arith.constant true
    %broadcast_in_dim3A_728 = vector.broadcast %broadcast_in_dim3A_727 : i1 to vector<16xi1>
    %masked_cummax3A_729 = arith.constant -2147483648 : i32
    %masked_cummax3A_730 = vector.broadcast %masked_cummax3A_729 : i32 to vector<16xi32>
    %masked_cummax3A_731 = arith.xori %rev3A_726, %masked_cummax3A_730 : vector<16xi32>
    %masked_cummax3A_732 = tpu.scan <max>, %masked_cummax3A_731 masked %broadcast_in_dim3A_728 : vector<16xi32>, vector<16xi1> -> vector<16xi32>
    %masked_cummax3A_733 = arith.xori %masked_cummax3A_732, %masked_cummax3A_730 : vector<16xi32>
    %eq3A_734 = arith.cmpi eq, %select_n3A_714, %masked_cummax3A_733 : vector<16xi32>
    %and3A_735 = arith.andi %and3A_708, %eq3A_734 : vector<16xi1>
    %not3A_736 = arith.constant dense<true> : vector<16xi1>
    %not3A_737 = arith.xori %and3A_735, %not3A_736 : vector<16xi1>
    %and3A_738 = arith.andi %and3A_691, %not3A_737 : vector<16xi1>
    %or3A_739 = arith.ori %or3A_692, %and3A_735 : vector<16xi1>
    %jit3A_740 = arith.constant -1.000000e+30 : f32
    %broadcast_in_dim3A_741 = vector.broadcast %jit3A_740 : f32 to vector<16xf32>
    %select_n3A_742 = arith.select %and3A_738, %get3A_641, %broadcast_in_dim3A_741 : vector<16xi1>, vector<16xf32>
    %broadcast_in_dim3A_743 = arith.constant true
    %broadcast_in_dim3A_744 = vector.broadcast %broadcast_in_dim3A_743 : i1 to vector<16xi1>
    %masked_cummax3A_745 = tpu.scan <max>, %select_n3A_742 masked %broadcast_in_dim3A_744 : vector<16xf32>, vector<16xi1> -> vector<16xf32>
    %rev3A_746 = arith.constant 15 : i32
    %rev3A_747 = vector.broadcast %rev3A_746 : i32 to vector<16xi32>
    %rev3A_748 = tpu.iota {dimensions = array<i32: 0>} : vector<16xi32>
    %rev3A_749 = arith.subi %rev3A_747, %rev3A_748 : vector<16xi32>
    %rev3A_750 = tpu.dynamic_gather %masked_cummax3A_745[%rev3A_749] in [0] : vector<16xf32>, vector<16xi32> -> vector<16xf32>
    %broadcast_in_dim3A_751 = arith.constant true
    %broadcast_in_dim3A_752 = vector.broadcast %broadcast_in_dim3A_751 : i1 to vector<16xi1>
    %masked_cummax3A_753 = tpu.scan <max>, %rev3A_750 masked %broadcast_in_dim3A_752 : vector<16xf32>, vector<16xi1> -> vector<16xf32>
    %eq3A_754 = arith.cmpf oeq, %select_n3A_742, %masked_cummax3A_753 : vector<16xf32>
    %and3A_755 = arith.andi %eq3A_754, %and3A_738 : vector<16xi1>
    %neg3A_756 = arith.constant 0 : i32
    %neg3A_757 = vector.broadcast %neg3A_756 : i32 to vector<16xi32>
    %neg3A_758 = arith.subi %neg3A_757, %iota3A : vector<16xi32>
    %jit3A_759 = arith.constant -16 : i32
    %broadcast_in_dim3A_760 = vector.broadcast %jit3A_759 : i32 to vector<16xi32>
    %select_n3A_761 = arith.select %and3A_755, %neg3A_758, %broadcast_in_dim3A_760 : vector<16xi1>, vector<16xi32>
    %broadcast_in_dim3A_762 = arith.constant true
    %broadcast_in_dim3A_763 = vector.broadcast %broadcast_in_dim3A_762 : i1 to vector<16xi1>
    %masked_cummax3A_764 = arith.constant -2147483648 : i32
    %masked_cummax3A_765 = vector.broadcast %masked_cummax3A_764 : i32 to vector<16xi32>
    %masked_cummax3A_766 = arith.xori %select_n3A_761, %masked_cummax3A_765 : vector<16xi32>
    %masked_cummax3A_767 = tpu.scan <max>, %masked_cummax3A_766 masked %broadcast_in_dim3A_763 : vector<16xi32>, vector<16xi1> -> vector<16xi32>
    %masked_cummax3A_768 = arith.xori %masked_cummax3A_767, %masked_cummax3A_765 : vector<16xi32>
    %rev3A_769 = arith.constant 15 : i32
    %rev3A_770 = vector.broadcast %rev3A_769 : i32 to vector<16xi32>
    %rev3A_771 = tpu.iota {dimensions = array<i32: 0>} : vector<16xi32>
    %rev3A_772 = arith.subi %rev3A_770, %rev3A_771 : vector<16xi32>
    %rev3A_773 = tpu.dynamic_gather %masked_cummax3A_768[%rev3A_772] in [0] : vector<16xi32>, vector<16xi32> -> vector<16xi32>
    %broadcast_in_dim3A_774 = arith.constant true
    %broadcast_in_dim3A_775 = vector.broadcast %broadcast_in_dim3A_774 : i1 to vector<16xi1>
    %masked_cummax3A_776 = arith.constant -2147483648 : i32
    %masked_cummax3A_777 = vector.broadcast %masked_cummax3A_776 : i32 to vector<16xi32>
    %masked_cummax3A_778 = arith.xori %rev3A_773, %masked_cummax3A_777 : vector<16xi32>
    %masked_cummax3A_779 = tpu.scan <max>, %masked_cummax3A_778 masked %broadcast_in_dim3A_775 : vector<16xi32>, vector<16xi1> -> vector<16xi32>
    %masked_cummax3A_780 = arith.xori %masked_cummax3A_779, %masked_cummax3A_777 : vector<16xi32>
    %eq3A_781 = arith.cmpi eq, %select_n3A_761, %masked_cummax3A_780 : vector<16xi32>
    %and3A_782 = arith.andi %and3A_755, %eq3A_781 : vector<16xi1>
    %not3A_783 = arith.constant dense<true> : vector<16xi1>
    %not3A_784 = arith.xori %and3A_782, %not3A_783 : vector<16xi1>
    %and3A_785 = arith.andi %and3A_738, %not3A_784 : vector<16xi1>
    %or3A_786 = arith.ori %or3A_739, %and3A_782 : vector<16xi1>
    %jit3A_787 = arith.constant -1.000000e+30 : f32
    %broadcast_in_dim3A_788 = vector.broadcast %jit3A_787 : f32 to vector<16xf32>
    %select_n3A_789 = arith.select %and3A_785, %get3A_641, %broadcast_in_dim3A_788 : vector<16xi1>, vector<16xf32>
    %broadcast_in_dim3A_790 = arith.constant true
    %broadcast_in_dim3A_791 = vector.broadcast %broadcast_in_dim3A_790 : i1 to vector<16xi1>
    %masked_cummax3A_792 = tpu.scan <max>, %select_n3A_789 masked %broadcast_in_dim3A_791 : vector<16xf32>, vector<16xi1> -> vector<16xf32>
    %rev3A_793 = arith.constant 15 : i32
    %rev3A_794 = vector.broadcast %rev3A_793 : i32 to vector<16xi32>
    %rev3A_795 = tpu.iota {dimensions = array<i32: 0>} : vector<16xi32>
    %rev3A_796 = arith.subi %rev3A_794, %rev3A_795 : vector<16xi32>
    %rev3A_797 = tpu.dynamic_gather %masked_cummax3A_792[%rev3A_796] in [0] : vector<16xf32>, vector<16xi32> -> vector<16xf32>
    %broadcast_in_dim3A_798 = arith.constant true
    %broadcast_in_dim3A_799 = vector.broadcast %broadcast_in_dim3A_798 : i1 to vector<16xi1>
    %masked_cummax3A_800 = tpu.scan <max>, %rev3A_797 masked %broadcast_in_dim3A_799 : vector<16xf32>, vector<16xi1> -> vector<16xf32>
    %eq3A_801 = arith.cmpf oeq, %select_n3A_789, %masked_cummax3A_800 : vector<16xf32>
    %and3A_802 = arith.andi %eq3A_801, %and3A_785 : vector<16xi1>
    %neg3A_803 = arith.constant 0 : i32
    %neg3A_804 = vector.broadcast %neg3A_803 : i32 to vector<16xi32>
    %neg3A_805 = arith.subi %neg3A_804, %iota3A : vector<16xi32>
    %jit3A_806 = arith.constant -16 : i32
    %broadcast_in_dim3A_807 = vector.broadcast %jit3A_806 : i32 to vector<16xi32>
    %select_n3A_808 = arith.select %and3A_802, %neg3A_805, %broadcast_in_dim3A_807 : vector<16xi1>, vector<16xi32>
    %broadcast_in_dim3A_809 = arith.constant true
    %broadcast_in_dim3A_810 = vector.broadcast %broadcast_in_dim3A_809 : i1 to vector<16xi1>
    %masked_cummax3A_811 = arith.constant -2147483648 : i32
    %masked_cummax3A_812 = vector.broadcast %masked_cummax3A_811 : i32 to vector<16xi32>
    %masked_cummax3A_813 = arith.xori %select_n3A_808, %masked_cummax3A_812 : vector<16xi32>
    %masked_cummax3A_814 = tpu.scan <max>, %masked_cummax3A_813 masked %broadcast_in_dim3A_810 : vector<16xi32>, vector<16xi1> -> vector<16xi32>
    %masked_cummax3A_815 = arith.xori %masked_cummax3A_814, %masked_cummax3A_812 : vector<16xi32>
    %rev3A_816 = arith.constant 15 : i32
    %rev3A_817 = vector.broadcast %rev3A_816 : i32 to vector<16xi32>
    %rev3A_818 = tpu.iota {dimensions = array<i32: 0>} : vector<16xi32>
    %rev3A_819 = arith.subi %rev3A_817, %rev3A_818 : vector<16xi32>
    %rev3A_820 = tpu.dynamic_gather %masked_cummax3A_815[%rev3A_819] in [0] : vector<16xi32>, vector<16xi32> -> vector<16xi32>
    %broadcast_in_dim3A_821 = arith.constant true
    %broadcast_in_dim3A_822 = vector.broadcast %broadcast_in_dim3A_821 : i1 to vector<16xi1>
    %masked_cummax3A_823 = arith.constant -2147483648 : i32
    %masked_cummax3A_824 = vector.broadcast %masked_cummax3A_823 : i32 to vector<16xi32>
    %masked_cummax3A_825 = arith.xori %rev3A_820, %masked_cummax3A_824 : vector<16xi32>
    %masked_cummax3A_826 = tpu.scan <max>, %masked_cummax3A_825 masked %broadcast_in_dim3A_822 : vector<16xi32>, vector<16xi1> -> vector<16xi32>
    %masked_cummax3A_827 = arith.xori %masked_cummax3A_826, %masked_cummax3A_824 : vector<16xi32>
    %eq3A_828 = arith.cmpi eq, %select_n3A_808, %masked_cummax3A_827 : vector<16xi32>
    %and3A_829 = arith.andi %and3A_802, %eq3A_828 : vector<16xi1>
    %not3A_830 = arith.constant dense<true> : vector<16xi1>
    %not3A_831 = arith.xori %and3A_829, %not3A_830 : vector<16xi1>
    %and3A_832 = arith.andi %and3A_785, %not3A_831 : vector<16xi1>
    %or3A_833 = arith.ori %or3A_786, %and3A_829 : vector<16xi1>
    %sub3A_834 = arith.subf %get3A_641, %masked_cummax3A_659 : vector<16xf32>
    %exp3A_835 = math.exp %sub3A_834 : vector<16xf32>
    %jit3A_836 = arith.constant 0.000000e+00 : f32
    %broadcast_in_dim3A_837 = vector.broadcast %jit3A_836 : f32 to vector<16xf32>
    %select_n3A_838 = arith.select %or3A_833, %exp3A_835, %broadcast_in_dim3A_837 : vector<16xi1>, vector<16xf32>
    %broadcast_in_dim3A_839 = arith.constant true
    %broadcast_in_dim3A_840 = vector.broadcast %broadcast_in_dim3A_839 : i1 to vector<16xi1>
    %masked_cumsum3A_841 = tpu.scan <sum>, %select_n3A_838 masked %broadcast_in_dim3A_840 : vector<16xf32>, vector<16xi1> -> vector<16xf32>
    %rev3A_842 = arith.constant 15 : i32
    %rev3A_843 = vector.broadcast %rev3A_842 : i32 to vector<16xi32>
    %rev3A_844 = tpu.iota {dimensions = array<i32: 0>} : vector<16xi32>
    %rev3A_845 = arith.subi %rev3A_843, %rev3A_844 : vector<16xi32>
    %rev3A_846 = tpu.dynamic_gather %masked_cumsum3A_841[%rev3A_845] in [0] : vector<16xf32>, vector<16xi32> -> vector<16xf32>
    %broadcast_in_dim3A_847 = arith.constant true
    %broadcast_in_dim3A_848 = vector.broadcast %broadcast_in_dim3A_847 : i1 to vector<16xi1>
    %masked_cummax3A_849 = tpu.scan <max>, %rev3A_846 masked %broadcast_in_dim3A_848 : vector<16xf32>, vector<16xi1> -> vector<16xf32>
    %div3A_850 = arith.divf %select_n3A_838, %masked_cummax3A_849 : vector<16xf32>
    %swap3A_851 = arith.constant 3 : i32
    %swap3A_852 = arith.index_cast %swap3A_851 : i32 to index
    %swap3A_853 = arith.constant 0 : index
    %swap3A_854 = tpu.vector_load %arg5[%swap3A_852, %swap3A_853] {strides = array<i32>} : memref<8x16xf32, #tpu.memory_space<vmem>>, vector<16xf32>,
    tpu.vector_store %arg5[%swap3A_852, %swap3A_853], %div3A_850 {strides = array<i32>} : memref<8x16xf32, #tpu.memory_space<vmem>>, vector<16xf32>,
    %get3A_855 = arith.constant 4 : i32
    %get3A_856 = arith.index_cast %get3A_855 : i32 to index
    %get3A_857 = arith.constant 0 : index
    %get3A_858 = tpu.vector_load %arg4[%get3A_856, %get3A_857] {strides = array<i32>} : memref<8x16xf32, #tpu.memory_space<vmem>>, vector<16xf32>,
    %broadcast_in_dim3A_859 = arith.constant true
    %broadcast_in_dim3A_860 = vector.broadcast %broadcast_in_dim3A_859 : i1 to vector<16xi1>
    %broadcast_in_dim3A_861 = arith.constant false
    %broadcast_in_dim3A_862 = vector.broadcast %broadcast_in_dim3A_861 : i1 to vector<16xi1>
    %jit3A_863 = arith.constant -1.000000e+30 : f32
    %broadcast_in_dim3A_864 = vector.broadcast %jit3A_863 : f32 to vector<16xf32>
    %select_n3A_865 = arith.select %broadcast_in_dim3A_860, %get3A_858, %broadcast_in_dim3A_864 : vector<16xi1>, vector<16xf32>
    %broadcast_in_dim3A_866 = arith.constant true
    %broadcast_in_dim3A_867 = vector.broadcast %broadcast_in_dim3A_866 : i1 to vector<16xi1>
    %masked_cummax3A_868 = tpu.scan <max>, %select_n3A_865 masked %broadcast_in_dim3A_867 : vector<16xf32>, vector<16xi1> -> vector<16xf32>
    %rev3A_869 = arith.constant 15 : i32
    %rev3A_870 = vector.broadcast %rev3A_869 : i32 to vector<16xi32>
    %rev3A_871 = tpu.iota {dimensions = array<i32: 0>} : vector<16xi32>
    %rev3A_872 = arith.subi %rev3A_870, %rev3A_871 : vector<16xi32>
    %rev3A_873 = tpu.dynamic_gather %masked_cummax3A_868[%rev3A_872] in [0] : vector<16xf32>, vector<16xi32> -> vector<16xf32>
    %broadcast_in_dim3A_874 = arith.constant true
    %broadcast_in_dim3A_875 = vector.broadcast %broadcast_in_dim3A_874 : i1 to vector<16xi1>
    %masked_cummax3A_876 = tpu.scan <max>, %rev3A_873 masked %broadcast_in_dim3A_875 : vector<16xf32>, vector<16xi1> -> vector<16xf32>
    %eq3A_877 = arith.cmpf oeq, %select_n3A_865, %masked_cummax3A_876 : vector<16xf32>
    %and3A_878 = arith.andi %eq3A_877, %broadcast_in_dim3A_860 : vector<16xi1>
    %neg3A_879 = arith.constant 0 : i32
    %neg3A_880 = vector.broadcast %neg3A_879 : i32 to vector<16xi32>
    %neg3A_881 = arith.subi %neg3A_880, %iota3A : vector<16xi32>
    %jit3A_882 = arith.constant -16 : i32
    %broadcast_in_dim3A_883 = vector.broadcast %jit3A_882 : i32 to vector<16xi32>
    %select_n3A_884 = arith.select %and3A_878, %neg3A_881, %broadcast_in_dim3A_883 : vector<16xi1>, vector<16xi32>
    %broadcast_in_dim3A_885 = arith.constant true
    %broadcast_in_dim3A_886 = vector.broadcast %broadcast_in_dim3A_885 : i1 to vector<16xi1>
    %masked_cummax3A_887 = arith.constant -2147483648 : i32
    %masked_cummax3A_888 = vector.broadcast %masked_cummax3A_887 : i32 to vector<16xi32>
    %masked_cummax3A_889 = arith.xori %select_n3A_884, %masked_cummax3A_888 : vector<16xi32>
    %masked_cummax3A_890 = tpu.scan <max>, %masked_cummax3A_889 masked %broadcast_in_dim3A_886 : vector<16xi32>, vector<16xi1> -> vector<16xi32>
    %masked_cummax3A_891 = arith.xori %masked_cummax3A_890, %masked_cummax3A_888 : vector<16xi32>
    %rev3A_892 = arith.constant 15 : i32
    %rev3A_893 = vector.broadcast %rev3A_892 : i32 to vector<16xi32>
    %rev3A_894 = tpu.iota {dimensions = array<i32: 0>} : vector<16xi32>
    %rev3A_895 = arith.subi %rev3A_893, %rev3A_894 : vector<16xi32>
    %rev3A_896 = tpu.dynamic_gather %masked_cummax3A_891[%rev3A_895] in [0] : vector<16xi32>, vector<16xi32> -> vector<16xi32>
    %broadcast_in_dim3A_897 = arith.constant true
    %broadcast_in_dim3A_898 = vector.broadcast %broadcast_in_dim3A_897 : i1 to vector<16xi1>
    %masked_cummax3A_899 = arith.constant -2147483648 : i32
    %masked_cummax3A_900 = vector.broadcast %masked_cummax3A_899 : i32 to vector<16xi32>
    %masked_cummax3A_901 = arith.xori %rev3A_896, %masked_cummax3A_900 : vector<16xi32>
    %masked_cummax3A_902 = tpu.scan <max>, %masked_cummax3A_901 masked %broadcast_in_dim3A_898 : vector<16xi32>, vector<16xi1> -> vector<16xi32>
    %masked_cummax3A_903 = arith.xori %masked_cummax3A_902, %masked_cummax3A_900 : vector<16xi32>
    %eq3A_904 = arith.cmpi eq, %select_n3A_884, %masked_cummax3A_903 : vector<16xi32>
    %and3A_905 = arith.andi %and3A_878, %eq3A_904 : vector<16xi1>
    %not3A_906 = arith.constant dense<true> : vector<16xi1>
    %not3A_907 = arith.xori %and3A_905, %not3A_906 : vector<16xi1>
    %and3A_908 = arith.andi %broadcast_in_dim3A_860, %not3A_907 : vector<16xi1>
    %or3A_909 = arith.ori %broadcast_in_dim3A_862, %and3A_905 : vector<16xi1>
    %jit3A_910 = arith.constant -1.000000e+30 : f32
    %broadcast_in_dim3A_911 = vector.broadcast %jit3A_910 : f32 to vector<16xf32>
    %select_n3A_912 = arith.select %and3A_908, %get3A_858, %broadcast_in_dim3A_911 : vector<16xi1>, vector<16xf32>
    %broadcast_in_dim3A_913 = arith.constant true
    %broadcast_in_dim3A_914 = vector.broadcast %broadcast_in_dim3A_913 : i1 to vector<16xi1>
    %masked_cummax3A_915 = tpu.scan <max>, %select_n3A_912 masked %broadcast_in_dim3A_914 : vector<16xf32>, vector<16xi1> -> vector<16xf32>
    %rev3A_916 = arith.constant 15 : i32
    %rev3A_917 = vector.broadcast %rev3A_916 : i32 to vector<16xi32>
    %rev3A_918 = tpu.iota {dimensions = array<i32: 0>} : vector<16xi32>
    %rev3A_919 = arith.subi %rev3A_917, %rev3A_918 : vector<16xi32>
    %rev3A_920 = tpu.dynamic_gather %masked_cummax3A_915[%rev3A_919] in [0] : vector<16xf32>, vector<16xi32> -> vector<16xf32>
    %broadcast_in_dim3A_921 = arith.constant true
    %broadcast_in_dim3A_922 = vector.broadcast %broadcast_in_dim3A_921 : i1 to vector<16xi1>
    %masked_cummax3A_923 = tpu.scan <max>, %rev3A_920 masked %broadcast_in_dim3A_922 : vector<16xf32>, vector<16xi1> -> vector<16xf32>
    %eq3A_924 = arith.cmpf oeq, %select_n3A_912, %masked_cummax3A_923 : vector<16xf32>
    %and3A_925 = arith.andi %eq3A_924, %and3A_908 : vector<16xi1>
    %neg3A_926 = arith.constant 0 : i32
    %neg3A_927 = vector.broadcast %neg3A_926 : i32 to vector<16xi32>
    %neg3A_928 = arith.subi %neg3A_927, %iota3A : vector<16xi32>
    %jit3A_929 = arith.constant -16 : i32
    %broadcast_in_dim3A_930 = vector.broadcast %jit3A_929 : i32 to vector<16xi32>
    %select_n3A_931 = arith.select %and3A_925, %neg3A_928, %broadcast_in_dim3A_930 : vector<16xi1>, vector<16xi32>
    %broadcast_in_dim3A_932 = arith.constant true
    %broadcast_in_dim3A_933 = vector.broadcast %broadcast_in_dim3A_932 : i1 to vector<16xi1>
    %masked_cummax3A_934 = arith.constant -2147483648 : i32
    %masked_cummax3A_935 = vector.broadcast %masked_cummax3A_934 : i32 to vector<16xi32>
    %masked_cummax3A_936 = arith.xori %select_n3A_931, %masked_cummax3A_935 : vector<16xi32>
    %masked_cummax3A_937 = tpu.scan <max>, %masked_cummax3A_936 masked %broadcast_in_dim3A_933 : vector<16xi32>, vector<16xi1> -> vector<16xi32>
    %masked_cummax3A_938 = arith.xori %masked_cummax3A_937, %masked_cummax3A_935 : vector<16xi32>
    %rev3A_939 = arith.constant 15 : i32
    %rev3A_940 = vector.broadcast %rev3A_939 : i32 to vector<16xi32>
    %rev3A_941 = tpu.iota {dimensions = array<i32: 0>} : vector<16xi32>
    %rev3A_942 = arith.subi %rev3A_940, %rev3A_941 : vector<16xi32>
    %rev3A_943 = tpu.dynamic_gather %masked_cummax3A_938[%rev3A_942] in [0] : vector<16xi32>, vector<16xi32> -> vector<16xi32>
    %broadcast_in_dim3A_944 = arith.constant true
    %broadcast_in_dim3A_945 = vector.broadcast %broadcast_in_dim3A_944 : i1 to vector<16xi1>
    %masked_cummax3A_946 = arith.constant -2147483648 : i32
    %masked_cummax3A_947 = vector.broadcast %masked_cummax3A_946 : i32 to vector<16xi32>
    %masked_cummax3A_948 = arith.xori %rev3A_943, %masked_cummax3A_947 : vector<16xi32>
    %masked_cummax3A_949 = tpu.scan <max>, %masked_cummax3A_948 masked %broadcast_in_dim3A_945 : vector<16xi32>, vector<16xi1> -> vector<16xi32>
    %masked_cummax3A_950 = arith.xori %masked_cummax3A_949, %masked_cummax3A_947 : vector<16xi32>
    %eq3A_951 = arith.cmpi eq, %select_n3A_931, %masked_cummax3A_950 : vector<16xi32>
    %and3A_952 = arith.andi %and3A_925, %eq3A_951 : vector<16xi1>
    %not3A_953 = arith.constant dense<true> : vector<16xi1>
    %not3A_954 = arith.xori %and3A_952, %not3A_953 : vector<16xi1>
    %and3A_955 = arith.andi %and3A_908, %not3A_954 : vector<16xi1>
    %or3A_956 = arith.ori %or3A_909, %and3A_952 : vector<16xi1>
    %jit3A_957 = arith.constant -1.000000e+30 : f32
    %broadcast_in_dim3A_958 = vector.broadcast %jit3A_957 : f32 to vector<16xf32>
    %select_n3A_959 = arith.select %and3A_955, %get3A_858, %broadcast_in_dim3A_958 : vector<16xi1>, vector<16xf32>
    %broadcast_in_dim3A_960 = arith.constant true
    %broadcast_in_dim3A_961 = vector.broadcast %broadcast_in_dim3A_960 : i1 to vector<16xi1>
    %masked_cummax3A_962 = tpu.scan <max>, %select_n3A_959 masked %broadcast_in_dim3A_961 : vector<16xf32>, vector<16xi1> -> vector<16xf32>
    %rev3A_963 = arith.constant 15 : i32
    %rev3A_964 = vector.broadcast %rev3A_963 : i32 to vector<16xi32>
    %rev3A_965 = tpu.iota {dimensions = array<i32: 0>} : vector<16xi32>
    %rev3A_966 = arith.subi %rev3A_964, %rev3A_965 : vector<16xi32>
    %rev3A_967 = tpu.dynamic_gather %masked_cummax3A_962[%rev3A_966] in [0] : vector<16xf32>, vector<16xi32> -> vector<16xf32>
    %broadcast_in_dim3A_968 = arith.constant true
    %broadcast_in_dim3A_969 = vector.broadcast %broadcast_in_dim3A_968 : i1 to vector<16xi1>
    %masked_cummax3A_970 = tpu.scan <max>, %rev3A_967 masked %broadcast_in_dim3A_969 : vector<16xf32>, vector<16xi1> -> vector<16xf32>
    %eq3A_971 = arith.cmpf oeq, %select_n3A_959, %masked_cummax3A_970 : vector<16xf32>
    %and3A_972 = arith.andi %eq3A_971, %and3A_955 : vector<16xi1>
    %neg3A_973 = arith.constant 0 : i32
    %neg3A_974 = vector.broadcast %neg3A_973 : i32 to vector<16xi32>
    %neg3A_975 = arith.subi %neg3A_974, %iota3A : vector<16xi32>
    %jit3A_976 = arith.constant -16 : i32
    %broadcast_in_dim3A_977 = vector.broadcast %jit3A_976 : i32 to vector<16xi32>
    %select_n3A_978 = arith.select %and3A_972, %neg3A_975, %broadcast_in_dim3A_977 : vector<16xi1>, vector<16xi32>
    %broadcast_in_dim3A_979 = arith.constant true
    %broadcast_in_dim3A_980 = vector.broadcast %broadcast_in_dim3A_979 : i1 to vector<16xi1>
    %masked_cummax3A_981 = arith.constant -2147483648 : i32
    %masked_cummax3A_982 = vector.broadcast %masked_cummax3A_981 : i32 to vector<16xi32>
    %masked_cummax3A_983 = arith.xori %select_n3A_978, %masked_cummax3A_982 : vector<16xi32>
    %masked_cummax3A_984 = tpu.scan <max>, %masked_cummax3A_983 masked %broadcast_in_dim3A_980 : vector<16xi32>, vector<16xi1> -> vector<16xi32>
    %masked_cummax3A_985 = arith.xori %masked_cummax3A_984, %masked_cummax3A_982 : vector<16xi32>
    %rev3A_986 = arith.constant 15 : i32
    %rev3A_987 = vector.broadcast %rev3A_986 : i32 to vector<16xi32>
    %rev3A_988 = tpu.iota {dimensions = array<i32: 0>} : vector<16xi32>
    %rev3A_989 = arith.subi %rev3A_987, %rev3A_988 : vector<16xi32>
    %rev3A_990 = tpu.dynamic_gather %masked_cummax3A_985[%rev3A_989] in [0] : vector<16xi32>, vector<16xi32> -> vector<16xi32>
    %broadcast_in_dim3A_991 = arith.constant true
    %broadcast_in_dim3A_992 = vector.broadcast %broadcast_in_dim3A_991 : i1 to vector<16xi1>
    %masked_cummax3A_993 = arith.constant -2147483648 : i32
    %masked_cummax3A_994 = vector.broadcast %masked_cummax3A_993 : i32 to vector<16xi32>
    %masked_cummax3A_995 = arith.xori %rev3A_990, %masked_cummax3A_994 : vector<16xi32>
    %masked_cummax3A_996 = tpu.scan <max>, %masked_cummax3A_995 masked %broadcast_in_dim3A_992 : vector<16xi32>, vector<16xi1> -> vector<16xi32>
    %masked_cummax3A_997 = arith.xori %masked_cummax3A_996, %masked_cummax3A_994 : vector<16xi32>
    %eq3A_998 = arith.cmpi eq, %select_n3A_978, %masked_cummax3A_997 : vector<16xi32>
    %and3A_999 = arith.andi %and3A_972, %eq3A_998 : vector<16xi1>
    %not3A_1000 = arith.constant dense<true> : vector<16xi1>
    %not3A_1001 = arith.xori %and3A_999, %not3A_1000 : vector<16xi1>
    %and3A_1002 = arith.andi %and3A_955, %not3A_1001 : vector<16xi1>
    %or3A_1003 = arith.ori %or3A_956, %and3A_999 : vector<16xi1>
    %jit3A_1004 = arith.constant -1.000000e+30 : f32
    %broadcast_in_dim3A_1005 = vector.broadcast %jit3A_1004 : f32 to vector<16xf32>
    %select_n3A_1006 = arith.select %and3A_1002, %get3A_858, %broadcast_in_dim3A_1005 : vector<16xi1>, vector<16xf32>
    %broadcast_in_dim3A_1007 = arith.constant true
    %broadcast_in_dim3A_1008 = vector.broadcast %broadcast_in_dim3A_1007 : i1 to vector<16xi1>
    %masked_cummax3A_1009 = tpu.scan <max>, %select_n3A_1006 masked %broadcast_in_dim3A_1008 : vector<16xf32>, vector<16xi1> -> vector<16xf32>
    %rev3A_1010 = arith.constant 15 : i32
    %rev3A_1011 = vector.broadcast %rev3A_1010 : i32 to vector<16xi32>
    %rev3A_1012 = tpu.iota {dimensions = array<i32: 0>} : vector<16xi32>
    %rev3A_1013 = arith.subi %rev3A_1011, %rev3A_1012 : vector<16xi32>
    %rev3A_1014 = tpu.dynamic_gather %masked_cummax3A_1009[%rev3A_1013] in [0] : vector<16xf32>, vector<16xi32> -> vector<16xf32>
    %broadcast_in_dim3A_1015 = arith.constant true
    %broadcast_in_dim3A_1016 = vector.broadcast %broadcast_in_dim3A_1015 : i1 to vector<16xi1>
    %masked_cummax3A_1017 = tpu.scan <max>, %rev3A_1014 masked %broadcast_in_dim3A_1016 : vector<16xf32>, vector<16xi1> -> vector<16xf32>
    %eq3A_1018 = arith.cmpf oeq, %select_n3A_1006, %masked_cummax3A_1017 : vector<16xf32>
    %and3A_1019 = arith.andi %eq3A_1018, %and3A_1002 : vector<16xi1>
    %neg3A_1020 = arith.constant 0 : i32
    %neg3A_1021 = vector.broadcast %neg3A_1020 : i32 to vector<16xi32>
    %neg3A_1022 = arith.subi %neg3A_1021, %iota3A : vector<16xi32>
    %jit3A_1023 = arith.constant -16 : i32
    %broadcast_in_dim3A_1024 = vector.broadcast %jit3A_1023 : i32 to vector<16xi32>
    %select_n3A_1025 = arith.select %and3A_1019, %neg3A_1022, %broadcast_in_dim3A_1024 : vector<16xi1>, vector<16xi32>
    %broadcast_in_dim3A_1026 = arith.constant true
    %broadcast_in_dim3A_1027 = vector.broadcast %broadcast_in_dim3A_1026 : i1 to vector<16xi1>
    %masked_cummax3A_1028 = arith.constant -2147483648 : i32
    %masked_cummax3A_1029 = vector.broadcast %masked_cummax3A_1028 : i32 to vector<16xi32>
    %masked_cummax3A_1030 = arith.xori %select_n3A_1025, %masked_cummax3A_1029 : vector<16xi32>
    %masked_cummax3A_1031 = tpu.scan <max>, %masked_cummax3A_1030 masked %broadcast_in_dim3A_1027 : vector<16xi32>, vector<16xi1> -> vector<16xi32>
    %masked_cummax3A_1032 = arith.xori %masked_cummax3A_1031, %masked_cummax3A_1029 : vector<16xi32>
    %rev3A_1033 = arith.constant 15 : i32
    %rev3A_1034 = vector.broadcast %rev3A_1033 : i32 to vector<16xi32>
    %rev3A_1035 = tpu.iota {dimensions = array<i32: 0>} : vector<16xi32>
    %rev3A_1036 = arith.subi %rev3A_1034, %rev3A_1035 : vector<16xi32>
    %rev3A_1037 = tpu.dynamic_gather %masked_cummax3A_1032[%rev3A_1036] in [0] : vector<16xi32>, vector<16xi32> -> vector<16xi32>
    %broadcast_in_dim3A_1038 = arith.constant true
    %broadcast_in_dim3A_1039 = vector.broadcast %broadcast_in_dim3A_1038 : i1 to vector<16xi1>
    %masked_cummax3A_1040 = arith.constant -2147483648 : i32
    %masked_cummax3A_1041 = vector.broadcast %masked_cummax3A_1040 : i32 to vector<16xi32>
    %masked_cummax3A_1042 = arith.xori %rev3A_1037, %masked_cummax3A_1041 : vector<16xi32>
    %masked_cummax3A_1043 = tpu.scan <max>, %masked_cummax3A_1042 masked %broadcast_in_dim3A_1039 : vector<16xi32>, vector<16xi1> -> vector<16xi32>
    %masked_cummax3A_1044 = arith.xori %masked_cummax3A_1043, %masked_cummax3A_1041 : vector<16xi32>
    %eq3A_1045 = arith.cmpi eq, %select_n3A_1025, %masked_cummax3A_1044 : vector<16xi32>
    %and3A_1046 = arith.andi %and3A_1019, %eq3A_1045 : vector<16xi1>
    %not3A_1047 = arith.constant dense<true> : vector<16xi1>
    %not3A_1048 = arith.xori %and3A_1046, %not3A_1047 : vector<16xi1>
    %and3A_1049 = arith.andi %and3A_1002, %not3A_1048 : vector<16xi1>
    %or3A_1050 = arith.ori %or3A_1003, %and3A_1046 : vector<16xi1>
    %sub3A_1051 = arith.subf %get3A_858, %masked_cummax3A_876 : vector<16xf32>
    %exp3A_1052 = math.exp %sub3A_1051 : vector<16xf32>
    %jit3A_1053 = arith.constant 0.000000e+00 : f32
    %broadcast_in_dim3A_1054 = vector.broadcast %jit3A_1053 : f32 to vector<16xf32>
    %select_n3A_1055 = arith.select %or3A_1050, %exp3A_1052, %broadcast_in_dim3A_1054 : vector<16xi1>, vector<16xf32>
    %broadcast_in_dim3A_1056 = arith.constant true
    %broadcast_in_dim3A_1057 = vector.broadcast %broadcast_in_dim3A_1056 : i1 to vector<16xi1>
    %masked_cumsum3A_1058 = tpu.scan <sum>, %select_n3A_1055 masked %broadcast_in_dim3A_1057 : vector<16xf32>, vector<16xi1> -> vector<16xf32>
    %rev3A_1059 = arith.constant 15 : i32
    %rev3A_1060 = vector.broadcast %rev3A_1059 : i32 to vector<16xi32>
    %rev3A_1061 = tpu.iota {dimensions = array<i32: 0>} : vector<16xi32>
    %rev3A_1062 = arith.subi %rev3A_1060, %rev3A_1061 : vector<16xi32>
    %rev3A_1063 = tpu.dynamic_gather %masked_cumsum3A_1058[%rev3A_1062] in [0] : vector<16xf32>, vector<16xi32> -> vector<16xf32>
    %broadcast_in_dim3A_1064 = arith.constant true
    %broadcast_in_dim3A_1065 = vector.broadcast %broadcast_in_dim3A_1064 : i1 to vector<16xi1>
    %masked_cummax3A_1066 = tpu.scan <max>, %rev3A_1063 masked %broadcast_in_dim3A_1065 : vector<16xf32>, vector<16xi1> -> vector<16xf32>
    %div3A_1067 = arith.divf %select_n3A_1055, %masked_cummax3A_1066 : vector<16xf32>
    %swap3A_1068 = arith.constant 4 : i32
    %swap3A_1069 = arith.index_cast %swap3A_1068 : i32 to index
    %swap3A_1070 = arith.constant 0 : index
    %swap3A_1071 = tpu.vector_load %arg5[%swap3A_1069, %swap3A_1070] {strides = array<i32>} : memref<8x16xf32, #tpu.memory_space<vmem>>, vector<16xf32>,
    tpu.vector_store %arg5[%swap3A_1069, %swap3A_1070], %div3A_1067 {strides = array<i32>} : memref<8x16xf32, #tpu.memory_space<vmem>>, vector<16xf32>,
    %get3A_1072 = arith.constant 5 : i32
    %get3A_1073 = arith.index_cast %get3A_1072 : i32 to index
    %get3A_1074 = arith.constant 0 : index
    %get3A_1075 = tpu.vector_load %arg4[%get3A_1073, %get3A_1074] {strides = array<i32>} : memref<8x16xf32, #tpu.memory_space<vmem>>, vector<16xf32>,
    %broadcast_in_dim3A_1076 = arith.constant true
    %broadcast_in_dim3A_1077 = vector.broadcast %broadcast_in_dim3A_1076 : i1 to vector<16xi1>
    %broadcast_in_dim3A_1078 = arith.constant false
    %broadcast_in_dim3A_1079 = vector.broadcast %broadcast_in_dim3A_1078 : i1 to vector<16xi1>
    %jit3A_1080 = arith.constant -1.000000e+30 : f32
    %broadcast_in_dim3A_1081 = vector.broadcast %jit3A_1080 : f32 to vector<16xf32>
    %select_n3A_1082 = arith.select %broadcast_in_dim3A_1077, %get3A_1075, %broadcast_in_dim3A_1081 : vector<16xi1>, vector<16xf32>
    %broadcast_in_dim3A_1083 = arith.constant true
    %broadcast_in_dim3A_1084 = vector.broadcast %broadcast_in_dim3A_1083 : i1 to vector<16xi1>
    %masked_cummax3A_1085 = tpu.scan <max>, %select_n3A_1082 masked %broadcast_in_dim3A_1084 : vector<16xf32>, vector<16xi1> -> vector<16xf32>
    %rev3A_1086 = arith.constant 15 : i32
    %rev3A_1087 = vector.broadcast %rev3A_1086 : i32 to vector<16xi32>
    %rev3A_1088 = tpu.iota {dimensions = array<i32: 0>} : vector<16xi32>
    %rev3A_1089 = arith.subi %rev3A_1087, %rev3A_1088 : vector<16xi32>
    %rev3A_1090 = tpu.dynamic_gather %masked_cummax3A_1085[%rev3A_1089] in [0] : vector<16xf32>, vector<16xi32> -> vector<16xf32>
    %broadcast_in_dim3A_1091 = arith.constant true
    %broadcast_in_dim3A_1092 = vector.broadcast %broadcast_in_dim3A_1091 : i1 to vector<16xi1>
    %masked_cummax3A_1093 = tpu.scan <max>, %rev3A_1090 masked %broadcast_in_dim3A_1092 : vector<16xf32>, vector<16xi1> -> vector<16xf32>
    %eq3A_1094 = arith.cmpf oeq, %select_n3A_1082, %masked_cummax3A_1093 : vector<16xf32>
    %and3A_1095 = arith.andi %eq3A_1094, %broadcast_in_dim3A_1077 : vector<16xi1>
    %neg3A_1096 = arith.constant 0 : i32
    %neg3A_1097 = vector.broadcast %neg3A_1096 : i32 to vector<16xi32>
    %neg3A_1098 = arith.subi %neg3A_1097, %iota3A : vector<16xi32>
    %jit3A_1099 = arith.constant -16 : i32
    %broadcast_in_dim3A_1100 = vector.broadcast %jit3A_1099 : i32 to vector<16xi32>
    %select_n3A_1101 = arith.select %and3A_1095, %neg3A_1098, %broadcast_in_dim3A_1100 : vector<16xi1>, vector<16xi32>
    %broadcast_in_dim3A_1102 = arith.constant true
    %broadcast_in_dim3A_1103 = vector.broadcast %broadcast_in_dim3A_1102 : i1 to vector<16xi1>
    %masked_cummax3A_1104 = arith.constant -2147483648 : i32
    %masked_cummax3A_1105 = vector.broadcast %masked_cummax3A_1104 : i32 to vector<16xi32>
    %masked_cummax3A_1106 = arith.xori %select_n3A_1101, %masked_cummax3A_1105 : vector<16xi32>
    %masked_cummax3A_1107 = tpu.scan <max>, %masked_cummax3A_1106 masked %broadcast_in_dim3A_1103 : vector<16xi32>, vector<16xi1> -> vector<16xi32>
    %masked_cummax3A_1108 = arith.xori %masked_cummax3A_1107, %masked_cummax3A_1105 : vector<16xi32>
    %rev3A_1109 = arith.constant 15 : i32
    %rev3A_1110 = vector.broadcast %rev3A_1109 : i32 to vector<16xi32>
    %rev3A_1111 = tpu.iota {dimensions = array<i32: 0>} : vector<16xi32>
    %rev3A_1112 = arith.subi %rev3A_1110, %rev3A_1111 : vector<16xi32>
    %rev3A_1113 = tpu.dynamic_gather %masked_cummax3A_1108[%rev3A_1112] in [0] : vector<16xi32>, vector<16xi32> -> vector<16xi32>
    %broadcast_in_dim3A_1114 = arith.constant true
    %broadcast_in_dim3A_1115 = vector.broadcast %broadcast_in_dim3A_1114 : i1 to vector<16xi1>
    %masked_cummax3A_1116 = arith.constant -2147483648 : i32
    %masked_cummax3A_1117 = vector.broadcast %masked_cummax3A_1116 : i32 to vector<16xi32>
    %masked_cummax3A_1118 = arith.xori %rev3A_1113, %masked_cummax3A_1117 : vector<16xi32>
    %masked_cummax3A_1119 = tpu.scan <max>, %masked_cummax3A_1118 masked %broadcast_in_dim3A_1115 : vector<16xi32>, vector<16xi1> -> vector<16xi32>
    %masked_cummax3A_1120 = arith.xori %masked_cummax3A_1119, %masked_cummax3A_1117 : vector<16xi32>
    %eq3A_1121 = arith.cmpi eq, %select_n3A_1101, %masked_cummax3A_1120 : vector<16xi32>
    %and3A_1122 = arith.andi %and3A_1095, %eq3A_1121 : vector<16xi1>
    %not3A_1123 = arith.constant dense<true> : vector<16xi1>
    %not3A_1124 = arith.xori %and3A_1122, %not3A_1123 : vector<16xi1>
    %and3A_1125 = arith.andi %broadcast_in_dim3A_1077, %not3A_1124 : vector<16xi1>
    %or3A_1126 = arith.ori %broadcast_in_dim3A_1079, %and3A_1122 : vector<16xi1>
    %jit3A_1127 = arith.constant -1.000000e+30 : f32
    %broadcast_in_dim3A_1128 = vector.broadcast %jit3A_1127 : f32 to vector<16xf32>
    %select_n3A_1129 = arith.select %and3A_1125, %get3A_1075, %broadcast_in_dim3A_1128 : vector<16xi1>, vector<16xf32>
    %broadcast_in_dim3A_1130 = arith.constant true
    %broadcast_in_dim3A_1131 = vector.broadcast %broadcast_in_dim3A_1130 : i1 to vector<16xi1>
    %masked_cummax3A_1132 = tpu.scan <max>, %select_n3A_1129 masked %broadcast_in_dim3A_1131 : vector<16xf32>, vector<16xi1> -> vector<16xf32>
    %rev3A_1133 = arith.constant 15 : i32
    %rev3A_1134 = vector.broadcast %rev3A_1133 : i32 to vector<16xi32>
    %rev3A_1135 = tpu.iota {dimensions = array<i32: 0>} : vector<16xi32>
    %rev3A_1136 = arith.subi %rev3A_1134, %rev3A_1135 : vector<16xi32>
    %rev3A_1137 = tpu.dynamic_gather %masked_cummax3A_1132[%rev3A_1136] in [0] : vector<16xf32>, vector<16xi32> -> vector<16xf32>
    %broadcast_in_dim3A_1138 = arith.constant true
    %broadcast_in_dim3A_1139 = vector.broadcast %broadcast_in_dim3A_1138 : i1 to vector<16xi1>
    %masked_cummax3A_1140 = tpu.scan <max>, %rev3A_1137 masked %broadcast_in_dim3A_1139 : vector<16xf32>, vector<16xi1> -> vector<16xf32>
    %eq3A_1141 = arith.cmpf oeq, %select_n3A_1129, %masked_cummax3A_1140 : vector<16xf32>
    %and3A_1142 = arith.andi %eq3A_1141, %and3A_1125 : vector<16xi1>
    %neg3A_1143 = arith.constant 0 : i32
    %neg3A_1144 = vector.broadcast %neg3A_1143 : i32 to vector<16xi32>
    %neg3A_1145 = arith.subi %neg3A_1144, %iota3A : vector<16xi32>
    %jit3A_1146 = arith.constant -16 : i32
    %broadcast_in_dim3A_1147 = vector.broadcast %jit3A_1146 : i32 to vector<16xi32>
    %select_n3A_1148 = arith.select %and3A_1142, %neg3A_1145, %broadcast_in_dim3A_1147 : vector<16xi1>, vector<16xi32>
    %broadcast_in_dim3A_1149 = arith.constant true
    %broadcast_in_dim3A_1150 = vector.broadcast %broadcast_in_dim3A_1149 : i1 to vector<16xi1>
    %masked_cummax3A_1151 = arith.constant -2147483648 : i32
    %masked_cummax3A_1152 = vector.broadcast %masked_cummax3A_1151 : i32 to vector<16xi32>
    %masked_cummax3A_1153 = arith.xori %select_n3A_1148, %masked_cummax3A_1152 : vector<16xi32>
    %masked_cummax3A_1154 = tpu.scan <max>, %masked_cummax3A_1153 masked %broadcast_in_dim3A_1150 : vector<16xi32>, vector<16xi1> -> vector<16xi32>
    %masked_cummax3A_1155 = arith.xori %masked_cummax3A_1154, %masked_cummax3A_1152 : vector<16xi32>
    %rev3A_1156 = arith.constant 15 : i32
    %rev3A_1157 = vector.broadcast %rev3A_1156 : i32 to vector<16xi32>
    %rev3A_1158 = tpu.iota {dimensions = array<i32: 0>} : vector<16xi32>
    %rev3A_1159 = arith.subi %rev3A_1157, %rev3A_1158 : vector<16xi32>
    %rev3A_1160 = tpu.dynamic_gather %masked_cummax3A_1155[%rev3A_1159] in [0] : vector<16xi32>, vector<16xi32> -> vector<16xi32>
    %broadcast_in_dim3A_1161 = arith.constant true
    %broadcast_in_dim3A_1162 = vector.broadcast %broadcast_in_dim3A_1161 : i1 to vector<16xi1>
    %masked_cummax3A_1163 = arith.constant -2147483648 : i32
    %masked_cummax3A_1164 = vector.broadcast %masked_cummax3A_1163 : i32 to vector<16xi32>
    %masked_cummax3A_1165 = arith.xori %rev3A_1160, %masked_cummax3A_1164 : vector<16xi32>
    %masked_cummax3A_1166 = tpu.scan <max>, %masked_cummax3A_1165 masked %broadcast_in_dim3A_1162 : vector<16xi32>, vector<16xi1> -> vector<16xi32>
    %masked_cummax3A_1167 = arith.xori %masked_cummax3A_1166, %masked_cummax3A_1164 : vector<16xi32>
    %eq3A_1168 = arith.cmpi eq, %select_n3A_1148, %masked_cummax3A_1167 : vector<16xi32>
    %and3A_1169 = arith.andi %and3A_1142, %eq3A_1168 : vector<16xi1>
    %not3A_1170 = arith.constant dense<true> : vector<16xi1>
    %not3A_1171 = arith.xori %and3A_1169, %not3A_1170 : vector<16xi1>
    %and3A_1172 = arith.andi %and3A_1125, %not3A_1171 : vector<16xi1>
    %or3A_1173 = arith.ori %or3A_1126, %and3A_1169 : vector<16xi1>
    %jit3A_1174 = arith.constant -1.000000e+30 : f32
    %broadcast_in_dim3A_1175 = vector.broadcast %jit3A_1174 : f32 to vector<16xf32>
    %select_n3A_1176 = arith.select %and3A_1172, %get3A_1075, %broadcast_in_dim3A_1175 : vector<16xi1>, vector<16xf32>
    %broadcast_in_dim3A_1177 = arith.constant true
    %broadcast_in_dim3A_1178 = vector.broadcast %broadcast_in_dim3A_1177 : i1 to vector<16xi1>
    %masked_cummax3A_1179 = tpu.scan <max>, %select_n3A_1176 masked %broadcast_in_dim3A_1178 : vector<16xf32>, vector<16xi1> -> vector<16xf32>
    %rev3A_1180 = arith.constant 15 : i32
    %rev3A_1181 = vector.broadcast %rev3A_1180 : i32 to vector<16xi32>
    %rev3A_1182 = tpu.iota {dimensions = array<i32: 0>} : vector<16xi32>
    %rev3A_1183 = arith.subi %rev3A_1181, %rev3A_1182 : vector<16xi32>
    %rev3A_1184 = tpu.dynamic_gather %masked_cummax3A_1179[%rev3A_1183] in [0] : vector<16xf32>, vector<16xi32> -> vector<16xf32>
    %broadcast_in_dim3A_1185 = arith.constant true
    %broadcast_in_dim3A_1186 = vector.broadcast %broadcast_in_dim3A_1185 : i1 to vector<16xi1>
    %masked_cummax3A_1187 = tpu.scan <max>, %rev3A_1184 masked %broadcast_in_dim3A_1186 : vector<16xf32>, vector<16xi1> -> vector<16xf32>
    %eq3A_1188 = arith.cmpf oeq, %select_n3A_1176, %masked_cummax3A_1187 : vector<16xf32>
    %and3A_1189 = arith.andi %eq3A_1188, %and3A_1172 : vector<16xi1>
    %neg3A_1190 = arith.constant 0 : i32
    %neg3A_1191 = vector.broadcast %neg3A_1190 : i32 to vector<16xi32>
    %neg3A_1192 = arith.subi %neg3A_1191, %iota3A : vector<16xi32>
    %jit3A_1193 = arith.constant -16 : i32
    %broadcast_in_dim3A_1194 = vector.broadcast %jit3A_1193 : i32 to vector<16xi32>
    %select_n3A_1195 = arith.select %and3A_1189, %neg3A_1192, %broadcast_in_dim3A_1194 : vector<16xi1>, vector<16xi32>
    %broadcast_in_dim3A_1196 = arith.constant true
    %broadcast_in_dim3A_1197 = vector.broadcast %broadcast_in_dim3A_1196 : i1 to vector<16xi1>
    %masked_cummax3A_1198 = arith.constant -2147483648 : i32
    %masked_cummax3A_1199 = vector.broadcast %masked_cummax3A_1198 : i32 to vector<16xi32>
    %masked_cummax3A_1200 = arith.xori %select_n3A_1195, %masked_cummax3A_1199 : vector<16xi32>
    %masked_cummax3A_1201 = tpu.scan <max>, %masked_cummax3A_1200 masked %broadcast_in_dim3A_1197 : vector<16xi32>, vector<16xi1> -> vector<16xi32>
    %masked_cummax3A_1202 = arith.xori %masked_cummax3A_1201, %masked_cummax3A_1199 : vector<16xi32>
    %rev3A_1203 = arith.constant 15 : i32
    %rev3A_1204 = vector.broadcast %rev3A_1203 : i32 to vector<16xi32>
    %rev3A_1205 = tpu.iota {dimensions = array<i32: 0>} : vector<16xi32>
    %rev3A_1206 = arith.subi %rev3A_1204, %rev3A_1205 : vector<16xi32>
    %rev3A_1207 = tpu.dynamic_gather %masked_cummax3A_1202[%rev3A_1206] in [0] : vector<16xi32>, vector<16xi32> -> vector<16xi32>
    %broadcast_in_dim3A_1208 = arith.constant true
    %broadcast_in_dim3A_1209 = vector.broadcast %broadcast_in_dim3A_1208 : i1 to vector<16xi1>
    %masked_cummax3A_1210 = arith.constant -2147483648 : i32
    %masked_cummax3A_1211 = vector.broadcast %masked_cummax3A_1210 : i32 to vector<16xi32>
    %masked_cummax3A_1212 = arith.xori %rev3A_1207, %masked_cummax3A_1211 : vector<16xi32>
    %masked_cummax3A_1213 = tpu.scan <max>, %masked_cummax3A_1212 masked %broadcast_in_dim3A_1209 : vector<16xi32>, vector<16xi1> -> vector<16xi32>
    %masked_cummax3A_1214 = arith.xori %masked_cummax3A_1213, %masked_cummax3A_1211 : vector<16xi32>
    %eq3A_1215 = arith.cmpi eq, %select_n3A_1195, %masked_cummax3A_1214 : vector<16xi32>
    %and3A_1216 = arith.andi %and3A_1189, %eq3A_1215 : vector<16xi1>
    %not3A_1217 = arith.constant dense<true> : vector<16xi1>
    %not3A_1218 = arith.xori %and3A_1216, %not3A_1217 : vector<16xi1>
    %and3A_1219 = arith.andi %and3A_1172, %not3A_1218 : vector<16xi1>
    %or3A_1220 = arith.ori %or3A_1173, %and3A_1216 : vector<16xi1>
    %jit3A_1221 = arith.constant -1.000000e+30 : f32
    %broadcast_in_dim3A_1222 = vector.broadcast %jit3A_1221 : f32 to vector<16xf32>
    %select_n3A_1223 = arith.select %and3A_1219, %get3A_1075, %broadcast_in_dim3A_1222 : vector<16xi1>, vector<16xf32>
    %broadcast_in_dim3A_1224 = arith.constant true
    %broadcast_in_dim3A_1225 = vector.broadcast %broadcast_in_dim3A_1224 : i1 to vector<16xi1>
    %masked_cummax3A_1226 = tpu.scan <max>, %select_n3A_1223 masked %broadcast_in_dim3A_1225 : vector<16xf32>, vector<16xi1> -> vector<16xf32>
    %rev3A_1227 = arith.constant 15 : i32
    %rev3A_1228 = vector.broadcast %rev3A_1227 : i32 to vector<16xi32>
    %rev3A_1229 = tpu.iota {dimensions = array<i32: 0>} : vector<16xi32>
    %rev3A_1230 = arith.subi %rev3A_1228, %rev3A_1229 : vector<16xi32>
    %rev3A_1231 = tpu.dynamic_gather %masked_cummax3A_1226[%rev3A_1230] in [0] : vector<16xf32>, vector<16xi32> -> vector<16xf32>
    %broadcast_in_dim3A_1232 = arith.constant true
    %broadcast_in_dim3A_1233 = vector.broadcast %broadcast_in_dim3A_1232 : i1 to vector<16xi1>
    %masked_cummax3A_1234 = tpu.scan <max>, %rev3A_1231 masked %broadcast_in_dim3A_1233 : vector<16xf32>, vector<16xi1> -> vector<16xf32>
    %eq3A_1235 = arith.cmpf oeq, %select_n3A_1223, %masked_cummax3A_1234 : vector<16xf32>
    %and3A_1236 = arith.andi %eq3A_1235, %and3A_1219 : vector<16xi1>
    %neg3A_1237 = arith.constant 0 : i32
    %neg3A_1238 = vector.broadcast %neg3A_1237 : i32 to vector<16xi32>
    %neg3A_1239 = arith.subi %neg3A_1238, %iota3A : vector<16xi32>
    %jit3A_1240 = arith.constant -16 : i32
    %broadcast_in_dim3A_1241 = vector.broadcast %jit3A_1240 : i32 to vector<16xi32>
    %select_n3A_1242 = arith.select %and3A_1236, %neg3A_1239, %broadcast_in_dim3A_1241 : vector<16xi1>, vector<16xi32>
    %broadcast_in_dim3A_1243 = arith.constant true
    %broadcast_in_dim3A_1244 = vector.broadcast %broadcast_in_dim3A_1243 : i1 to vector<16xi1>
    %masked_cummax3A_1245 = arith.constant -2147483648 : i32
    %masked_cummax3A_1246 = vector.broadcast %masked_cummax3A_1245 : i32 to vector<16xi32>
    %masked_cummax3A_1247 = arith.xori %select_n3A_1242, %masked_cummax3A_1246 : vector<16xi32>
    %masked_cummax3A_1248 = tpu.scan <max>, %masked_cummax3A_1247 masked %broadcast_in_dim3A_1244 : vector<16xi32>, vector<16xi1> -> vector<16xi32>
    %masked_cummax3A_1249 = arith.xori %masked_cummax3A_1248, %masked_cummax3A_1246 : vector<16xi32>
    %rev3A_1250 = arith.constant 15 : i32
    %rev3A_1251 = vector.broadcast %rev3A_1250 : i32 to vector<16xi32>
    %rev3A_1252 = tpu.iota {dimensions = array<i32: 0>} : vector<16xi32>
    %rev3A_1253 = arith.subi %rev3A_1251, %rev3A_1252 : vector<16xi32>
    %rev3A_1254 = tpu.dynamic_gather %masked_cummax3A_1249[%rev3A_1253] in [0] : vector<16xi32>, vector<16xi32> -> vector<16xi32>
    %broadcast_in_dim3A_1255 = arith.constant true
    %broadcast_in_dim3A_1256 = vector.broadcast %broadcast_in_dim3A_1255 : i1 to vector<16xi1>
    %masked_cummax3A_1257 = arith.constant -2147483648 : i32
    %masked_cummax3A_1258 = vector.broadcast %masked_cummax3A_1257 : i32 to vector<16xi32>
    %masked_cummax3A_1259 = arith.xori %rev3A_1254, %masked_cummax3A_1258 : vector<16xi32>
    %masked_cummax3A_1260 = tpu.scan <max>, %masked_cummax3A_1259 masked %broadcast_in_dim3A_1256 : vector<16xi32>, vector<16xi1> -> vector<16xi32>
    %masked_cummax3A_1261 = arith.xori %masked_cummax3A_1260, %masked_cummax3A_1258 : vector<16xi32>
    %eq3A_1262 = arith.cmpi eq, %select_n3A_1242, %masked_cummax3A_1261 : vector<16xi32>
    %and3A_1263 = arith.andi %and3A_1236, %eq3A_1262 : vector<16xi1>
    %not3A_1264 = arith.constant dense<true> : vector<16xi1>
    %not3A_1265 = arith.xori %and3A_1263, %not3A_1264 : vector<16xi1>
    %and3A_1266 = arith.andi %and3A_1219, %not3A_1265 : vector<16xi1>
    %or3A_1267 = arith.ori %or3A_1220, %and3A_1263 : vector<16xi1>
    %sub3A_1268 = arith.subf %get3A_1075, %masked_cummax3A_1093 : vector<16xf32>
    %exp3A_1269 = math.exp %sub3A_1268 : vector<16xf32>
    %jit3A_1270 = arith.constant 0.000000e+00 : f32
    %broadcast_in_dim3A_1271 = vector.broadcast %jit3A_1270 : f32 to vector<16xf32>
    %select_n3A_1272 = arith.select %or3A_1267, %exp3A_1269, %broadcast_in_dim3A_1271 : vector<16xi1>, vector<16xf32>
    %broadcast_in_dim3A_1273 = arith.constant true
    %broadcast_in_dim3A_1274 = vector.broadcast %broadcast_in_dim3A_1273 : i1 to vector<16xi1>
    %masked_cumsum3A_1275 = tpu.scan <sum>, %select_n3A_1272 masked %broadcast_in_dim3A_1274 : vector<16xf32>, vector<16xi1> -> vector<16xf32>
    %rev3A_1276 = arith.constant 15 : i32
    %rev3A_1277 = vector.broadcast %rev3A_1276 : i32 to vector<16xi32>
    %rev3A_1278 = tpu.iota {dimensions = array<i32: 0>} : vector<16xi32>
    %rev3A_1279 = arith.subi %rev3A_1277, %rev3A_1278 : vector<16xi32>
    %rev3A_1280 = tpu.dynamic_gather %masked_cumsum3A_1275[%rev3A_1279] in [0] : vector<16xf32>, vector<16xi32> -> vector<16xf32>
    %broadcast_in_dim3A_1281 = arith.constant true
    %broadcast_in_dim3A_1282 = vector.broadcast %broadcast_in_dim3A_1281 : i1 to vector<16xi1>
    %masked_cummax3A_1283 = tpu.scan <max>, %rev3A_1280 masked %broadcast_in_dim3A_1282 : vector<16xf32>, vector<16xi1> -> vector<16xf32>
    %div3A_1284 = arith.divf %select_n3A_1272, %masked_cummax3A_1283 : vector<16xf32>
    %swap3A_1285 = arith.constant 5 : i32
    %swap3A_1286 = arith.index_cast %swap3A_1285 : i32 to index
    %swap3A_1287 = arith.constant 0 : index
    %swap3A_1288 = tpu.vector_load %arg5[%swap3A_1286, %swap3A_1287] {strides = array<i32>} : memref<8x16xf32, #tpu.memory_space<vmem>>, vector<16xf32>,
    tpu.vector_store %arg5[%swap3A_1286, %swap3A_1287], %div3A_1284 {strides = array<i32>} : memref<8x16xf32, #tpu.memory_space<vmem>>, vector<16xf32>,
    %get3A_1289 = arith.constant 6 : i32
    %get3A_1290 = arith.index_cast %get3A_1289 : i32 to index
    %get3A_1291 = arith.constant 0 : index
    %get3A_1292 = tpu.vector_load %arg4[%get3A_1290, %get3A_1291] {strides = array<i32>} : memref<8x16xf32, #tpu.memory_space<vmem>>, vector<16xf32>,
    %broadcast_in_dim3A_1293 = arith.constant true
    %broadcast_in_dim3A_1294 = vector.broadcast %broadcast_in_dim3A_1293 : i1 to vector<16xi1>
    %broadcast_in_dim3A_1295 = arith.constant false
    %broadcast_in_dim3A_1296 = vector.broadcast %broadcast_in_dim3A_1295 : i1 to vector<16xi1>
    %jit3A_1297 = arith.constant -1.000000e+30 : f32
    %broadcast_in_dim3A_1298 = vector.broadcast %jit3A_1297 : f32 to vector<16xf32>
    %select_n3A_1299 = arith.select %broadcast_in_dim3A_1294, %get3A_1292, %broadcast_in_dim3A_1298 : vector<16xi1>, vector<16xf32>
    %broadcast_in_dim3A_1300 = arith.constant true
    %broadcast_in_dim3A_1301 = vector.broadcast %broadcast_in_dim3A_1300 : i1 to vector<16xi1>
    %masked_cummax3A_1302 = tpu.scan <max>, %select_n3A_1299 masked %broadcast_in_dim3A_1301 : vector<16xf32>, vector<16xi1> -> vector<16xf32>
    %rev3A_1303 = arith.constant 15 : i32
    %rev3A_1304 = vector.broadcast %rev3A_1303 : i32 to vector<16xi32>
    %rev3A_1305 = tpu.iota {dimensions = array<i32: 0>} : vector<16xi32>
    %rev3A_1306 = arith.subi %rev3A_1304, %rev3A_1305 : vector<16xi32>
    %rev3A_1307 = tpu.dynamic_gather %masked_cummax3A_1302[%rev3A_1306] in [0] : vector<16xf32>, vector<16xi32> -> vector<16xf32>
    %broadcast_in_dim3A_1308 = arith.constant true
    %broadcast_in_dim3A_1309 = vector.broadcast %broadcast_in_dim3A_1308 : i1 to vector<16xi1>
    %masked_cummax3A_1310 = tpu.scan <max>, %rev3A_1307 masked %broadcast_in_dim3A_1309 : vector<16xf32>, vector<16xi1> -> vector<16xf32>
    %eq3A_1311 = arith.cmpf oeq, %select_n3A_1299, %masked_cummax3A_1310 : vector<16xf32>
    %and3A_1312 = arith.andi %eq3A_1311, %broadcast_in_dim3A_1294 : vector<16xi1>
    %neg3A_1313 = arith.constant 0 : i32
    %neg3A_1314 = vector.broadcast %neg3A_1313 : i32 to vector<16xi32>
    %neg3A_1315 = arith.subi %neg3A_1314, %iota3A : vector<16xi32>
    %jit3A_1316 = arith.constant -16 : i32
    %broadcast_in_dim3A_1317 = vector.broadcast %jit3A_1316 : i32 to vector<16xi32>
    %select_n3A_1318 = arith.select %and3A_1312, %neg3A_1315, %broadcast_in_dim3A_1317 : vector<16xi1>, vector<16xi32>
    %broadcast_in_dim3A_1319 = arith.constant true
    %broadcast_in_dim3A_1320 = vector.broadcast %broadcast_in_dim3A_1319 : i1 to vector<16xi1>
    %masked_cummax3A_1321 = arith.constant -2147483648 : i32
    %masked_cummax3A_1322 = vector.broadcast %masked_cummax3A_1321 : i32 to vector<16xi32>
    %masked_cummax3A_1323 = arith.xori %select_n3A_1318, %masked_cummax3A_1322 : vector<16xi32>
    %masked_cummax3A_1324 = tpu.scan <max>, %masked_cummax3A_1323 masked %broadcast_in_dim3A_1320 : vector<16xi32>, vector<16xi1> -> vector<16xi32>
    %masked_cummax3A_1325 = arith.xori %masked_cummax3A_1324, %masked_cummax3A_1322 : vector<16xi32>
    %rev3A_1326 = arith.constant 15 : i32
    %rev3A_1327 = vector.broadcast %rev3A_1326 : i32 to vector<16xi32>
    %rev3A_1328 = tpu.iota {dimensions = array<i32: 0>} : vector<16xi32>
    %rev3A_1329 = arith.subi %rev3A_1327, %rev3A_1328 : vector<16xi32>
    %rev3A_1330 = tpu.dynamic_gather %masked_cummax3A_1325[%rev3A_1329] in [0] : vector<16xi32>, vector<16xi32> -> vector<16xi32>
    %broadcast_in_dim3A_1331 = arith.constant true
    %broadcast_in_dim3A_1332 = vector.broadcast %broadcast_in_dim3A_1331 : i1 to vector<16xi1>
    %masked_cummax3A_1333 = arith.constant -2147483648 : i32
    %masked_cummax3A_1334 = vector.broadcast %masked_cummax3A_1333 : i32 to vector<16xi32>
    %masked_cummax3A_1335 = arith.xori %rev3A_1330, %masked_cummax3A_1334 : vector<16xi32>
    %masked_cummax3A_1336 = tpu.scan <max>, %masked_cummax3A_1335 masked %broadcast_in_dim3A_1332 : vector<16xi32>, vector<16xi1> -> vector<16xi32>
    %masked_cummax3A_1337 = arith.xori %masked_cummax3A_1336, %masked_cummax3A_1334 : vector<16xi32>
    %eq3A_1338 = arith.cmpi eq, %select_n3A_1318, %masked_cummax3A_1337 : vector<16xi32>
    %and3A_1339 = arith.andi %and3A_1312, %eq3A_1338 : vector<16xi1>
    %not3A_1340 = arith.constant dense<true> : vector<16xi1>
    %not3A_1341 = arith.xori %and3A_1339, %not3A_1340 : vector<16xi1>
    %and3A_1342 = arith.andi %broadcast_in_dim3A_1294, %not3A_1341 : vector<16xi1>
    %or3A_1343 = arith.ori %broadcast_in_dim3A_1296, %and3A_1339 : vector<16xi1>
    %jit3A_1344 = arith.constant -1.000000e+30 : f32
    %broadcast_in_dim3A_1345 = vector.broadcast %jit3A_1344 : f32 to vector<16xf32>
    %select_n3A_1346 = arith.select %and3A_1342, %get3A_1292, %broadcast_in_dim3A_1345 : vector<16xi1>, vector<16xf32>
    %broadcast_in_dim3A_1347 = arith.constant true
    %broadcast_in_dim3A_1348 = vector.broadcast %broadcast_in_dim3A_1347 : i1 to vector<16xi1>
    %masked_cummax3A_1349 = tpu.scan <max>, %select_n3A_1346 masked %broadcast_in_dim3A_1348 : vector<16xf32>, vector<16xi1> -> vector<16xf32>
    %rev3A_1350 = arith.constant 15 : i32
    %rev3A_1351 = vector.broadcast %rev3A_1350 : i32 to vector<16xi32>
    %rev3A_1352 = tpu.iota {dimensions = array<i32: 0>} : vector<16xi32>
    %rev3A_1353 = arith.subi %rev3A_1351, %rev3A_1352 : vector<16xi32>
    %rev3A_1354 = tpu.dynamic_gather %masked_cummax3A_1349[%rev3A_1353] in [0] : vector<16xf32>, vector<16xi32> -> vector<16xf32>
    %broadcast_in_dim3A_1355 = arith.constant true
    %broadcast_in_dim3A_1356 = vector.broadcast %broadcast_in_dim3A_1355 : i1 to vector<16xi1>
    %masked_cummax3A_1357 = tpu.scan <max>, %rev3A_1354 masked %broadcast_in_dim3A_1356 : vector<16xf32>, vector<16xi1> -> vector<16xf32>
    %eq3A_1358 = arith.cmpf oeq, %select_n3A_1346, %masked_cummax3A_1357 : vector<16xf32>
    %and3A_1359 = arith.andi %eq3A_1358, %and3A_1342 : vector<16xi1>
    %neg3A_1360 = arith.constant 0 : i32
    %neg3A_1361 = vector.broadcast %neg3A_1360 : i32 to vector<16xi32>
    %neg3A_1362 = arith.subi %neg3A_1361, %iota3A : vector<16xi32>
    %jit3A_1363 = arith.constant -16 : i32
    %broadcast_in_dim3A_1364 = vector.broadcast %jit3A_1363 : i32 to vector<16xi32>
    %select_n3A_1365 = arith.select %and3A_1359, %neg3A_1362, %broadcast_in_dim3A_1364 : vector<16xi1>, vector<16xi32>
    %broadcast_in_dim3A_1366 = arith.constant true
    %broadcast_in_dim3A_1367 = vector.broadcast %broadcast_in_dim3A_1366 : i1 to vector<16xi1>
    %masked_cummax3A_1368 = arith.constant -2147483648 : i32
    %masked_cummax3A_1369 = vector.broadcast %masked_cummax3A_1368 : i32 to vector<16xi32>
    %masked_cummax3A_1370 = arith.xori %select_n3A_1365, %masked_cummax3A_1369 : vector<16xi32>
    %masked_cummax3A_1371 = tpu.scan <max>, %masked_cummax3A_1370 masked %broadcast_in_dim3A_1367 : vector<16xi32>, vector<16xi1> -> vector<16xi32>
    %masked_cummax3A_1372 = arith.xori %masked_cummax3A_1371, %masked_cummax3A_1369 : vector<16xi32>
    %rev3A_1373 = arith.constant 15 : i32
    %rev3A_1374 = vector.broadcast %rev3A_1373 : i32 to vector<16xi32>
    %rev3A_1375 = tpu.iota {dimensions = array<i32: 0>} : vector<16xi32>
    %rev3A_1376 = arith.subi %rev3A_1374, %rev3A_1375 : vector<16xi32>
    %rev3A_1377 = tpu.dynamic_gather %masked_cummax3A_1372[%rev3A_1376] in [0] : vector<16xi32>, vector<16xi32> -> vector<16xi32>
    %broadcast_in_dim3A_1378 = arith.constant true
    %broadcast_in_dim3A_1379 = vector.broadcast %broadcast_in_dim3A_1378 : i1 to vector<16xi1>
    %masked_cummax3A_1380 = arith.constant -2147483648 : i32
    %masked_cummax3A_1381 = vector.broadcast %masked_cummax3A_1380 : i32 to vector<16xi32>
    %masked_cummax3A_1382 = arith.xori %rev3A_1377, %masked_cummax3A_1381 : vector<16xi32>
    %masked_cummax3A_1383 = tpu.scan <max>, %masked_cummax3A_1382 masked %broadcast_in_dim3A_1379 : vector<16xi32>, vector<16xi1> -> vector<16xi32>
    %masked_cummax3A_1384 = arith.xori %masked_cummax3A_1383, %masked_cummax3A_1381 : vector<16xi32>
    %eq3A_1385 = arith.cmpi eq, %select_n3A_1365, %masked_cummax3A_1384 : vector<16xi32>
    %and3A_1386 = arith.andi %and3A_1359, %eq3A_1385 : vector<16xi1>
    %not3A_1387 = arith.constant dense<true> : vector<16xi1>
    %not3A_1388 = arith.xori %and3A_1386, %not3A_1387 : vector<16xi1>
    %and3A_1389 = arith.andi %and3A_1342, %not3A_1388 : vector<16xi1>
    %or3A_1390 = arith.ori %or3A_1343, %and3A_1386 : vector<16xi1>
    %jit3A_1391 = arith.constant -1.000000e+30 : f32
    %broadcast_in_dim3A_1392 = vector.broadcast %jit3A_1391 : f32 to vector<16xf32>
    %select_n3A_1393 = arith.select %and3A_1389, %get3A_1292, %broadcast_in_dim3A_1392 : vector<16xi1>, vector<16xf32>
    %broadcast_in_dim3A_1394 = arith.constant true
    %broadcast_in_dim3A_1395 = vector.broadcast %broadcast_in_dim3A_1394 : i1 to vector<16xi1>
    %masked_cummax3A_1396 = tpu.scan <max>, %select_n3A_1393 masked %broadcast_in_dim3A_1395 : vector<16xf32>, vector<16xi1> -> vector<16xf32>
    %rev3A_1397 = arith.constant 15 : i32
    %rev3A_1398 = vector.broadcast %rev3A_1397 : i32 to vector<16xi32>
    %rev3A_1399 = tpu.iota {dimensions = array<i32: 0>} : vector<16xi32>
    %rev3A_1400 = arith.subi %rev3A_1398, %rev3A_1399 : vector<16xi32>
    %rev3A_1401 = tpu.dynamic_gather %masked_cummax3A_1396[%rev3A_1400] in [0] : vector<16xf32>, vector<16xi32> -> vector<16xf32>
    %broadcast_in_dim3A_1402 = arith.constant true
    %broadcast_in_dim3A_1403 = vector.broadcast %broadcast_in_dim3A_1402 : i1 to vector<16xi1>
    %masked_cummax3A_1404 = tpu.scan <max>, %rev3A_1401 masked %broadcast_in_dim3A_1403 : vector<16xf32>, vector<16xi1> -> vector<16xf32>
    %eq3A_1405 = arith.cmpf oeq, %select_n3A_1393, %masked_cummax3A_1404 : vector<16xf32>
    %and3A_1406 = arith.andi %eq3A_1405, %and3A_1389 : vector<16xi1>
    %neg3A_1407 = arith.constant 0 : i32
    %neg3A_1408 = vector.broadcast %neg3A_1407 : i32 to vector<16xi32>
    %neg3A_1409 = arith.subi %neg3A_1408, %iota3A : vector<16xi32>
    %jit3A_1410 = arith.constant -16 : i32
    %broadcast_in_dim3A_1411 = vector.broadcast %jit3A_1410 : i32 to vector<16xi32>
    %select_n3A_1412 = arith.select %and3A_1406, %neg3A_1409, %broadcast_in_dim3A_1411 : vector<16xi1>, vector<16xi32>
    %broadcast_in_dim3A_1413 = arith.constant true
    %broadcast_in_dim3A_1414 = vector.broadcast %broadcast_in_dim3A_1413 : i1 to vector<16xi1>
    %masked_cummax3A_1415 = arith.constant -2147483648 : i32
    %masked_cummax3A_1416 = vector.broadcast %masked_cummax3A_1415 : i32 to vector<16xi32>
    %masked_cummax3A_1417 = arith.xori %select_n3A_1412, %masked_cummax3A_1416 : vector<16xi32>
    %masked_cummax3A_1418 = tpu.scan <max>, %masked_cummax3A_1417 masked %broadcast_in_dim3A_1414 : vector<16xi32>, vector<16xi1> -> vector<16xi32>
    %masked_cummax3A_1419 = arith.xori %masked_cummax3A_1418, %masked_cummax3A_1416 : vector<16xi32>
    %rev3A_1420 = arith.constant 15 : i32
    %rev3A_1421 = vector.broadcast %rev3A_1420 : i32 to vector<16xi32>
    %rev3A_1422 = tpu.iota {dimensions = array<i32: 0>} : vector<16xi32>
    %rev3A_1423 = arith.subi %rev3A_1421, %rev3A_1422 : vector<16xi32>
    %rev3A_1424 = tpu.dynamic_gather %masked_cummax3A_1419[%rev3A_1423] in [0] : vector<16xi32>, vector<16xi32> -> vector<16xi32>
    %broadcast_in_dim3A_1425 = arith.constant true
    %broadcast_in_dim3A_1426 = vector.broadcast %broadcast_in_dim3A_1425 : i1 to vector<16xi1>
    %masked_cummax3A_1427 = arith.constant -2147483648 : i32
    %masked_cummax3A_1428 = vector.broadcast %masked_cummax3A_1427 : i32 to vector<16xi32>
    %masked_cummax3A_1429 = arith.xori %rev3A_1424, %masked_cummax3A_1428 : vector<16xi32>
    %masked_cummax3A_1430 = tpu.scan <max>, %masked_cummax3A_1429 masked %broadcast_in_dim3A_1426 : vector<16xi32>, vector<16xi1> -> vector<16xi32>
    %masked_cummax3A_1431 = arith.xori %masked_cummax3A_1430, %masked_cummax3A_1428 : vector<16xi32>
    %eq3A_1432 = arith.cmpi eq, %select_n3A_1412, %masked_cummax3A_1431 : vector<16xi32>
    %and3A_1433 = arith.andi %and3A_1406, %eq3A_1432 : vector<16xi1>
    %not3A_1434 = arith.constant dense<true> : vector<16xi1>
    %not3A_1435 = arith.xori %and3A_1433, %not3A_1434 : vector<16xi1>
    %and3A_1436 = arith.andi %and3A_1389, %not3A_1435 : vector<16xi1>
    %or3A_1437 = arith.ori %or3A_1390, %and3A_1433 : vector<16xi1>
    %jit3A_1438 = arith.constant -1.000000e+30 : f32
    %broadcast_in_dim3A_1439 = vector.broadcast %jit3A_1438 : f32 to vector<16xf32>
    %select_n3A_1440 = arith.select %and3A_1436, %get3A_1292, %broadcast_in_dim3A_1439 : vector<16xi1>, vector<16xf32>
    %broadcast_in_dim3A_1441 = arith.constant true
    %broadcast_in_dim3A_1442 = vector.broadcast %broadcast_in_dim3A_1441 : i1 to vector<16xi1>
    %masked_cummax3A_1443 = tpu.scan <max>, %select_n3A_1440 masked %broadcast_in_dim3A_1442 : vector<16xf32>, vector<16xi1> -> vector<16xf32>
    %rev3A_1444 = arith.constant 15 : i32
    %rev3A_1445 = vector.broadcast %rev3A_1444 : i32 to vector<16xi32>
    %rev3A_1446 = tpu.iota {dimensions = array<i32: 0>} : vector<16xi32>
    %rev3A_1447 = arith.subi %rev3A_1445, %rev3A_1446 : vector<16xi32>
    %rev3A_1448 = tpu.dynamic_gather %masked_cummax3A_1443[%rev3A_1447] in [0] : vector<16xf32>, vector<16xi32> -> vector<16xf32>
    %broadcast_in_dim3A_1449 = arith.constant true
    %broadcast_in_dim3A_1450 = vector.broadcast %broadcast_in_dim3A_1449 : i1 to vector<16xi1>
    %masked_cummax3A_1451 = tpu.scan <max>, %rev3A_1448 masked %broadcast_in_dim3A_1450 : vector<16xf32>, vector<16xi1> -> vector<16xf32>
    %eq3A_1452 = arith.cmpf oeq, %select_n3A_1440, %masked_cummax3A_1451 : vector<16xf32>
    %and3A_1453 = arith.andi %eq3A_1452, %and3A_1436 : vector<16xi1>
    %neg3A_1454 = arith.constant 0 : i32
    %neg3A_1455 = vector.broadcast %neg3A_1454 : i32 to vector<16xi32>
    %neg3A_1456 = arith.subi %neg3A_1455, %iota3A : vector<16xi32>
    %jit3A_1457 = arith.constant -16 : i32
    %broadcast_in_dim3A_1458 = vector.broadcast %jit3A_1457 : i32 to vector<16xi32>
    %select_n3A_1459 = arith.select %and3A_1453, %neg3A_1456, %broadcast_in_dim3A_1458 : vector<16xi1>, vector<16xi32>
    %broadcast_in_dim3A_1460 = arith.constant true
    %broadcast_in_dim3A_1461 = vector.broadcast %broadcast_in_dim3A_1460 : i1 to vector<16xi1>
    %masked_cummax3A_1462 = arith.constant -2147483648 : i32
    %masked_cummax3A_1463 = vector.broadcast %masked_cummax3A_1462 : i32 to vector<16xi32>
    %masked_cummax3A_1464 = arith.xori %select_n3A_1459, %masked_cummax3A_1463 : vector<16xi32>
    %masked_cummax3A_1465 = tpu.scan <max>, %masked_cummax3A_1464 masked %broadcast_in_dim3A_1461 : vector<16xi32>, vector<16xi1> -> vector<16xi32>
    %masked_cummax3A_1466 = arith.xori %masked_cummax3A_1465, %masked_cummax3A_1463 : vector<16xi32>
    %rev3A_1467 = arith.constant 15 : i32
    %rev3A_1468 = vector.broadcast %rev3A_1467 : i32 to vector<16xi32>
    %rev3A_1469 = tpu.iota {dimensions = array<i32: 0>} : vector<16xi32>
    %rev3A_1470 = arith.subi %rev3A_1468, %rev3A_1469 : vector<16xi32>
    %rev3A_1471 = tpu.dynamic_gather %masked_cummax3A_1466[%rev3A_1470] in [0] : vector<16xi32>, vector<16xi32> -> vector<16xi32>
    %broadcast_in_dim3A_1472 = arith.constant true
    %broadcast_in_dim3A_1473 = vector.broadcast %broadcast_in_dim3A_1472 : i1 to vector<16xi1>
    %masked_cummax3A_1474 = arith.constant -2147483648 : i32
    %masked_cummax3A_1475 = vector.broadcast %masked_cummax3A_1474 : i32 to vector<16xi32>
    %masked_cummax3A_1476 = arith.xori %rev3A_1471, %masked_cummax3A_1475 : vector<16xi32>
    %masked_cummax3A_1477 = tpu.scan <max>, %masked_cummax3A_1476 masked %broadcast_in_dim3A_1473 : vector<16xi32>, vector<16xi1> -> vector<16xi32>
    %masked_cummax3A_1478 = arith.xori %masked_cummax3A_1477, %masked_cummax3A_1475 : vector<16xi32>
    %eq3A_1479 = arith.cmpi eq, %select_n3A_1459, %masked_cummax3A_1478 : vector<16xi32>
    %and3A_1480 = arith.andi %and3A_1453, %eq3A_1479 : vector<16xi1>
    %not3A_1481 = arith.constant dense<true> : vector<16xi1>
    %not3A_1482 = arith.xori %and3A_1480, %not3A_1481 : vector<16xi1>
    %and3A_1483 = arith.andi %and3A_1436, %not3A_1482 : vector<16xi1>
    %or3A_1484 = arith.ori %or3A_1437, %and3A_1480 : vector<16xi1>
    %sub3A_1485 = arith.subf %get3A_1292, %masked_cummax3A_1310 : vector<16xf32>
    %exp3A_1486 = math.exp %sub3A_1485 : vector<16xf32>
    %jit3A_1487 = arith.constant 0.000000e+00 : f32
    %broadcast_in_dim3A_1488 = vector.broadcast %jit3A_1487 : f32 to vector<16xf32>
    %select_n3A_1489 = arith.select %or3A_1484, %exp3A_1486, %broadcast_in_dim3A_1488 : vector<16xi1>, vector<16xf32>
    %broadcast_in_dim3A_1490 = arith.constant true
    %broadcast_in_dim3A_1491 = vector.broadcast %broadcast_in_dim3A_1490 : i1 to vector<16xi1>
    %masked_cumsum3A_1492 = tpu.scan <sum>, %select_n3A_1489 masked %broadcast_in_dim3A_1491 : vector<16xf32>, vector<16xi1> -> vector<16xf32>
    %rev3A_1493 = arith.constant 15 : i32
    %rev3A_1494 = vector.broadcast %rev3A_1493 : i32 to vector<16xi32>
    %rev3A_1495 = tpu.iota {dimensions = array<i32: 0>} : vector<16xi32>
    %rev3A_1496 = arith.subi %rev3A_1494, %rev3A_1495 : vector<16xi32>
    %rev3A_1497 = tpu.dynamic_gather %masked_cumsum3A_1492[%rev3A_1496] in [0] : vector<16xf32>, vector<16xi32> -> vector<16xf32>
    %broadcast_in_dim3A_1498 = arith.constant true
    %broadcast_in_dim3A_1499 = vector.broadcast %broadcast_in_dim3A_1498 : i1 to vector<16xi1>
    %masked_cummax3A_1500 = tpu.scan <max>, %rev3A_1497 masked %broadcast_in_dim3A_1499 : vector<16xf32>, vector<16xi1> -> vector<16xf32>
    %div3A_1501 = arith.divf %select_n3A_1489, %masked_cummax3A_1500 : vector<16xf32>
    %swap3A_1502 = arith.constant 6 : i32
    %swap3A_1503 = arith.index_cast %swap3A_1502 : i32 to index
    %swap3A_1504 = arith.constant 0 : index
    %swap3A_1505 = tpu.vector_load %arg5[%swap3A_1503, %swap3A_1504] {strides = array<i32>} : memref<8x16xf32, #tpu.memory_space<vmem>>, vector<16xf32>,
    tpu.vector_store %arg5[%swap3A_1503, %swap3A_1504], %div3A_1501 {strides = array<i32>} : memref<8x16xf32, #tpu.memory_space<vmem>>, vector<16xf32>,
    %get3A_1506 = arith.constant 7 : i32
    %get3A_1507 = arith.index_cast %get3A_1506 : i32 to index
    %get3A_1508 = arith.constant 0 : index
    %get3A_1509 = tpu.vector_load %arg4[%get3A_1507, %get3A_1508] {strides = array<i32>} : memref<8x16xf32, #tpu.memory_space<vmem>>, vector<16xf32>,
    %broadcast_in_dim3A_1510 = arith.constant true
    %broadcast_in_dim3A_1511 = vector.broadcast %broadcast_in_dim3A_1510 : i1 to vector<16xi1>
    %broadcast_in_dim3A_1512 = arith.constant false
    %broadcast_in_dim3A_1513 = vector.broadcast %broadcast_in_dim3A_1512 : i1 to vector<16xi1>
    %jit3A_1514 = arith.constant -1.000000e+30 : f32
    %broadcast_in_dim3A_1515 = vector.broadcast %jit3A_1514 : f32 to vector<16xf32>
    %select_n3A_1516 = arith.select %broadcast_in_dim3A_1511, %get3A_1509, %broadcast_in_dim3A_1515 : vector<16xi1>, vector<16xf32>
    %broadcast_in_dim3A_1517 = arith.constant true
    %broadcast_in_dim3A_1518 = vector.broadcast %broadcast_in_dim3A_1517 : i1 to vector<16xi1>
    %masked_cummax3A_1519 = tpu.scan <max>, %select_n3A_1516 masked %broadcast_in_dim3A_1518 : vector<16xf32>, vector<16xi1> -> vector<16xf32>
    %rev3A_1520 = arith.constant 15 : i32
    %rev3A_1521 = vector.broadcast %rev3A_1520 : i32 to vector<16xi32>
    %rev3A_1522 = tpu.iota {dimensions = array<i32: 0>} : vector<16xi32>
    %rev3A_1523 = arith.subi %rev3A_1521, %rev3A_1522 : vector<16xi32>
    %rev3A_1524 = tpu.dynamic_gather %masked_cummax3A_1519[%rev3A_1523] in [0] : vector<16xf32>, vector<16xi32> -> vector<16xf32>
    %broadcast_in_dim3A_1525 = arith.constant true
    %broadcast_in_dim3A_1526 = vector.broadcast %broadcast_in_dim3A_1525 : i1 to vector<16xi1>
    %masked_cummax3A_1527 = tpu.scan <max>, %rev3A_1524 masked %broadcast_in_dim3A_1526 : vector<16xf32>, vector<16xi1> -> vector<16xf32>
    %eq3A_1528 = arith.cmpf oeq, %select_n3A_1516, %masked_cummax3A_1527 : vector<16xf32>
    %and3A_1529 = arith.andi %eq3A_1528, %broadcast_in_dim3A_1511 : vector<16xi1>
    %neg3A_1530 = arith.constant 0 : i32
    %neg3A_1531 = vector.broadcast %neg3A_1530 : i32 to vector<16xi32>
    %neg3A_1532 = arith.subi %neg3A_1531, %iota3A : vector<16xi32>
    %jit3A_1533 = arith.constant -16 : i32
    %broadcast_in_dim3A_1534 = vector.broadcast %jit3A_1533 : i32 to vector<16xi32>
    %select_n3A_1535 = arith.select %and3A_1529, %neg3A_1532, %broadcast_in_dim3A_1534 : vector<16xi1>, vector<16xi32>
    %broadcast_in_dim3A_1536 = arith.constant true
    %broadcast_in_dim3A_1537 = vector.broadcast %broadcast_in_dim3A_1536 : i1 to vector<16xi1>
    %masked_cummax3A_1538 = arith.constant -2147483648 : i32
    %masked_cummax3A_1539 = vector.broadcast %masked_cummax3A_1538 : i32 to vector<16xi32>
    %masked_cummax3A_1540 = arith.xori %select_n3A_1535, %masked_cummax3A_1539 : vector<16xi32>
    %masked_cummax3A_1541 = tpu.scan <max>, %masked_cummax3A_1540 masked %broadcast_in_dim3A_1537 : vector<16xi32>, vector<16xi1> -> vector<16xi32>
    %masked_cummax3A_1542 = arith.xori %masked_cummax3A_1541, %masked_cummax3A_1539 : vector<16xi32>
    %rev3A_1543 = arith.constant 15 : i32
    %rev3A_1544 = vector.broadcast %rev3A_1543 : i32 to vector<16xi32>
    %rev3A_1545 = tpu.iota {dimensions = array<i32: 0>} : vector<16xi32>
    %rev3A_1546 = arith.subi %rev3A_1544, %rev3A_1545 : vector<16xi32>
    %rev3A_1547 = tpu.dynamic_gather %masked_cummax3A_1542[%rev3A_1546] in [0] : vector<16xi32>, vector<16xi32> -> vector<16xi32>
    %broadcast_in_dim3A_1548 = arith.constant true
    %broadcast_in_dim3A_1549 = vector.broadcast %broadcast_in_dim3A_1548 : i1 to vector<16xi1>
    %masked_cummax3A_1550 = arith.constant -2147483648 : i32
    %masked_cummax3A_1551 = vector.broadcast %masked_cummax3A_1550 : i32 to vector<16xi32>
    %masked_cummax3A_1552 = arith.xori %rev3A_1547, %masked_cummax3A_1551 : vector<16xi32>
    %masked_cummax3A_1553 = tpu.scan <max>, %masked_cummax3A_1552 masked %broadcast_in_dim3A_1549 : vector<16xi32>, vector<16xi1> -> vector<16xi32>
    %masked_cummax3A_1554 = arith.xori %masked_cummax3A_1553, %masked_cummax3A_1551 : vector<16xi32>
    %eq3A_1555 = arith.cmpi eq, %select_n3A_1535, %masked_cummax3A_1554 : vector<16xi32>
    %and3A_1556 = arith.andi %and3A_1529, %eq3A_1555 : vector<16xi1>
    %not3A_1557 = arith.constant dense<true> : vector<16xi1>
    %not3A_1558 = arith.xori %and3A_1556, %not3A_1557 : vector<16xi1>
    %and3A_1559 = arith.andi %broadcast_in_dim3A_1511, %not3A_1558 : vector<16xi1>
    %or3A_1560 = arith.ori %broadcast_in_dim3A_1513, %and3A_1556 : vector<16xi1>
    %jit3A_1561 = arith.constant -1.000000e+30 : f32
    %broadcast_in_dim3A_1562 = vector.broadcast %jit3A_1561 : f32 to vector<16xf32>
    %select_n3A_1563 = arith.select %and3A_1559, %get3A_1509, %broadcast_in_dim3A_1562 : vector<16xi1>, vector<16xf32>
    %broadcast_in_dim3A_1564 = arith.constant true
    %broadcast_in_dim3A_1565 = vector.broadcast %broadcast_in_dim3A_1564 : i1 to vector<16xi1>
    %masked_cummax3A_1566 = tpu.scan <max>, %select_n3A_1563 masked %broadcast_in_dim3A_1565 : vector<16xf32>, vector<16xi1> -> vector<16xf32>
    %rev3A_1567 = arith.constant 15 : i32
    %rev3A_1568 = vector.broadcast %rev3A_1567 : i32 to vector<16xi32>
    %rev3A_1569 = tpu.iota {dimensions = array<i32: 0>} : vector<16xi32>
    %rev3A_1570 = arith.subi %rev3A_1568, %rev3A_1569 : vector<16xi32>
    %rev3A_1571 = tpu.dynamic_gather %masked_cummax3A_1566[%rev3A_1570] in [0] : vector<16xf32>, vector<16xi32> -> vector<16xf32>
    %broadcast_in_dim3A_1572 = arith.constant true
    %broadcast_in_dim3A_1573 = vector.broadcast %broadcast_in_dim3A_1572 : i1 to vector<16xi1>
    %masked_cummax3A_1574 = tpu.scan <max>, %rev3A_1571 masked %broadcast_in_dim3A_1573 : vector<16xf32>, vector<16xi1> -> vector<16xf32>
    %eq3A_1575 = arith.cmpf oeq, %select_n3A_1563, %masked_cummax3A_1574 : vector<16xf32>
    %and3A_1576 = arith.andi %eq3A_1575, %and3A_1559 : vector<16xi1>
    %neg3A_1577 = arith.constant 0 : i32
    %neg3A_1578 = vector.broadcast %neg3A_1577 : i32 to vector<16xi32>
    %neg3A_1579 = arith.subi %neg3A_1578, %iota3A : vector<16xi32>
    %jit3A_1580 = arith.constant -16 : i32
    %broadcast_in_dim3A_1581 = vector.broadcast %jit3A_1580 : i32 to vector<16xi32>
    %select_n3A_1582 = arith.select %and3A_1576, %neg3A_1579, %broadcast_in_dim3A_1581 : vector<16xi1>, vector<16xi32>
    %broadcast_in_dim3A_1583 = arith.constant true
    %broadcast_in_dim3A_1584 = vector.broadcast %broadcast_in_dim3A_1583 : i1 to vector<16xi1>
    %masked_cummax3A_1585 = arith.constant -2147483648 : i32
    %masked_cummax3A_1586 = vector.broadcast %masked_cummax3A_1585 : i32 to vector<16xi32>
    %masked_cummax3A_1587 = arith.xori %select_n3A_1582, %masked_cummax3A_1586 : vector<16xi32>
    %masked_cummax3A_1588 = tpu.scan <max>, %masked_cummax3A_1587 masked %broadcast_in_dim3A_1584 : vector<16xi32>, vector<16xi1> -> vector<16xi32>
    %masked_cummax3A_1589 = arith.xori %masked_cummax3A_1588, %masked_cummax3A_1586 : vector<16xi32>
    %rev3A_1590 = arith.constant 15 : i32
    %rev3A_1591 = vector.broadcast %rev3A_1590 : i32 to vector<16xi32>
    %rev3A_1592 = tpu.iota {dimensions = array<i32: 0>} : vector<16xi32>
    %rev3A_1593 = arith.subi %rev3A_1591, %rev3A_1592 : vector<16xi32>
    %rev3A_1594 = tpu.dynamic_gather %masked_cummax3A_1589[%rev3A_1593] in [0] : vector<16xi32>, vector<16xi32> -> vector<16xi32>
    %broadcast_in_dim3A_1595 = arith.constant true
    %broadcast_in_dim3A_1596 = vector.broadcast %broadcast_in_dim3A_1595 : i1 to vector<16xi1>
    %masked_cummax3A_1597 = arith.constant -2147483648 : i32
    %masked_cummax3A_1598 = vector.broadcast %masked_cummax3A_1597 : i32 to vector<16xi32>
    %masked_cummax3A_1599 = arith.xori %rev3A_1594, %masked_cummax3A_1598 : vector<16xi32>
    %masked_cummax3A_1600 = tpu.scan <max>, %masked_cummax3A_1599 masked %broadcast_in_dim3A_1596 : vector<16xi32>, vector<16xi1> -> vector<16xi32>
    %masked_cummax3A_1601 = arith.xori %masked_cummax3A_1600, %masked_cummax3A_1598 : vector<16xi32>
    %eq3A_1602 = arith.cmpi eq, %select_n3A_1582, %masked_cummax3A_1601 : vector<16xi32>
    %and3A_1603 = arith.andi %and3A_1576, %eq3A_1602 : vector<16xi1>
    %not3A_1604 = arith.constant dense<true> : vector<16xi1>
    %not3A_1605 = arith.xori %and3A_1603, %not3A_1604 : vector<16xi1>
    %and3A_1606 = arith.andi %and3A_1559, %not3A_1605 : vector<16xi1>
    %or3A_1607 = arith.ori %or3A_1560, %and3A_1603 : vector<16xi1>
    %jit3A_1608 = arith.constant -1.000000e+30 : f32
    %broadcast_in_dim3A_1609 = vector.broadcast %jit3A_1608 : f32 to vector<16xf32>
    %select_n3A_1610 = arith.select %and3A_1606, %get3A_1509, %broadcast_in_dim3A_1609 : vector<16xi1>, vector<16xf32>
    %broadcast_in_dim3A_1611 = arith.constant true
    %broadcast_in_dim3A_1612 = vector.broadcast %broadcast_in_dim3A_1611 : i1 to vector<16xi1>
    %masked_cummax3A_1613 = tpu.scan <max>, %select_n3A_1610 masked %broadcast_in_dim3A_1612 : vector<16xf32>, vector<16xi1> -> vector<16xf32>
    %rev3A_1614 = arith.constant 15 : i32
    %rev3A_1615 = vector.broadcast %rev3A_1614 : i32 to vector<16xi32>
    %rev3A_1616 = tpu.iota {dimensions = array<i32: 0>} : vector<16xi32>
    %rev3A_1617 = arith.subi %rev3A_1615, %rev3A_1616 : vector<16xi32>
    %rev3A_1618 = tpu.dynamic_gather %masked_cummax3A_1613[%rev3A_1617] in [0] : vector<16xf32>, vector<16xi32> -> vector<16xf32>
    %broadcast_in_dim3A_1619 = arith.constant true
    %broadcast_in_dim3A_1620 = vector.broadcast %broadcast_in_dim3A_1619 : i1 to vector<16xi1>
    %masked_cummax3A_1621 = tpu.scan <max>, %rev3A_1618 masked %broadcast_in_dim3A_1620 : vector<16xf32>, vector<16xi1> -> vector<16xf32>
    %eq3A_1622 = arith.cmpf oeq, %select_n3A_1610, %masked_cummax3A_1621 : vector<16xf32>
    %and3A_1623 = arith.andi %eq3A_1622, %and3A_1606 : vector<16xi1>
    %neg3A_1624 = arith.constant 0 : i32
    %neg3A_1625 = vector.broadcast %neg3A_1624 : i32 to vector<16xi32>
    %neg3A_1626 = arith.subi %neg3A_1625, %iota3A : vector<16xi32>
    %jit3A_1627 = arith.constant -16 : i32
    %broadcast_in_dim3A_1628 = vector.broadcast %jit3A_1627 : i32 to vector<16xi32>
    %select_n3A_1629 = arith.select %and3A_1623, %neg3A_1626, %broadcast_in_dim3A_1628 : vector<16xi1>, vector<16xi32>
    %broadcast_in_dim3A_1630 = arith.constant true
    %broadcast_in_dim3A_1631 = vector.broadcast %broadcast_in_dim3A_1630 : i1 to vector<16xi1>
    %masked_cummax3A_1632 = arith.constant -2147483648 : i32
    %masked_cummax3A_1633 = vector.broadcast %masked_cummax3A_1632 : i32 to vector<16xi32>
    %masked_cummax3A_1634 = arith.xori %select_n3A_1629, %masked_cummax3A_1633 : vector<16xi32>
    %masked_cummax3A_1635 = tpu.scan <max>, %masked_cummax3A_1634 masked %broadcast_in_dim3A_1631 : vector<16xi32>, vector<16xi1> -> vector<16xi32>
    %masked_cummax3A_1636 = arith.xori %masked_cummax3A_1635, %masked_cummax3A_1633 : vector<16xi32>
    %rev3A_1637 = arith.constant 15 : i32
    %rev3A_1638 = vector.broadcast %rev3A_1637 : i32 to vector<16xi32>
    %rev3A_1639 = tpu.iota {dimensions = array<i32: 0>} : vector<16xi32>
    %rev3A_1640 = arith.subi %rev3A_1638, %rev3A_1639 : vector<16xi32>
    %rev3A_1641 = tpu.dynamic_gather %masked_cummax3A_1636[%rev3A_1640] in [0] : vector<16xi32>, vector<16xi32> -> vector<16xi32>
    %broadcast_in_dim3A_1642 = arith.constant true
    %broadcast_in_dim3A_1643 = vector.broadcast %broadcast_in_dim3A_1642 : i1 to vector<16xi1>
    %masked_cummax3A_1644 = arith.constant -2147483648 : i32
    %masked_cummax3A_1645 = vector.broadcast %masked_cummax3A_1644 : i32 to vector<16xi32>
    %masked_cummax3A_1646 = arith.xori %rev3A_1641, %masked_cummax3A_1645 : vector<16xi32>
    %masked_cummax3A_1647 = tpu.scan <max>, %masked_cummax3A_1646 masked %broadcast_in_dim3A_1643 : vector<16xi32>, vector<16xi1> -> vector<16xi32>
    %masked_cummax3A_1648 = arith.xori %masked_cummax3A_1647, %masked_cummax3A_1645 : vector<16xi32>
    %eq3A_1649 = arith.cmpi eq, %select_n3A_1629, %masked_cummax3A_1648 : vector<16xi32>
    %and3A_1650 = arith.andi %and3A_1623, %eq3A_1649 : vector<16xi1>
    %not3A_1651 = arith.constant dense<true> : vector<16xi1>
    %not3A_1652 = arith.xori %and3A_1650, %not3A_1651 : vector<16xi1>
    %and3A_1653 = arith.andi %and3A_1606, %not3A_1652 : vector<16xi1>
    %or3A_1654 = arith.ori %or3A_1607, %and3A_1650 : vector<16xi1>
    %jit3A_1655 = arith.constant -1.000000e+30 : f32
    %broadcast_in_dim3A_1656 = vector.broadcast %jit3A_1655 : f32 to vector<16xf32>
    %select_n3A_1657 = arith.select %and3A_1653, %get3A_1509, %broadcast_in_dim3A_1656 : vector<16xi1>, vector<16xf32>
    %broadcast_in_dim3A_1658 = arith.constant true
    %broadcast_in_dim3A_1659 = vector.broadcast %broadcast_in_dim3A_1658 : i1 to vector<16xi1>
    %masked_cummax3A_1660 = tpu.scan <max>, %select_n3A_1657 masked %broadcast_in_dim3A_1659 : vector<16xf32>, vector<16xi1> -> vector<16xf32>
    %rev3A_1661 = arith.constant 15 : i32
    %rev3A_1662 = vector.broadcast %rev3A_1661 : i32 to vector<16xi32>
    %rev3A_1663 = tpu.iota {dimensions = array<i32: 0>} : vector<16xi32>
    %rev3A_1664 = arith.subi %rev3A_1662, %rev3A_1663 : vector<16xi32>
    %rev3A_1665 = tpu.dynamic_gather %masked_cummax3A_1660[%rev3A_1664] in [0] : vector<16xf32>, vector<16xi32> -> vector<16xf32>
    %broadcast_in_dim3A_1666 = arith.constant true
    %broadcast_in_dim3A_1667 = vector.broadcast %broadcast_in_dim3A_1666 : i1 to vector<16xi1>
    %masked_cummax3A_1668 = tpu.scan <max>, %rev3A_1665 masked %broadcast_in_dim3A_1667 : vector<16xf32>, vector<16xi1> -> vector<16xf32>
    %eq3A_1669 = arith.cmpf oeq, %select_n3A_1657, %masked_cummax3A_1668 : vector<16xf32>
    %and3A_1670 = arith.andi %eq3A_1669, %and3A_1653 : vector<16xi1>
    %neg3A_1671 = arith.constant 0 : i32
    %neg3A_1672 = vector.broadcast %neg3A_1671 : i32 to vector<16xi32>
    %neg3A_1673 = arith.subi %neg3A_1672, %iota3A : vector<16xi32>
    %jit3A_1674 = arith.constant -16 : i32
    %broadcast_in_dim3A_1675 = vector.broadcast %jit3A_1674 : i32 to vector<16xi32>
    %select_n3A_1676 = arith.select %and3A_1670, %neg3A_1673, %broadcast_in_dim3A_1675 : vector<16xi1>, vector<16xi32>
    %broadcast_in_dim3A_1677 = arith.constant true
    %broadcast_in_dim3A_1678 = vector.broadcast %broadcast_in_dim3A_1677 : i1 to vector<16xi1>
    %masked_cummax3A_1679 = arith.constant -2147483648 : i32
    %masked_cummax3A_1680 = vector.broadcast %masked_cummax3A_1679 : i32 to vector<16xi32>
    %masked_cummax3A_1681 = arith.xori %select_n3A_1676, %masked_cummax3A_1680 : vector<16xi32>
    %masked_cummax3A_1682 = tpu.scan <max>, %masked_cummax3A_1681 masked %broadcast_in_dim3A_1678 : vector<16xi32>, vector<16xi1> -> vector<16xi32>
    %masked_cummax3A_1683 = arith.xori %masked_cummax3A_1682, %masked_cummax3A_1680 : vector<16xi32>
    %rev3A_1684 = arith.constant 15 : i32
    %rev3A_1685 = vector.broadcast %rev3A_1684 : i32 to vector<16xi32>
    %rev3A_1686 = tpu.iota {dimensions = array<i32: 0>} : vector<16xi32>
    %rev3A_1687 = arith.subi %rev3A_1685, %rev3A_1686 : vector<16xi32>
    %rev3A_1688 = tpu.dynamic_gather %masked_cummax3A_1683[%rev3A_1687] in [0] : vector<16xi32>, vector<16xi32> -> vector<16xi32>
    %broadcast_in_dim3A_1689 = arith.constant true
    %broadcast_in_dim3A_1690 = vector.broadcast %broadcast_in_dim3A_1689 : i1 to vector<16xi1>
    %masked_cummax3A_1691 = arith.constant -2147483648 : i32
    %masked_cummax3A_1692 = vector.broadcast %masked_cummax3A_1691 : i32 to vector<16xi32>
    %masked_cummax3A_1693 = arith.xori %rev3A_1688, %masked_cummax3A_1692 : vector<16xi32>
    %masked_cummax3A_1694 = tpu.scan <max>, %masked_cummax3A_1693 masked %broadcast_in_dim3A_1690 : vector<16xi32>, vector<16xi1> -> vector<16xi32>
    %masked_cummax3A_1695 = arith.xori %masked_cummax3A_1694, %masked_cummax3A_1692 : vector<16xi32>
    %eq3A_1696 = arith.cmpi eq, %select_n3A_1676, %masked_cummax3A_1695 : vector<16xi32>
    %and3A_1697 = arith.andi %and3A_1670, %eq3A_1696 : vector<16xi1>
    %not3A_1698 = arith.constant dense<true> : vector<16xi1>
    %not3A_1699 = arith.xori %and3A_1697, %not3A_1698 : vector<16xi1>
    %and3A_1700 = arith.andi %and3A_1653, %not3A_1699 : vector<16xi1>
    %or3A_1701 = arith.ori %or3A_1654, %and3A_1697 : vector<16xi1>
    %sub3A_1702 = arith.subf %get3A_1509, %masked_cummax3A_1527 : vector<16xf32>
    %exp3A_1703 = math.exp %sub3A_1702 : vector<16xf32>
    %jit3A_1704 = arith.constant 0.000000e+00 : f32
    %broadcast_in_dim3A_1705 = vector.broadcast %jit3A_1704 : f32 to vector<16xf32>
    %select_n3A_1706 = arith.select %or3A_1701, %exp3A_1703, %broadcast_in_dim3A_1705 : vector<16xi1>, vector<16xf32>
    %broadcast_in_dim3A_1707 = arith.constant true
    %broadcast_in_dim3A_1708 = vector.broadcast %broadcast_in_dim3A_1707 : i1 to vector<16xi1>
    %masked_cumsum3A_1709 = tpu.scan <sum>, %select_n3A_1706 masked %broadcast_in_dim3A_1708 : vector<16xf32>, vector<16xi1> -> vector<16xf32>
    %rev3A_1710 = arith.constant 15 : i32
    %rev3A_1711 = vector.broadcast %rev3A_1710 : i32 to vector<16xi32>
    %rev3A_1712 = tpu.iota {dimensions = array<i32: 0>} : vector<16xi32>
    %rev3A_1713 = arith.subi %rev3A_1711, %rev3A_1712 : vector<16xi32>
    %rev3A_1714 = tpu.dynamic_gather %masked_cumsum3A_1709[%rev3A_1713] in [0] : vector<16xf32>, vector<16xi32> -> vector<16xf32>
    %broadcast_in_dim3A_1715 = arith.constant true
    %broadcast_in_dim3A_1716 = vector.broadcast %broadcast_in_dim3A_1715 : i1 to vector<16xi1>
    %masked_cummax3A_1717 = tpu.scan <max>, %rev3A_1714 masked %broadcast_in_dim3A_1716 : vector<16xf32>, vector<16xi1> -> vector<16xf32>
    %div3A_1718 = arith.divf %select_n3A_1706, %masked_cummax3A_1717 : vector<16xf32>
    %swap3A_1719 = arith.constant 7 : i32
    %swap3A_1720 = arith.index_cast %swap3A_1719 : i32 to index
    %swap3A_1721 = arith.constant 0 : index
    %swap3A_1722 = tpu.vector_load %arg5[%swap3A_1720, %swap3A_1721] {strides = array<i32>} : memref<8x16xf32, #tpu.memory_space<vmem>>, vector<16xf32>,
    tpu.vector_store %arg5[%swap3A_1720, %swap3A_1721], %div3A_1718 {strides = array<i32>} : memref<8x16xf32, #tpu.memory_space<vmem>>, vector<16xf32>,
    "tpu.region"() ({
      %run_scoped3A = tpu.sem_alloc : memref<!tpu.dma_semaphore, #tpu.memory_space<semaphore_mem>>
      %dma_start3A = arith.constant 0 : i32
      %dma_start3A_1723 = tpu.memref_slice %arg3[%mul3A_2, %dma_start3A] : memref<128x16xf32, #tpu.memory_space<hbm>> -> memref<8x16xf32, #tpu.memory_space<hbm>>
      %dma_start3A_1724 = arith.constant 0 : i32
      %dma_start3A_1725 = tpu.memref_slice %arg3[%mul3A_2, %dma_start3A_1724] : memref<128x16xf32, #tpu.memory_space<hbm>> -> memref<8x16xf32, #tpu.memory_space<hbm>>
      tpu.enqueue_dma source(%arg5 : memref<8x16xf32, #tpu.memory_space<vmem>>) target(%dma_start3A_1725 : memref<8x16xf32, #tpu.memory_space<hbm>>) target_semaphore(%run_scoped3A : memref<!tpu.dma_semaphore, #tpu.memory_space<semaphore_mem>>)
      %dma_wait3A = arith.constant 0 : i32
      %dma_wait3A_1726 = tpu.memref_slice %arg3[%mul3A_2, %dma_wait3A] : memref<128x16xf32, #tpu.memory_space<hbm>> -> memref<8x16xf32, #tpu.memory_space<hbm>>
      %dma_wait3A_1727 = arith.constant 0 : i32
      %dma_wait3A_1728 = tpu.memref_slice %arg3[%mul3A_2, %dma_wait3A_1727] : memref<128x16xf32, #tpu.memory_space<hbm>> -> memref<8x16xf32, #tpu.memory_space<hbm>>
      tpu.wait_dma2 semaphore(%run_scoped3A : memref<!tpu.dma_semaphore, #tpu.memory_space<semaphore_mem>>) src(%arg5 : memref<8x16xf32, #tpu.memory_space<vmem>>) dst(%dma_wait3A_1728 : memref<8x16xf32, #tpu.memory_space<hbm>>)
      tpu.yield
    }) : () -> ()
    return
  }
}

module attributes {stable_mosaic.version = 14 : i64} {
  func.func @_rms_router_body(%arg0: memref<128x3072xf32, #tpu.memory_space<vmem>>, %arg1: memref<1x3072xf32, #tpu.memory_space<vmem>>, %arg2: memref<16x3072xf32, #tpu.memory_space<vmem>>, %arg3: memref<1x16xf32, #tpu.memory_space<vmem>>, %arg4: memref<128x3072xf32, #tpu.memory_space<vmem>>, %arg5: memref<128x16xf32, #tpu.memory_space<vmem>>) attributes {dimension_semantics = [], scalar_prefetch = 0 : i64, scratch_operands = 0 : i64, tpu.core_type = #tpu.core_type<tc>} {
    %get3A = arith.constant 0 : index
    %get3A_0 = arith.constant 0 : index
    %get3A_1 = vector.load %arg0[%get3A, %get3A_0] : memref<128x3072xf32, #tpu.memory_space<vmem>>, vector<128x3072xf32>
    %mul3A = arith.mulf %get3A_1, %get3A_1 : vector<128x3072xf32>
    %reduce_sum3A = arith.constant dense<0.000000e+00> : vector<128xf32>
    %reduce_sum3A_2 = vector.multi_reduction <add>, %mul3A, %reduce_sum3A [1] : vector<128x3072xf32> to vector<128xf32>
    %broadcast_in_dim3A = vector.shape_cast %reduce_sum3A_2 : vector<128xf32> to vector<128x1xf32>
    %div3A = arith.constant 3.072000e+03 : f32
    %div3A_3 = vector.broadcast %div3A : f32 to vector<128x1xf32>
    %div3A_4 = arith.divf %broadcast_in_dim3A, %div3A_3 : vector<128x1xf32>
    %add3A = arith.constant 9.99999974E-6 : f32
    %add3A_5 = vector.broadcast %add3A : f32 to vector<128x1xf32>
    %add3A_6 = arith.addf %div3A_4, %add3A_5 : vector<128x1xf32>
    %rsqrt3A = math.rsqrt %add3A_6 : vector<128x1xf32>
    %mul3A_7 = vector.broadcast %rsqrt3A : vector<128x1xf32> to vector<128x3072xf32>
    %mul3A_8 = arith.mulf %get3A_1, %mul3A_7 : vector<128x3072xf32>
    %get3A_9 = arith.constant 0 : index
    %get3A_10 = arith.constant 0 : index
    %get3A_11 = vector.load %arg1[%get3A_9, %get3A_10] : memref<1x3072xf32, #tpu.memory_space<vmem>>, vector<1x3072xf32>
    %mul3A_12 = vector.broadcast %get3A_11 : vector<1x3072xf32> to vector<128x3072xf32>
    %mul3A_13 = arith.mulf %mul3A_8, %mul3A_12 : vector<128x3072xf32>
    %get3A_14 = arith.constant 0 : index
    %get3A_15 = arith.constant 0 : index
    %get3A_16 = vector.load %arg2[%get3A_14, %get3A_15] : memref<16x3072xf32, #tpu.memory_space<vmem>>, vector<16x3072xf32>
    %dot_general3A = arith.constant dense<0.000000e+00> : vector<128x16xf32>
    %dot_general3A_17 = tpu.matmul %mul3A_13, %get3A_16, %dot_general3A {dimension_numbers = #tpu.dot_dimension_numbers<[1], [1], [0], [0], [0, 0, 1, 0], [], []>, transpose_lhs_hint = false} : vector<128x3072xf32>, vector<16x3072xf32>, vector<128x16xf32> -> vector<128x16xf32>
    %get3A_18 = arith.constant 0 : index
    %get3A_19 = arith.constant 0 : index
    %get3A_20 = vector.load %arg3[%get3A_18, %get3A_19] : memref<1x16xf32, #tpu.memory_space<vmem>>, vector<1x16xf32>
    %add3A_21 = vector.broadcast %get3A_20 : vector<1x16xf32> to vector<128x16xf32>
    %add3A_22 = arith.addf %dot_general3A_17, %add3A_21 : vector<128x16xf32>
    %swap3A = arith.constant 0 : index
    %swap3A_23 = arith.constant 0 : index
    %swap3A_24 = vector.load %arg5[%swap3A, %swap3A_23] : memref<128x16xf32, #tpu.memory_space<vmem>>, vector<128x16xf32>
    tpu.vector_store %arg5[%swap3A, %swap3A_23], %add3A_22 {strides = array<i32>} : memref<128x16xf32, #tpu.memory_space<vmem>>, vector<128x16xf32>,
    %swap3A_25 = arith.constant 0 : index
    %swap3A_26 = arith.constant 0 : index
    %swap3A_27 = vector.load %arg4[%swap3A_25, %swap3A_26] : memref<128x3072xf32, #tpu.memory_space<vmem>>, vector<128x3072xf32>
    tpu.vector_store %arg4[%swap3A_25, %swap3A_26], %mul3A_13 {strides = array<i32>} : memref<128x3072xf32, #tpu.memory_space<vmem>>, vector<128x3072xf32>,
    return
  }
}

module attributes {stable_mosaic.version = 14 : i64} {
  func.func @_mlp_body(%arg0: i32, %arg1: i32, %arg2: memref<128x3072xf32, #tpu.memory_space<vmem>>, %arg3: memref<128x16xf32, #tpu.memory_space<vmem>>, %arg4: memref<128x3072xf32, #tpu.memory_space<vmem>>, %arg5: memref<1x3072x512xf32, #tpu.memory_space<vmem>>, %arg6: memref<1x3072x512xf32, #tpu.memory_space<vmem>>, %arg7: memref<1x1x512xf32, #tpu.memory_space<vmem>>, %arg8: memref<1x1x512xf32, #tpu.memory_space<vmem>>, %arg9: memref<1x512x3072xf32, #tpu.memory_space<vmem>>, %arg10: memref<16x3072xf32, #tpu.memory_space<vmem>>, %arg11: memref<128x3072xf32, #tpu.memory_space<vmem>>, %arg12: memref<128x16xf32, #tpu.memory_space<vmem>>) attributes {dimension_semantics = [#tpu.dimension_semantics<arbitrary>, #tpu.dimension_semantics<arbitrary>], iteration_bounds = array<i64: 16, 6>, scalar_prefetch = 0 : i64, scratch_operands = 1 : i64, tpu.core_type = #tpu.core_type<tc>, window_params = [{pipeline_mode = #tpu.pipeline_mode<synchronous>, transform_indices = @transform_0, window_bounds = array<i64: 128, 3072>}, {pipeline_mode = #tpu.pipeline_mode<synchronous>, transform_indices = @transform_1, window_bounds = array<i64: 128, 16>}, {pipeline_mode = #tpu.pipeline_mode<synchronous>, transform_indices = @transform_2, window_bounds = array<i64: 128, 3072>}, {transform_indices = @transform_3, window_bounds = array<i64: 1, 3072, 512>}, {transform_indices = @transform_4, window_bounds = array<i64: 1, 3072, 512>}, {transform_indices = @transform_5, window_bounds = array<i64: 1, 1, 512>}, {transform_indices = @transform_6, window_bounds = array<i64: 1, 1, 512>}, {transform_indices = @transform_7, window_bounds = array<i64: 1, 512, 3072>}, {pipeline_mode = #tpu.pipeline_mode<synchronous>, transform_indices = @transform_8, window_bounds = array<i64: 16, 3072>}, {pipeline_mode = #tpu.pipeline_mode<synchronous>, transform_indices = @transform_9, window_bounds = array<i64: 128, 3072>}]} {
    %eq3A = arith.constant 0 : i32
    %eq3A_0 = arith.cmpi eq, %arg0, %eq3A : i32
    %eq3A_1 = arith.constant 0 : i32
    %eq3A_2 = arith.cmpi eq, %arg1, %eq3A_1 : i32
    %and3A = arith.andi %eq3A_0, %eq3A_2 : i1
    %convert_element_type3A = arith.extui %and3A : i1 to i32
    %cond3A = arith.constant 0 : i32
    %cond3A_3 = arith.cmpi ne, %convert_element_type3A, %cond3A : i32
    scf.if %cond3A_3 {
      %get3A_61 = arith.constant 0 : index
      %get3A_62 = arith.constant 0 : index
      %get3A_63 = vector.load %arg3[%get3A_61, %get3A_62] : memref<128x16xf32, #tpu.memory_space<vmem>>, vector<128x16xf32>
      %iota3A_64 = tpu.iota {dimensions = array<i32: 1>} : vector<128x16xi32>
      %broadcast_in_dim3A = arith.constant true
      %broadcast_in_dim3A_65 = vector.broadcast %broadcast_in_dim3A : i1 to vector<128x16xi1>
      %jit3A = arith.constant -1.000000e+30 : f32
      %broadcast_in_dim3A_66 = vector.broadcast %jit3A : f32 to vector<128x16xf32>
      %select_n3A = arith.select %broadcast_in_dim3A_65, %get3A_63, %broadcast_in_dim3A_66 : vector<128x16xi1>, vector<128x16xf32>
      %reduce_max3A = arith.constant dense<0xFF800000> : vector<128xf32>
      %reduce_max3A_67 = vector.multi_reduction <maximumf>, %select_n3A, %reduce_max3A [1] : vector<128x16xf32> to vector<128xf32>
      %broadcast_in_dim3A_68 = vector.shape_cast %reduce_max3A_67 : vector<128xf32> to vector<128x1xf32>
      %eq3A_69 = vector.broadcast %broadcast_in_dim3A_68 : vector<128x1xf32> to vector<128x16xf32>
      %eq3A_70 = arith.cmpf oeq, %select_n3A, %eq3A_69 : vector<128x16xf32>
      %and3A_71 = arith.andi %eq3A_70, %broadcast_in_dim3A_65 : vector<128x16xi1>
      %jit3A_72 = arith.constant 16 : i32
      %broadcast_in_dim3A_73 = vector.broadcast %jit3A_72 : i32 to vector<128x16xi32>
      %select_n3A_74 = arith.select %and3A_71, %iota3A_64, %broadcast_in_dim3A_73 : vector<128x16xi1>, vector<128x16xi32>
      %reduce_min3A = arith.constant dense<2147483647> : vector<128xi32>
      %reduce_min3A_75 = vector.multi_reduction <minsi>, %select_n3A_74, %reduce_min3A [1] : vector<128x16xi32> to vector<128xi32>
      %broadcast_in_dim3A_76 = vector.shape_cast %reduce_min3A_75 : vector<128xi32> to vector<128x1xi32>
      %eq3A_77 = vector.broadcast %broadcast_in_dim3A_76 : vector<128x1xi32> to vector<128x16xi32>
      %eq3A_78 = arith.cmpi eq, %iota3A_64, %eq3A_77 : vector<128x16xi32>
      %not3A = arith.constant dense<true> : vector<128x16xi1>
      %not3A_79 = arith.xori %eq3A_78, %not3A : vector<128x16xi1>
      %and3A_80 = arith.andi %broadcast_in_dim3A_65, %not3A_79 : vector<128x16xi1>
      %jit3A_81 = arith.constant -1.000000e+30 : f32
      %broadcast_in_dim3A_82 = vector.broadcast %jit3A_81 : f32 to vector<128x16xf32>
      %select_n3A_83 = arith.select %and3A_80, %get3A_63, %broadcast_in_dim3A_82 : vector<128x16xi1>, vector<128x16xf32>
      %reduce_max3A_84 = arith.constant dense<0xFF800000> : vector<128xf32>
      %reduce_max3A_85 = vector.multi_reduction <maximumf>, %select_n3A_83, %reduce_max3A_84 [1] : vector<128x16xf32> to vector<128xf32>
      %broadcast_in_dim3A_86 = vector.shape_cast %reduce_max3A_85 : vector<128xf32> to vector<128x1xf32>
      %eq3A_87 = vector.broadcast %broadcast_in_dim3A_86 : vector<128x1xf32> to vector<128x16xf32>
      %eq3A_88 = arith.cmpf oeq, %select_n3A_83, %eq3A_87 : vector<128x16xf32>
      %and3A_89 = arith.andi %eq3A_88, %and3A_80 : vector<128x16xi1>
      %jit3A_90 = arith.constant 16 : i32
      %broadcast_in_dim3A_91 = vector.broadcast %jit3A_90 : i32 to vector<128x16xi32>
      %select_n3A_92 = arith.select %and3A_89, %iota3A_64, %broadcast_in_dim3A_91 : vector<128x16xi1>, vector<128x16xi32>
      %reduce_min3A_93 = arith.constant dense<2147483647> : vector<128xi32>
      %reduce_min3A_94 = vector.multi_reduction <minsi>, %select_n3A_92, %reduce_min3A_93 [1] : vector<128x16xi32> to vector<128xi32>
      %broadcast_in_dim3A_95 = vector.shape_cast %reduce_min3A_94 : vector<128xi32> to vector<128x1xi32>
      %eq3A_96 = vector.broadcast %broadcast_in_dim3A_95 : vector<128x1xi32> to vector<128x16xi32>
      %eq3A_97 = arith.cmpi eq, %iota3A_64, %eq3A_96 : vector<128x16xi32>
      %not3A_98 = arith.constant dense<true> : vector<128x16xi1>
      %not3A_99 = arith.xori %eq3A_97, %not3A_98 : vector<128x16xi1>
      %and3A_100 = arith.andi %and3A_80, %not3A_99 : vector<128x16xi1>
      %jit3A_101 = arith.constant -1.000000e+30 : f32
      %broadcast_in_dim3A_102 = vector.broadcast %jit3A_101 : f32 to vector<128x16xf32>
      %select_n3A_103 = arith.select %and3A_100, %get3A_63, %broadcast_in_dim3A_102 : vector<128x16xi1>, vector<128x16xf32>
      %reduce_max3A_104 = arith.constant dense<0xFF800000> : vector<128xf32>
      %reduce_max3A_105 = vector.multi_reduction <maximumf>, %select_n3A_103, %reduce_max3A_104 [1] : vector<128x16xf32> to vector<128xf32>
      %broadcast_in_dim3A_106 = vector.shape_cast %reduce_max3A_105 : vector<128xf32> to vector<128x1xf32>
      %eq3A_107 = vector.broadcast %broadcast_in_dim3A_106 : vector<128x1xf32> to vector<128x16xf32>
      %eq3A_108 = arith.cmpf oeq, %select_n3A_103, %eq3A_107 : vector<128x16xf32>
      %and3A_109 = arith.andi %eq3A_108, %and3A_100 : vector<128x16xi1>
      %jit3A_110 = arith.constant 16 : i32
      %broadcast_in_dim3A_111 = vector.broadcast %jit3A_110 : i32 to vector<128x16xi32>
      %select_n3A_112 = arith.select %and3A_109, %iota3A_64, %broadcast_in_dim3A_111 : vector<128x16xi1>, vector<128x16xi32>
      %reduce_min3A_113 = arith.constant dense<2147483647> : vector<128xi32>
      %reduce_min3A_114 = vector.multi_reduction <minsi>, %select_n3A_112, %reduce_min3A_113 [1] : vector<128x16xi32> to vector<128xi32>
      %broadcast_in_dim3A_115 = vector.shape_cast %reduce_min3A_114 : vector<128xi32> to vector<128x1xi32>
      %eq3A_116 = vector.broadcast %broadcast_in_dim3A_115 : vector<128x1xi32> to vector<128x16xi32>
      %eq3A_117 = arith.cmpi eq, %iota3A_64, %eq3A_116 : vector<128x16xi32>
      %not3A_118 = arith.constant dense<true> : vector<128x16xi1>
      %not3A_119 = arith.xori %eq3A_117, %not3A_118 : vector<128x16xi1>
      %and3A_120 = arith.andi %and3A_100, %not3A_119 : vector<128x16xi1>
      %jit3A_121 = arith.constant -1.000000e+30 : f32
      %broadcast_in_dim3A_122 = vector.broadcast %jit3A_121 : f32 to vector<128x16xf32>
      %select_n3A_123 = arith.select %and3A_120, %get3A_63, %broadcast_in_dim3A_122 : vector<128x16xi1>, vector<128x16xf32>
      %reduce_max3A_124 = arith.constant dense<0xFF800000> : vector<128xf32>
      %reduce_max3A_125 = vector.multi_reduction <maximumf>, %select_n3A_123, %reduce_max3A_124 [1] : vector<128x16xf32> to vector<128xf32>
      %broadcast_in_dim3A_126 = vector.shape_cast %reduce_max3A_125 : vector<128xf32> to vector<128x1xf32>
      %eq3A_127 = vector.broadcast %broadcast_in_dim3A_126 : vector<128x1xf32> to vector<128x16xf32>
      %eq3A_128 = arith.cmpf oeq, %select_n3A_123, %eq3A_127 : vector<128x16xf32>
      %and3A_129 = arith.andi %eq3A_128, %and3A_120 : vector<128x16xi1>
      %jit3A_130 = arith.constant 16 : i32
      %broadcast_in_dim3A_131 = vector.broadcast %jit3A_130 : i32 to vector<128x16xi32>
      %select_n3A_132 = arith.select %and3A_129, %iota3A_64, %broadcast_in_dim3A_131 : vector<128x16xi1>, vector<128x16xi32>
      %reduce_min3A_133 = arith.constant dense<2147483647> : vector<128xi32>
      %reduce_min3A_134 = vector.multi_reduction <minsi>, %select_n3A_132, %reduce_min3A_133 [1] : vector<128x16xi32> to vector<128xi32>
      %broadcast_in_dim3A_135 = vector.shape_cast %reduce_min3A_134 : vector<128xi32> to vector<128x1xi32>
      %eq3A_136 = vector.broadcast %broadcast_in_dim3A_135 : vector<128x1xi32> to vector<128x16xi32>
      %eq3A_137 = arith.cmpi eq, %iota3A_64, %eq3A_136 : vector<128x16xi32>
      %sub3A = arith.subf %broadcast_in_dim3A_68, %broadcast_in_dim3A_68 : vector<128x1xf32>
      %exp3A = math.exp %sub3A : vector<128x1xf32>
      %sub3A_138 = arith.subf %broadcast_in_dim3A_86, %broadcast_in_dim3A_68 : vector<128x1xf32>
      %exp3A_139 = math.exp %sub3A_138 : vector<128x1xf32>
      %sub3A_140 = arith.subf %broadcast_in_dim3A_106, %broadcast_in_dim3A_68 : vector<128x1xf32>
      %exp3A_141 = math.exp %sub3A_140 : vector<128x1xf32>
      %sub3A_142 = arith.subf %broadcast_in_dim3A_126, %broadcast_in_dim3A_68 : vector<128x1xf32>
      %exp3A_143 = math.exp %sub3A_142 : vector<128x1xf32>
      %add3A_144 = arith.addf %exp3A, %exp3A_139 : vector<128x1xf32>
      %add3A_145 = arith.addf %add3A_144, %exp3A_141 : vector<128x1xf32>
      %add3A_146 = arith.addf %add3A_145, %exp3A_143 : vector<128x1xf32>
      %broadcast_in_dim3A_147 = arith.constant 0.000000e+00 : f32
      %broadcast_in_dim3A_148 = vector.broadcast %broadcast_in_dim3A_147 : f32 to vector<128x16xf32>
      %convert_element_type3A_149 = arith.extui %eq3A_78 : vector<128x16xi1> to vector<128x16xi32>
      %convert_element_type3A_150 = arith.sitofp %convert_element_type3A_149 : vector<128x16xi32> to vector<128x16xf32>
      %div3A = arith.divf %exp3A, %add3A_146 : vector<128x1xf32>
      %mul3A_151 = vector.broadcast %div3A : vector<128x1xf32> to vector<128x16xf32>
      %mul3A_152 = arith.mulf %convert_element_type3A_150, %mul3A_151 : vector<128x16xf32>
      %add3A_153 = arith.addf %broadcast_in_dim3A_148, %mul3A_152 : vector<128x16xf32>
      %convert_element_type3A_154 = arith.extui %eq3A_97 : vector<128x16xi1> to vector<128x16xi32>
      %convert_element_type3A_155 = arith.sitofp %convert_element_type3A_154 : vector<128x16xi32> to vector<128x16xf32>
      %div3A_156 = arith.divf %exp3A_139, %add3A_146 : vector<128x1xf32>
      %mul3A_157 = vector.broadcast %div3A_156 : vector<128x1xf32> to vector<128x16xf32>
      %mul3A_158 = arith.mulf %convert_element_type3A_155, %mul3A_157 : vector<128x16xf32>
      %add3A_159 = arith.addf %add3A_153, %mul3A_158 : vector<128x16xf32>
      %convert_element_type3A_160 = arith.extui %eq3A_117 : vector<128x16xi1> to vector<128x16xi32>
      %convert_element_type3A_161 = arith.sitofp %convert_element_type3A_160 : vector<128x16xi32> to vector<128x16xf32>
      %div3A_162 = arith.divf %exp3A_141, %add3A_146 : vector<128x1xf32>
      %mul3A_163 = vector.broadcast %div3A_162 : vector<128x1xf32> to vector<128x16xf32>
      %mul3A_164 = arith.mulf %convert_element_type3A_161, %mul3A_163 : vector<128x16xf32>
      %add3A_165 = arith.addf %add3A_159, %mul3A_164 : vector<128x16xf32>
      %convert_element_type3A_166 = arith.extui %eq3A_137 : vector<128x16xi1> to vector<128x16xi32>
      %convert_element_type3A_167 = arith.sitofp %convert_element_type3A_166 : vector<128x16xi32> to vector<128x16xf32>
      %div3A_168 = arith.divf %exp3A_143, %add3A_146 : vector<128x1xf32>
      %mul3A_169 = vector.broadcast %div3A_168 : vector<128x1xf32> to vector<128x16xf32>
      %mul3A_170 = arith.mulf %convert_element_type3A_167, %mul3A_169 : vector<128x16xf32>
      %add3A_171 = arith.addf %add3A_165, %mul3A_170 : vector<128x16xf32>
      %swap3A_172 = arith.constant 0 : index
      %swap3A_173 = arith.constant 0 : index
      %swap3A_174 = vector.load %arg12[%swap3A_172, %swap3A_173] : memref<128x16xf32, #tpu.memory_space<vmem>>, vector<128x16xf32>
      tpu.vector_store %arg12[%swap3A_172, %swap3A_173], %add3A_171 {strides = array<i32>} : memref<128x16xf32, #tpu.memory_space<vmem>>, vector<128x16xf32>,
      %get3A_175 = arith.constant 0 : index
      %get3A_176 = arith.constant 0 : index
      %get3A_177 = vector.load %arg4[%get3A_175, %get3A_176] : memref<128x3072xf32, #tpu.memory_space<vmem>>, vector<128x3072xf32>
      %get3A_178 = arith.constant 0 : index
      %get3A_179 = arith.constant 0 : index
      %get3A_180 = vector.load %arg12[%get3A_178, %get3A_179] : memref<128x16xf32, #tpu.memory_space<vmem>>, vector<128x16xf32>
      %get3A_181 = arith.constant 0 : index
      %get3A_182 = arith.constant 0 : index
      %get3A_183 = vector.load %arg10[%get3A_181, %get3A_182] : memref<16x3072xf32, #tpu.memory_space<vmem>>, vector<16x3072xf32>
      %dot_general3A_184 = arith.constant dense<0.000000e+00> : vector<128x3072xf32>
      %dot_general3A_185 = tpu.matmul %get3A_180, %get3A_183, %dot_general3A_184 {dimension_numbers = #tpu.dot_dimension_numbers<[1], [0], [0], [1], [0, 0, 1, 1], [], []>, transpose_lhs_hint = false} : vector<128x16xf32>, vector<16x3072xf32>, vector<128x3072xf32> -> vector<128x3072xf32>
      %add3A_186 = arith.addf %get3A_177, %dot_general3A_185 : vector<128x3072xf32>
      %swap3A_187 = arith.constant 0 : index
      %swap3A_188 = arith.constant 0 : index
      %swap3A_189 = vector.load %arg11[%swap3A_187, %swap3A_188] : memref<128x3072xf32, #tpu.memory_space<vmem>>, vector<128x3072xf32>
      tpu.vector_store %arg11[%swap3A_187, %swap3A_188], %add3A_186 {strides = array<i32>} : memref<128x3072xf32, #tpu.memory_space<vmem>>, vector<128x3072xf32>,
    } else {
    }
    %get3A = arith.constant 0 : index
    %get3A_4 = arith.constant 0 : index
    %get3A_5 = vector.load %arg2[%get3A, %get3A_4] : memref<128x3072xf32, #tpu.memory_space<vmem>>, vector<128x3072xf32>
    %get3A_6 = arith.constant 0 : index
    %get3A_7 = arith.constant 0 : index
    %get3A_8 = arith.constant 0 : index
    %get3A_9 = vector.load %arg5[%get3A_6, %get3A_7, %get3A_8] : memref<1x3072x512xf32, #tpu.memory_space<vmem>>, vector<1x3072x512xf32>
    %get3A_10 = vector.shape_cast %get3A_9 : vector<1x3072x512xf32> to vector<3072x512xf32>
    %dot_general3A = arith.constant dense<0.000000e+00> : vector<128x512xf32>
    %dot_general3A_11 = tpu.matmul %get3A_5, %get3A_10, %dot_general3A {dimension_numbers = #tpu.dot_dimension_numbers<[1], [0], [0], [1], [0, 0, 1, 1], [], []>, transpose_lhs_hint = false} : vector<128x3072xf32>, vector<3072x512xf32>, vector<128x512xf32> -> vector<128x512xf32>
    %get3A_12 = arith.constant 0 : index
    %get3A_13 = arith.constant 0 : index
    %get3A_14 = arith.constant 0 : index
    %get3A_15 = vector.load %arg7[%get3A_12, %get3A_13, %get3A_14] : memref<1x1x512xf32, #tpu.memory_space<vmem>>, vector<1x1x512xf32>
    %get3A_16 = vector.shape_cast %get3A_15 : vector<1x1x512xf32> to vector<1x512xf32>
    %add3A = vector.broadcast %get3A_16 : vector<1x512xf32> to vector<128x512xf32>
    %add3A_17 = arith.addf %dot_general3A_11, %add3A : vector<128x512xf32>
    %get3A_18 = arith.constant 0 : index
    %get3A_19 = arith.constant 0 : index
    %get3A_20 = arith.constant 0 : index
    %get3A_21 = vector.load %arg6[%get3A_18, %get3A_19, %get3A_20] : memref<1x3072x512xf32, #tpu.memory_space<vmem>>, vector<1x3072x512xf32>
    %get3A_22 = vector.shape_cast %get3A_21 : vector<1x3072x512xf32> to vector<3072x512xf32>
    %dot_general3A_23 = arith.constant dense<0.000000e+00> : vector<128x512xf32>
    %dot_general3A_24 = tpu.matmul %get3A_5, %get3A_22, %dot_general3A_23 {dimension_numbers = #tpu.dot_dimension_numbers<[1], [0], [0], [1], [0, 0, 1, 1], [], []>, transpose_lhs_hint = false} : vector<128x3072xf32>, vector<3072x512xf32>, vector<128x512xf32> -> vector<128x512xf32>
    %get3A_25 = arith.constant 0 : index
    %get3A_26 = arith.constant 0 : index
    %get3A_27 = arith.constant 0 : index
    %get3A_28 = vector.load %arg8[%get3A_25, %get3A_26, %get3A_27] : memref<1x1x512xf32, #tpu.memory_space<vmem>>, vector<1x1x512xf32>
    %get3A_29 = vector.shape_cast %get3A_28 : vector<1x1x512xf32> to vector<1x512xf32>
    %add3A_30 = vector.broadcast %get3A_29 : vector<1x512xf32> to vector<128x512xf32>
    %add3A_31 = arith.addf %dot_general3A_24, %add3A_30 : vector<128x512xf32>
    %logistic3A = arith.negf %add3A_17 : vector<128x512xf32>
    %logistic3A_32 = math.exp %logistic3A : vector<128x512xf32>
    %logistic3A_33 = arith.constant 1.000000e+00 : f32
    %logistic3A_34 = vector.broadcast %logistic3A_33 : f32 to vector<128x512xf32>
    %logistic3A_35 = arith.addf %logistic3A_34, %logistic3A_32 : vector<128x512xf32>
    %logistic3A_36 = arith.divf %logistic3A_34, %logistic3A_35 : vector<128x512xf32>
    %mul3A = arith.mulf %add3A_31, %logistic3A_36 : vector<128x512xf32>
    %get3A_37 = arith.constant 0 : index
    %get3A_38 = arith.constant 0 : index
    %get3A_39 = arith.constant 0 : index
    %get3A_40 = vector.load %arg9[%get3A_37, %get3A_38, %get3A_39] : memref<1x512x3072xf32, #tpu.memory_space<vmem>>, vector<1x512x3072xf32>
    %get3A_41 = vector.shape_cast %get3A_40 : vector<1x512x3072xf32> to vector<512x3072xf32>
    %dot_general3A_42 = arith.constant dense<0.000000e+00> : vector<128x3072xf32>
    %dot_general3A_43 = tpu.matmul %mul3A, %get3A_41, %dot_general3A_42 {dimension_numbers = #tpu.dot_dimension_numbers<[1], [0], [0], [1], [0, 0, 1, 1], [], []>, transpose_lhs_hint = false} : vector<128x512xf32>, vector<512x3072xf32>, vector<128x3072xf32> -> vector<128x3072xf32>
    %iota3A = tpu.iota {dimensions = array<i32: 0>} : vector<16x1xi32>
    %eq3A_44 = vector.broadcast %arg0 : i32 to vector<16x1xi32>
    %eq3A_45 = arith.cmpi eq, %iota3A, %eq3A_44 : vector<16x1xi32>
    %convert_element_type3A_46 = arith.extui %eq3A_45 : vector<16x1xi1> to vector<16x1xi32>
    %convert_element_type3A_47 = arith.sitofp %convert_element_type3A_46 : vector<16x1xi32> to vector<16x1xf32>
    %get3A_48 = arith.constant 0 : index
    %get3A_49 = arith.constant 0 : index
    %get3A_50 = vector.load %arg12[%get3A_48, %get3A_49] : memref<128x16xf32, #tpu.memory_space<vmem>>, vector<128x16xf32>
    %dot_general3A_51 = arith.constant dense<0.000000e+00> : vector<128x1xf32>
    %dot_general3A_52 = tpu.matmul %get3A_50, %convert_element_type3A_47, %dot_general3A_51 {dimension_numbers = #tpu.dot_dimension_numbers<[1], [0], [0], [1], [0, 0, 1, 1], [], []>, transpose_lhs_hint = false} : vector<128x16xf32>, vector<16x1xf32>, vector<128x1xf32> -> vector<128x1xf32>
    %get3A_53 = arith.constant 0 : index
    %get3A_54 = arith.constant 0 : index
    %get3A_55 = vector.load %arg11[%get3A_53, %get3A_54] : memref<128x3072xf32, #tpu.memory_space<vmem>>, vector<128x3072xf32>
    %mul3A_56 = vector.broadcast %dot_general3A_52 : vector<128x1xf32> to vector<128x3072xf32>
    %mul3A_57 = arith.mulf %mul3A_56, %dot_general3A_43 : vector<128x3072xf32>
    %add3A_58 = arith.addf %get3A_55, %mul3A_57 : vector<128x3072xf32>
    %swap3A = arith.constant 0 : index
    %swap3A_59 = arith.constant 0 : index
    %swap3A_60 = vector.load %arg11[%swap3A, %swap3A_59] : memref<128x3072xf32, #tpu.memory_space<vmem>>, vector<128x3072xf32>
    tpu.vector_store %arg11[%swap3A, %swap3A_59], %add3A_58 {strides = array<i32>} : memref<128x3072xf32, #tpu.memory_space<vmem>>, vector<128x3072xf32>,
    return
  }
  func.func @transform_0(%arg0: i32, %arg1: i32) -> (i32, i32) {
    %c0_i32 = arith.constant 0 : i32
    %c0_i32_0 = arith.constant 0 : i32
    %c0_i32_1 = arith.constant 0 : i32
    return %c0_i32, %c0_i32_0 : i32, i32
  }
  func.func @transform_1(%arg0: i32, %arg1: i32) -> (i32, i32) {
    %c0_i32 = arith.constant 0 : i32
    %c0_i32_0 = arith.constant 0 : i32
    %c0_i32_1 = arith.constant 0 : i32
    return %c0_i32, %c0_i32_0 : i32, i32
  }
  func.func @transform_2(%arg0: i32, %arg1: i32) -> (i32, i32) {
    %c0_i32 = arith.constant 0 : i32
    %c0_i32_0 = arith.constant 0 : i32
    %c0_i32_1 = arith.constant 0 : i32
    return %c0_i32, %c0_i32_0 : i32, i32
  }
  func.func @transform_3(%arg0: i32, %arg1: i32) -> (i32, i32, i32) {
    %c0_i32 = arith.constant 0 : i32
    %c0_i32_0 = arith.constant 0 : i32
    return %arg0, %c0_i32, %arg1 : i32, i32, i32
  }
  func.func @transform_4(%arg0: i32, %arg1: i32) -> (i32, i32, i32) {
    %add3A = arith.constant 6 : i32
    %add3A_0 = arith.addi %arg1, %add3A : i32
    %c0_i32 = arith.constant 0 : i32
    %c0_i32_1 = arith.constant 0 : i32
    return %arg0, %c0_i32, %add3A_0 : i32, i32, i32
  }
  func.func @transform_5(%arg0: i32, %arg1: i32) -> (i32, i32, i32) {
    %c0_i32 = arith.constant 0 : i32
    %c0_i32_0 = arith.constant 0 : i32
    return %arg0, %c0_i32, %arg1 : i32, i32, i32
  }
  func.func @transform_6(%arg0: i32, %arg1: i32) -> (i32, i32, i32) {
    %add3A = arith.constant 6 : i32
    %add3A_0 = arith.addi %arg1, %add3A : i32
    %c0_i32 = arith.constant 0 : i32
    %c0_i32_1 = arith.constant 0 : i32
    return %arg0, %c0_i32, %add3A_0 : i32, i32, i32
  }
  func.func @transform_7(%arg0: i32, %arg1: i32) -> (i32, i32, i32) {
    %c0_i32 = arith.constant 0 : i32
    %c0_i32_0 = arith.constant 0 : i32
    return %arg0, %arg1, %c0_i32 : i32, i32, i32
  }
  func.func @transform_8(%arg0: i32, %arg1: i32) -> (i32, i32) {
    %c0_i32 = arith.constant 0 : i32
    %c0_i32_0 = arith.constant 0 : i32
    %c0_i32_1 = arith.constant 0 : i32
    return %c0_i32, %c0_i32_0 : i32, i32
  }
  func.func @transform_9(%arg0: i32, %arg1: i32) -> (i32, i32) {
    %c0_i32 = arith.constant 0 : i32
    %c0_i32_0 = arith.constant 0 : i32
    %c0_i32_1 = arith.constant 0 : i32
    return %c0_i32, %c0_i32_0 : i32, i32
  }
}

</mosaic_0001>

<sc_bundles>
// kernel: kernel.5.cloned.1.call-start
scs
__scs_entry_jumppad:
0x0: {  	(pc) =	sbr.rel $0x88, $3  }
0x1: {  	(tag) =	ssettag $0x0;
	lr =	simm.s32 $0x1  }
0x2: {  	[smem:$0x3F99] =	sst lr;
	_ =	strace $0xD0000000  }
0x3: {  	_ = 	snop  }
0x4: {  	_ = 	snop  }
0x5: {  	_ = 	snop  }
0x6: {  	_ = 	snop  }
0x7: {  	_ = 	snop  }
__scs_overlays_trampoline_lowered:
0x8: {  	[smem:$0x3FA8] =	sst s0  }
0x9: {  	[smem:$0x3FA9] =	sst s1  }
0xa: {  	[smem:$0x3FAA] =	sst s2  }
0xb: {  	[smem:$0x3FAB] =	sst s3  }
0xc: {  	[smem:$0x3FAC] =	sst s4  }
0xd: {  	[smem:$0x3FAD] =	sst s5  }
0xe: {  	[smem:$0x3FAE] =	sst s6  }
0xf: {  	[smem:$0x3FAF] =	sst s7  }
0x10: {  	[smem:$0x3FB0] =	sst s8  }
0x11: {  	[smem:$0x3FB1] =	sst s9;
	s0 =	simm.s32 @!p0 $0x0  }
0x12: {  	s1 =	sld [smem:$0x3F97];
	s0 =	simm.s32 @p0 $0x1  }
0x13: {  	[smem:$0x3FB2] =	sst s0;
	s0 =	simm.s32 @!p1 $0x0  }
0x14: {  	s2 =	sld [smem:$0x3F96];
	s0 =	simm.s32 @p1 $0x1  }
0x15: {  	[smem:$0x3FB3] =	sst s0;
	s0 =	simm.s32 @!p2 $0x0  }
0x16: {  	s3 =	sld [smem:$0x3FDB];
	s0 =	simm.s32 @p2 $0x1  }
0x17: {  	s4 =	simm.s32 $0x1BF5;
	[smem:$0x3FB5] =	sst s0  }
0x18: {  	s0 =	sld [smem:$0x3F98];
	_ =	swait.ge [sflag:s4], $0x0  }
0x19: {  	s7 =	sld [smem:$0x3F99]  }
0x1a: {  	s8 =	sadd.s32 $0xFFFFE003, lr  }
0x1b: {  	s9 =	sadd.s32 $0xFFFFFEF7, lr;
	s5 =	simm.s32 $0xFFFFFFFF;
	p2 =	slt.u32 s8, $0xFFFFF086  }
0x1c: {  	p1 =	slt.u32 s9, $0xF7A;
	s5 =	simm.s32 @!p2 $0x0  }
0x1d: {  	s5 =	simm.s32 @p1 $0x1;
	p0 =	seq.s32 s7, s2  }
0x1e: {  	s7 =	smul.u32 @!p0 $0xF7A, s2;
	p2 =	seq.s32 @!p0 s5, $0x0  }
0x1f: {  	s9 =	smul.u32 $0xF7A, s1;
	s8 =	simm.s32 @!p0 $0x1BF5;
	p2 =	por !p2, p0  }
0x20: {  	[sflag:s8] =	ssyncset.s32 @!p0 $0xFFFFF086;
	s6 =	sadd.s32 @!p0 s3, s7;
	s7 =	simm.s32 @!p0 $0x108  }
0x21: {  	s3 =	sadd.s32 s3, s9;
	s6 =	sadd.s32 @!p0 $0x88, s6;
	s7 =	simm.s32 @p2 $0x1082  }
0x22: {  	[simem:s7], [sflag:s8] =	dma.local @!p0 [hbm:s6], $0xF7A  }
0x23: {  	s9 =	sor.u32 $0xD0000000, s2;
	s6 =	simm.s32 $0x108;
	_ =	swait.ge @!p0 [sflag:s8], $0x0  }
0x24: {  	s3 =	sadd.s32 $0x88, s3;
	s6 =	simm.s32 @!p1 $0x1082;
	[sflag:s4] =	ssyncset.s32 $0xFFFFF086  }
0x25: {  	[simem:s6], [sflag:s4] =	dma.local [hbm:s3], $0xF7A  }
0x26: {  	[smem:$0x3F99] =	sst s1;
	(tag) =	ssettag s2;
	_ =	strace s9  }
0x27: {  	s1 =	sld [smem:$0x3FA9]  }
0x28: {  	s2 =	sld [smem:$0x3FAA]  }
0x29: {  	s4 =	sld [smem:$0x3FAC]  }
0x2a: {  	p0 =	seq.s32 s5, $0x0;
	s5 =	sld [smem:$0x3FAD]  }
0x2b: {  	s6 =	sld [smem:$0x3FAE]  }
0x2c: {  	s7 =	sld [smem:$0x3FAF]  }
0x2d: {  	s3 =	simm.s32 $0x108;
	s8 =	sld [smem:$0x3FB0]  }
0x2e: {  	s3 =	simm.s32 @!p0 $0x1082;
	s9 =	sld [smem:$0x3FB1]  }
0x2f: {  	lr =	sadd.s32 s0, s3;
	s0 =	sld [smem:$0x3FA8]  }
0x30: {  	s3 =	sld [smem:$0x3FAB]  }
0x31: {  	[smem:$0x3FB4] =	sst s10  }
0x32: {  	s10 =	sld [smem:$0x3FB2];
	_ =	sdelay $0x3  }
0x33: {  	p0 =	seq.s32 s10, $0x1;
	s10 =	sld [smem:$0x3FB4];
	_ =	sdelay $0x3  }
0x34: {  	[smem:$0x3FB4] =	sst s10  }
0x35: {  	s10 =	sld [smem:$0x3FB3];
	_ =	sdelay $0x3  }
0x36: {  	p1 =	seq.s32 s10, $0x1;
	s10 =	sld [smem:$0x3FB4];
	_ =	sdelay $0x3  }
0x37: {  	[smem:$0x3FB4] =	sst s10  }
0x38: {  	s10 =	sld [smem:$0x3FB5]  }
0x39: {  	_ = 	snop;
	(pc) =	sbr.ind lr, $3  }
0x3a: {  	_ = 	snop  }
0x3b: {  	_ = 	snop  }
0x3c: {  	p2 =	seq.s32 s10, $0x1;
	s10 =	sld [smem:$0x3FB4]  }
0x3d: {  	_ =	shalt  }
0x3e: {  	_ =	shalt  }
0x3f: {  	_ =	shalt  }
0x40: {  	_ =	shalt  }
0x41: {  	_ =	shalt  }
0x42: {  	_ =	shalt  }
0x43: {  	_ =	shalt  }
0x44: {  	_ =	shalt  }
0x45: {  	_ =	shalt  }
0x46: {  	_ =	shalt  }
0x47: {  	_ =	shalt  }
0x48: {  	_ =	shalt  }
0x49: {  	_ =	shalt  }
0x4a: {  	_ =	shalt  }
0x4b: {  	_ =	shalt  }
0x4c: {  	_ =	shalt  }
0x4d: {  	_ =	shalt  }
0x4e: {  	_ =	shalt  }
0x4f: {  	_ =	shalt  }
0x50: {  	_ =	shalt  }
0x51: {  	_ =	shalt  }
0x52: {  	_ =	shalt  }
0x53: {  	_ =	shalt  }
0x54: {  	_ =	shalt  }
0x55: {  	_ =	shalt  }
0x56: {  	_ =	shalt  }
0x57: {  	_ =	shalt  }
0x58: {  	_ =	shalt  }
0x59: {  	_ =	shalt  }
0x5a: {  	_ =	shalt  }
0x5b: {  	_ =	shalt  }
0x5c: {  	_ =	shalt  }
0x5d: {  	_ =	shalt  }
0x5e: {  	_ =	shalt  }
0x5f: {  	_ =	shalt  }
0x60: {  	_ =	shalt  }
0x61: {  	_ =	shalt  }
0x62: {  	_ =	shalt  }
0x63: {  	_ =	shalt  }
0x64: {  	_ =	shalt  }
0x65: {  	_ =	shalt  }
0x66: {  	_ =	shalt  }
0x67: {  	_ =	shalt  }
0x68: {  	_ =	shalt  }
0x69: {  	_ =	shalt  }
0x6a: {  	_ =	shalt  }
0x6b: {  	_ =	shalt  }
0x6c: {  	_ =	shalt  }
0x6d: {  	_ =	shalt  }
0x6e: {  	_ =	shalt  }
0x6f: {  	_ =	shalt  }
0x70: {  	_ =	shalt  }
0x71: {  	_ =	shalt  }
0x72: {  	_ =	shalt  }
0x73: {  	_ =	shalt  }
0x74: {  	_ =	shalt  }
0x75: {  	_ =	shalt  }
0x76: {  	_ =	shalt  }
0x77: {  	_ =	shalt  }
0x78: {  	_ =	shalt  }
0x79: {  	_ =	shalt  }
0x7a: {  	_ =	shalt  }
0x7b: {  	_ =	shalt  }
0x7c: {  	_ =	shalt  }
0x7d: {  	_ =	shalt  }
0x7e: {  	_ =	shalt  }
0x7f: {  	_ =	shalt  }
0x80: {  	_ =	shalt  }
0x81: {  	_ =	shalt  }
0x82: {  	_ =	shalt  }
0x83: {  	_ =	shalt  }
0x84: {  	_ =	shalt  }
0x85: {  	_ =	shalt  }
0x86: {  	_ =	shalt  }
0x87: {  	_ =	shalt  }
.Lfunc_end0:
.L_simem_size_0:
called_computation_lowered:
.L_overlay_start_0:
0x88: {  	s0 =	sld [smem:$0x3FD9]  }
0x89: {  	s1 =	sld [smem:$0x3FFE];
	_ =	sdelay $0x3  }
0x8a: {  	s0 =	sadd.s32 s1, s0  }
0x8b: {  	[smem:$0x3FC0] =	sst s0  }
0x8c: {  	_ = 	snop  }
0x8d: {  	(tm) =	ssettm $0x1  }
0x8e: {  	s15 =	sld [smem:$0x3FFB];
	_ =	sdelay $0x3  }
0x8f: {  	_ =	strace s15  }
0x90: {  	s0 =	sld [smem:$0x3FFC];
	_ =	sdelay $0x3  }
0x91: {  	_ =	strace s0  }
0x92: {  	s0 =	sld [smem:$0x3FFD];
	_ =	sdelay $0x3  }
0x93: {  	_ =	strace s0  }
0x94: {  	_ =	strace $0x8FFFFFFF  }
0x95: {  	s16 =	sld [smem:$0x3FDB];
	_ =	sdelay $0x1  }
0x96: {  	s17 =	simm.s32 $_scs_section_size  }
0x97: {  	s2 =	simm.s32 $_size__tile_overlayer_lowered;
	s3 =	simm.s32 $_tile_overlayer_lowered  }
0x98: {  	s20 =	simm.s32 $0x1BFF;
	s19 =	sshll.u32 s3, $0x1;
	s0 =	sadd.s32 s17, s16  }
0x99: {  	s4 =	simm.s32 $0x0;
	s18 =	sshll.u32 s2, $0x1;
	s2 =	sadd.s32 s19, s0  }
0x9a: {  	[timem:s4], [sflag:s20] =	dma.local [hbm:s2], s18  }
0x9b: {  	_ =	swait.ge [sflag:s20], s18  }
0x9c: {  	s1 =	ssub.s32 $0x0, s18;
	[sflag:s20] =	ssyncset.done $0x0  }
0x9d: {  	[sflag:s20] =	ssyncadd.s32 s1;
	_ =	sdelay $0x1  }
0x9e: {  	s21 =	simm.s32 $0x1B8B  }
0x9f: {  	_ =	swait.ge [sflag:s21], $0x1  }
0xa0: {  	[sflag:s21] =	ssyncset.done $0x0  }
0xa1: {  	s23 =	simm.s32 $0x1B8E;
	s22 =	sld [smem:$0x3FFE];
	[sflag:s21] =	ssyncadd.s32 $0xFFFFFFFF  }
0xa2: {  	s24 =	simm.s32 $execute0_lowered;
	[smem:$0x3FD2] =	sst s23  }
0xa3: {  	s2 =	sshll.u32 s24, $0x1;
	_ =	strace $0x80000046;
	[dreg:$0x1] =	wrdreg $0xFFFFFFFF  }
0xa4: {  	s25 =	simm.s32 $_size_execute0_lowered;
	s0 =	sadd.s32 s0, s2;
	[dreg:$0x0] =	wrdreg $0x0  }
0xa5: {  	s2 =	sshll.u32 s25, $0x1;
	[dreg:$0x2] =	wrdreg s0  }
0xa6: {  	[dreg:$0x3] =	wrdreg s2  }
0xa7: {  	[dreg:$0x4] =	wrdreg $0xC0  }
0xa8: {  	_ =	task [dreg:s4], $0x5FFFF  }
0xa9: {  	[dreg:$0x1] =	wrdreg $0xFFFFFFFF  }
0xaa: {  	[dreg:$0x0] =	wrdreg $0x60  }
0xab: {  	[dreg:$0x2] =	wrdreg s22  }
0xac: {  	[dreg:$0x3] =	wrdreg $0x9  }
0xad: {  	_ =	task.clear_ibuf [dreg:s4], $0x4FFFF;
	_ =	strace $0x90000046  }
0xae: {  	s26 =	simm.s32 $0x9;
	_ =	strace $0x80000048  }
0xaf: {  	_ =	swait.ge [sflag:s26], $0x1  }
0xb0: {  	[sflag:s26] =	ssyncadd.s32 $0xFFFFFFFF  }
0xb1: {  	_ =	strace $0x90000048  }
0xb2: {  	_ =	sfence  }
0xb3: {  	s28 =	sld [smem:$0x0];
	_ =	sdelay $0x1  }
0xb4: {  	s29 =	srdreg.scid  }
0xb5: {  	s30 =	sshll.u32 s29, $0xD;
	s31 =	sshrl.u32 s29, $0x2  }
0xb6: {  	s1 =	sand.u32 $0x1, s29;
	s2 =	sand.u32 $0x4000, s30;
	s0 =	sadd.s32 s31, s28  }
0xb7: {  	s1 =	sor.u32 s2, s1;
	s0 =	sshll.u32 s0, $0x11  }
0xb8: {  	s0 =	sor.u32 s0, s1  }
0xb9: {  	s0 =	sadd.s32 $0x8F2B, s0  }
0xba: {  	[sflag:s0] =	ssyncadd.remote.s32 $0x1  }
0xbb: {  	_ =	sfence.sel $0xFFFF  }
0xbc: {  	[dreg:$0x0] =	wrdreg $0xFFFFFFFF;
	(pc) =	sbr.abs _section_cstart, $3  }
0xbd: {  	[dreg:$0x1] =	wrdreg $0xFFFFFFFF  }
0xbe: {  	_ =	task.clear_ibuf [dreg:s4], $0x2FFFF;
	_ =	strace $0x9FFFFFFF  }
0xbf: {  	(tm) =	ssettm $0x7FFFFFFF  }
tec
execute0_lowered:
.L_overlay_start_1:
0x0: {  	(tag) =	ssettag $0x1  }
0x1: {  	s3 =	rddreg [dreg:$0x0];
	s1 =	stileid.u32  }
0x2: {  	s0 =	rddreg [dreg:$0x1];
	s2 =	simm.s32 $0x0;
	s4 =	sshll.u32 s1, $0x7  }
0x3: {  	[smem:$0x7FF] =	sst s2;
	s4 =	sadd.s32 s4, s3  }
0x4: {  	s31 =	simm.s32 $0x1;
	_ =	strace $0x80000047;
	s3 =	sadd.s32 $0xD400, s4  }
0x5: {  	[tilespmem:s2], [sflag:$0x1] =	stream.linear.gather [hbm4b:s3+s2], $0x400, $0x38;
	[tilespmem:$0x800] =	vst v63  }
0x6: {  	_ =	swait.ge [sflag:s31], $0x400  }
0x7: {  	[sflag:s31] =	ssyncset.done $0x0  }
0x8: {  	[sflag:s31] =	ssyncadd.s32 $0xFFFFFC00  }
0x9: {  	v2 =	vld [tilespmem:$0x0];
	_ =	sdelay $0x4  }
0xa: {  	(xrf0) =	vmax.scan.msk.f32 $0xffff, v2;
	_ =	sdelay $0x2  }
0xb: {  	v0 =	vlaneseq.u32  }
0xc: {  	v1 =	vmul.u32 $0xFFFFFFFF, v0;
	_ =	sdelay $0x1  }
0xd: {  	v0 =	vadd.s32 $0xF, v1;
	v3, _, _ =	vpop (xrf0)  }
0xe: {  	v3 =	vperm.xlane v3, v0;
	_ =	sdelay $0x1  }
0xf: {  	(xrf0) =	vmax.scan.msk.f32 $0xffff, v3;
	_ =	sdelay $0x5  }
0x10: {  	v3, _, _ =	vpop (xrf0)  }
0x11: {  	vm0 =	veq.f32 v2, v3  }
0x12: {  	v4 =	vnsel vm0, $0xFFFFFFF0, v1  }
0x13: {  	v5 =	vxor.u32 $0x80000000, v4  }
0x14: {  	(xrf0) =	vmax.scan.msk.u32 $0xffff, v5;
	_ =	sdelay $0x5  }
0x15: {  	v5, _, _ =	vpop (xrf0)  }
0x16: {  	v5 =	vxor.u32 $0x80000000, v5  }
0x17: {  	v5 =	vperm.xlane v5, v0;
	_ =	sdelay $0x1  }
0x18: {  	v5 =	vxor.u32 $0x80000000, v5  }
0x19: {  	(xrf0) =	vmax.scan.msk.u32 $0xffff, v5;
	_ =	sdelay $0x5  }
0x1a: {  	v5, _, _ =	vpop (xrf0)  }
0x1b: {  	v4 =	vxor.u32 v4, v5  }
0x1c: {  	vm1 =	veq.s32 v4, $0x80000000  }
0x1d: {  	vm0 =	vmand vm0, vm1  }
0x1e: {  	v15 =	vsel vm0, $0xF149F2CA, v2  }
0x1f: {  	(xrf0) =	vmax.scan.msk.f32 $0xffff, v15;
	_ =	sdelay $0x5  }
0x20: {  	v16, _, _ =	vpop (xrf0)  }
0x21: {  	v5 =	vperm.xlane v16, v0;
	_ =	sdelay $0x1  }
0x22: {  	(xrf0) =	vmax.scan.msk.f32 $0xffff, v5;
	_ =	sdelay $0x5  }
0x23: {  	v5, _, _ =	vpop (xrf0)  }
0x24: {  	vm1 =	vmneg vm0;
	vm2 =	veq.f32 v15, v5  }
0x25: {  	vm1 =	vmand vm2, vm1  }
0x26: {  	v17 =	vnsel vm1, $0xFFFFFFF0, v1  }
0x27: {  	v18 =	vxor.u32 $0x80000000, v17  }
0x28: {  	(xrf0) =	vmax.scan.msk.u32 $0xffff, v18;
	_ =	sdelay $0x5  }
0x29: {  	v5, _, _ =	vpop (xrf0)  }
0x2a: {  	v5 =	vxor.u32 $0x80000000, v5  }
0x2b: {  	v5 =	vperm.xlane v5, v0;
	_ =	sdelay $0x1  }
0x2c: {  	v5 =	vxor.u32 $0x80000000, v5  }
0x2d: {  	(xrf0) =	vmax.scan.msk.u32 $0xffff, v5;
	_ =	sdelay $0x5  }
0x2e: {  	v5, _, _ =	vpop (xrf0)  }
0x2f: {  	v4 =	vxor.u32 v5, v17  }
0x30: {  	vm12 =	veq.s32 v4, $0x80000000  }
0x31: {  	vm1 =	vmand vm1, vm12  }
0x32: {  	vm2 =	vmxor vm0, vm1  }
0x33: {  	v19 =	vsel vm2, $0xF149F2CA, v2  }
0x34: {  	(xrf0) =	vmax.scan.msk.f32 $0xffff, v19;
	_ =	sdelay $0x5  }
0x35: {  	v20, _, _ =	vpop (xrf0)  }
0x36: {  	v5 =	vperm.xlane v20, v0;
	_ =	sdelay $0x1  }
0x37: {  	(xrf0) =	vmax.scan.msk.f32 $0xffff, v5;
	_ =	sdelay $0x5  }
0x38: {  	v5, _, _ =	vpop (xrf0)  }
0x39: {  	vm3 =	vmneg vm2;
	vm4 =	veq.f32 v19, v5  }
0x3a: {  	vm3 =	vmand vm4, vm3  }
0x3b: {  	v21 =	vnsel vm3, $0xFFFFFFF0, v1  }
0x3c: {  	v22 =	vxor.u32 $0x80000000, v21  }
0x3d: {  	(xrf0) =	vmax.scan.msk.u32 $0xffff, v22;
	_ =	sdelay $0x5  }
0x3e: {  	v5, _, _ =	vpop (xrf0)  }
0x3f: {  	v5 =	vxor.u32 $0x80000000, v5  }
0x40: {  	v5 =	vperm.xlane v5, v0;
	_ =	sdelay $0x1  }
0x41: {  	v5 =	vxor.u32 $0x80000000, v5  }
0x42: {  	(xrf0) =	vmax.scan.msk.u32 $0xffff, v5;
	_ =	sdelay $0x5  }
0x43: {  	v5, _, _ =	vpop (xrf0)  }
0x44: {  	v4 =	vxor.u32 v5, v21  }
0x45: {  	vm13 =	veq.s32 v4, $0x80000000  }
0x46: {  	vm3 =	vmand vm3, vm13  }
0x47: {  	vm2 =	vmxor vm2, vm3  }
0x48: {  	v23 =	vsel vm2, $0xF149F2CA, v2  }
0x49: {  	(xrf0) =	vmax.scan.msk.f32 $0xffff, v23;
	_ =	sdelay $0x5  }
0x4a: {  	v24, _, _ =	vpop (xrf0)  }
0x4b: {  	v5 =	vperm.xlane v24, v0;
	_ =	sdelay $0x1  }
0x4c: {  	(xrf0) =	vmax.scan.msk.f32 $0xffff, v5;
	_ =	sdelay $0x5  }
0x4d: {  	v5, _, _ =	vpop (xrf0)  }
0x4e: {  	vm2 =	vmneg vm2;
	vm14 =	veq.f32 v23, v5  }
0x4f: {  	vm2 =	vmand vm14, vm2  }
0x50: {  	v25 =	vnsel vm2, $0xFFFFFFF0, v1  }
0x51: {  	v26 =	vxor.u32 $0x80000000, v25  }
0x52: {  	(xrf0) =	vmax.scan.msk.u32 $0xffff, v26;
	_ =	sdelay $0x5  }
0x53: {  	v5, _, _ =	vpop (xrf0)  }
0x54: {  	v5 =	vxor.u32 $0x80000000, v5  }
0x55: {  	v5 =	vperm.xlane v5, v0;
	_ =	sdelay $0x1  }
0x56: {  	v2 =	vsub.f32 v2, v3;
	v5 =	vxor.u32 $0x80000000, v5  }
0x57: {  	(xrf0) =	vmax.scan.msk.u32 $0xffff, v5  }
0x58: {  	v2 =	vmul.f32 $1.442695020e+00, v2;
	_ =	sdelay $0x1  }
0x59: {  	(erf) = vpow2.f32 v2;
	_ =	sdelay $0x2  }
0x5a: {  	v27, _, _ =	vpop (xrf0)  }
0x5b: {  	v2 =	vxor.u32 v27, v25  }
0x5c: {  	vm15 =	veq.s32 v2, $0x80000000  }
0x5d: {  	vm2 =	vmand vm2, vm15  }
0x5e: {  	vm1 =	vmor vm1, vm2  }
0x5f: {  	vm0 =	vmor vm0, vm1  }
0x60: {  	v28 =	vpop (erf);
	vm0 =	vmor vm3, vm0  }
0x61: {  	v2 =	vnsel vm0, $0x0, v28  }
0x62: {  	(xrf2) =	vadd.scan.msk.f32 $0xffff, v2;
	_ =	sdelay $0x8  }
0x63: {  	v29 =	vld [tilespmem:$0x80]  }
0x64: {  	v30, _, _ =	vpop (xrf2)  }
0x65: {  	v4 =	vperm.xlane v30, v0;
	_ =	sdelay $0x1  }
0x66: {  	(xrf0) =	vmax.scan.msk.f32 $0xffff, v4  }
0x67: {  	(xrf0) =	vmax.scan.msk.f32 $0xffff, v29;
	_ =	sdelay $0x4  }
0x68: {  	v4, _, _ =	vpop (xrf0)  }
0x69: {  	v31, _, _ =	vpop (xrf0)  }
0x6a: {  	v5 =	vperm.xlane v31, v0;
	_ =	sdelay $0x1  }
0x6b: {  	(xrf0) =	vmax.scan.msk.f32 $0xffff, v5;
	_ =	sdelay $0x5  }
0x6c: {  	v5, _, _ =	vpop (xrf0)  }
0x6d: {  	vm7 =	veq.f32 v29, v5  }
0x6e: {  	v6 =	vnsel vm7, $0xFFFFFFF0, v1  }
0x6f: {  	v7 =	vxor.u32 $0x80000000, v6  }
0x70: {  	(xrf0) =	vmax.scan.msk.u32 $0xffff, v7;
	_ =	sdelay $0x5  }
0x71: {  	v7, _, _ =	vpop (xrf0)  }
0x72: {  	v7 =	vxor.u32 $0x80000000, v7  }
0x73: {  	v7 =	vperm.xlane v7, v0;
	_ =	sdelay $0x1  }
0x74: {  	v7 =	vxor.u32 $0x80000000, v7  }
0x75: {  	(xrf0) =	vmax.scan.msk.u32 $0xffff, v7;
	_ =	sdelay $0x5  }
0x76: {  	v7, _, _ =	vpop (xrf0)  }
0x77: {  	v6 =	vxor.u32 v6, v7  }
0x78: {  	vm8 =	veq.s32 v6, $0x80000000  }
0x79: {  	vm0 =	vmand vm7, vm8  }
0x7a: {  	v32 =	vsel vm0, $0xF149F2CA, v29  }
0x7b: {  	(xrf0) =	vmax.scan.msk.f32 $0xffff, v32;
	_ =	sdelay $0x5  }
0x7c: {  	v33, _, _ =	vpop (xrf0)  }
0x7d: {  	v7 =	vperm.xlane v33, v0;
	_ =	sdelay $0x1  }
0x7e: {  	(xrf0) =	vmax.scan.msk.f32 $0xffff, v7;
	_ =	sdelay $0x5  }
0x7f: {  	v7, _, _ =	vpop (xrf0)  }
0x80: {  	vm1 =	vmneg vm0;
	vm9 =	veq.f32 v32, v7  }
0x81: {  	vm1 =	vmand vm9, vm1  }
0x82: {  	v34 =	vnsel vm1, $0xFFFFFFF0, v1  }
0x83: {  	v35 =	vxor.u32 $0x80000000, v34  }
0x84: {  	(xrf0) =	vmax.scan.msk.u32 $0xffff, v35;
	_ =	sdelay $0x5  }
0x85: {  	v7, _, _ =	vpop (xrf0)  }
0x86: {  	v7 =	vxor.u32 $0x80000000, v7  }
0x87: {  	v7 =	vperm.xlane v7, v0;
	_ =	sdelay $0x1  }
0x88: {  	v7 =	vxor.u32 $0x80000000, v7  }
0x89: {  	(xrf0) =	vmax.scan.msk.u32 $0xffff, v7;
	_ =	sdelay $0x5  }
0x8a: {  	v7, _, _ =	vpop (xrf0)  }
0x8b: {  	v6 =	vxor.u32 v7, v34  }
0x8c: {  	vm10 =	veq.s32 v6, $0x80000000  }
0x8d: {  	vm1 =	vmand vm1, vm10  }
0x8e: {  	vm2 =	vmxor vm0, vm1  }
0x8f: {  	v36 =	vsel vm2, $0xF149F2CA, v29  }
0x90: {  	(xrf0) =	vmax.scan.msk.f32 $0xffff, v36;
	_ =	sdelay $0x5  }
0x91: {  	v37, _, _ =	vpop (xrf0)  }
0x92: {  	v7 =	vperm.xlane v37, v0;
	_ =	sdelay $0x1  }
0x93: {  	(xrf0) =	vmax.scan.msk.f32 $0xffff, v7;
	_ =	sdelay $0x5  }
0x94: {  	v7, _, _ =	vpop (xrf0)  }
0x95: {  	vm11 =	vmneg vm2;
	vm12 =	veq.f32 v36, v7  }
0x96: {  	vm3 =	vmand vm12, vm11  }
0x97: {  	v38 =	vnsel vm3, $0xFFFFFFF0, v1  }
0x98: {  	v39 =	vxor.u32 $0x80000000, v38  }
0x99: {  	(xrf0) =	vmax.scan.msk.u32 $0xffff, v39;
	_ =	sdelay $0x5  }
0x9a: {  	v7, _, _ =	vpop (xrf0)  }
0x9b: {  	v7 =	vxor.u32 $0x80000000, v7  }
0x9c: {  	v7 =	vperm.xlane v7, v0;
	_ =	sdelay $0x1  }
0x9d: {  	v7 =	vxor.u32 $0x80000000, v7  }
0x9e: {  	(xrf0) =	vmax.scan.msk.u32 $0xffff, v7;
	_ =	sdelay $0x5  }
0x9f: {  	v7, _, _ =	vpop (xrf0)  }
0xa0: {  	v6 =	vxor.u32 v7, v38  }
0xa1: {  	vm13 =	veq.s32 v6, $0x80000000  }
0xa2: {  	vm3 =	vmand vm3, vm13  }
0xa3: {  	vm2 =	vmxor vm2, vm3  }
0xa4: {  	v40 =	vsel vm2, $0xF149F2CA, v29  }
0xa5: {  	(xrf0) =	vmax.scan.msk.f32 $0xffff, v40;
	_ =	sdelay $0x5  }
0xa6: {  	v41, _, _ =	vpop (xrf0)  }
0xa7: {  	v7 =	vperm.xlane v41, v0;
	_ =	sdelay $0x1  }
0xa8: {  	(xrf0) =	vmax.scan.msk.f32 $0xffff, v7;
	_ =	sdelay $0x5  }
0xa9: {  	v7, _, _ =	vpop (xrf0)  }
0xaa: {  	vm2 =	vmneg vm2;
	vm14 =	veq.f32 v40, v7  }
0xab: {  	vm2 =	vmand vm14, vm2  }
0xac: {  	v42 =	vnsel vm2, $0xFFFFFFF0, v1  }
0xad: {  	v43 =	vxor.u32 $0x80000000, v42  }
0xae: {  	(xrf0) =	vmax.scan.msk.u32 $0xffff, v43;
	_ =	sdelay $0x5  }
0xaf: {  	v7, _, _ =	vpop (xrf0)  }
0xb0: {  	v7 =	vxor.u32 $0x80000000, v7  }
0xb1: {  	v7 =	vperm.xlane v7, v0;
	_ =	sdelay $0x1  }
0xb2: {  	v3 =	vsub.f32 v29, v5;
	v7 =	vxor.u32 $0x80000000, v7  }
0xb3: {  	(xrf0) =	vmax.scan.msk.u32 $0xffff, v7  }
0xb4: {  	v3 =	vmul.f32 $1.442695020e+00, v3  }
0xb5: {  	(erf) = vrcp.f32 v4  }
0xb6: {  	(erf) = vpow2.f32 v3;
	_ =	sdelay $0x2  }
0xb7: {  	v44, _, _ =	vpop (xrf0)  }
0xb8: {  	v3 =	vxor.u32 v44, v42  }
0xb9: {  	vm15 =	veq.s32 v3, $0x80000000  }
0xba: {  	vm2 =	vmand vm2, vm15  }
0xbb: {  	vm1 =	vmor vm1, vm2  }
0xbc: {  	v3 =	vpop (erf);
	vm0 =	vmor vm0, vm1  }
0xbd: {  	v45 =	vpop (erf);
	vm0 =	vmor vm3, vm0  }
0xbe: {  	v4 =	vnsel vm0, $0x0, v45  }
0xbf: {  	(xrf2) =	vadd.scan.msk.f32 $0xffff, v4;
	_ =	sdelay $0x8  }
0xc0: {  	v46 =	vld [tilespmem:$0x100]  }
0xc1: {  	v47, _, _ =	vpop (xrf2)  }
0xc2: {  	v6 =	vperm.xlane v47, v0;
	_ =	sdelay $0x1  }
0xc3: {  	(xrf0) =	vmax.scan.msk.f32 $0xffff, v6  }
0xc4: {  	(xrf0) =	vmax.scan.msk.f32 $0xffff, v46;
	_ =	sdelay $0x4  }
0xc5: {  	v6, _, _ =	vpop (xrf0)  }
0xc6: {  	v48, _, _ =	vpop (xrf0)  }
0xc7: {  	v7 =	vperm.xlane v48, v0;
	_ =	sdelay $0x1  }
0xc8: {  	(xrf0) =	vmax.scan.msk.f32 $0xffff, v7;
	_ =	sdelay $0x5  }
0xc9: {  	v7, _, _ =	vpop (xrf0)  }
0xca: {  	vm7 =	veq.f32 v46, v7  }
0xcb: {  	v8 =	vnsel vm7, $0xFFFFFFF0, v1  }
0xcc: {  	v9 =	vxor.u32 $0x80000000, v8  }
0xcd: {  	(xrf0) =	vmax.scan.msk.u32 $0xffff, v9;
	_ =	sdelay $0x5  }
0xce: {  	v9, _, _ =	vpop (xrf0)  }
0xcf: {  	v9 =	vxor.u32 $0x80000000, v9  }
0xd0: {  	v9 =	vperm.xlane v9, v0;
	_ =	sdelay $0x1  }
0xd1: {  	v9 =	vxor.u32 $0x80000000, v9  }
0xd2: {  	(xrf0) =	vmax.scan.msk.u32 $0xffff, v9;
	_ =	sdelay $0x5  }
0xd3: {  	v9, _, _ =	vpop (xrf0)  }
0xd4: {  	v8 =	vxor.u32 v8, v9  }
0xd5: {  	vm8 =	veq.s32 v8, $0x80000000  }
0xd6: {  	vm0 =	vmand vm7, vm8  }
0xd7: {  	v49 =	vsel vm0, $0xF149F2CA, v46  }
0xd8: {  	(xrf0) =	vmax.scan.msk.f32 $0xffff, v49;
	_ =	sdelay $0x5  }
0xd9: {  	v50, _, _ =	vpop (xrf0)  }
0xda: {  	v9 =	vperm.xlane v50, v0;
	_ =	sdelay $0x1  }
0xdb: {  	(xrf0) =	vmax.scan.msk.f32 $0xffff, v9;
	_ =	sdelay $0x5  }
0xdc: {  	v9, _, _ =	vpop (xrf0)  }
0xdd: {  	vm1 =	vmneg vm0;
	vm9 =	veq.f32 v49, v9  }
0xde: {  	vm1 =	vmand vm9, vm1  }
0xdf: {  	v51 =	vnsel vm1, $0xFFFFFFF0, v1  }
0xe0: {  	v52 =	vxor.u32 $0x80000000, v51  }
0xe1: {  	(xrf0) =	vmax.scan.msk.u32 $0xffff, v52;
	_ =	sdelay $0x5  }
0xe2: {  	v9, _, _ =	vpop (xrf0)  }
0xe3: {  	v9 =	vxor.u32 $0x80000000, v9  }
0xe4: {  	v9 =	vperm.xlane v9, v0;
	_ =	sdelay $0x1  }
0xe5: {  	v9 =	vxor.u32 $0x80000000, v9  }
0xe6: {  	(xrf0) =	vmax.scan.msk.u32 $0xffff, v9;
	_ =	sdelay $0x5  }
0xe7: {  	v9, _, _ =	vpop (xrf0)  }
0xe8: {  	v8 =	vxor.u32 v9, v51  }
0xe9: {  	vm10 =	veq.s32 v8, $0x80000000  }
0xea: {  	vm1 =	vmand vm1, vm10  }
0xeb: {  	vm2 =	vmxor vm0, vm1  }
0xec: {  	v53 =	vsel vm2, $0xF149F2CA, v46  }
0xed: {  	(xrf0) =	vmax.scan.msk.f32 $0xffff, v53;
	_ =	sdelay $0x5  }
0xee: {  	v54, _, _ =	vpop (xrf0)  }
0xef: {  	v9 =	vperm.xlane v54, v0;
	_ =	sdelay $0x1  }
0xf0: {  	(xrf0) =	vmax.scan.msk.f32 $0xffff, v9;
	_ =	sdelay $0x5  }
0xf1: {  	v9, _, _ =	vpop (xrf0)  }
0xf2: {  	vm11 =	vmneg vm2;
	vm12 =	veq.f32 v53, v9  }
0xf3: {  	vm3 =	vmand vm12, vm11  }
0xf4: {  	v55 =	vnsel vm3, $0xFFFFFFF0, v1  }
0xf5: {  	v56 =	vxor.u32 $0x80000000, v55  }
0xf6: {  	(xrf0) =	vmax.scan.msk.u32 $0xffff, v56;
	_ =	sdelay $0x5  }
0xf7: {  	v9, _, _ =	vpop (xrf0)  }
0xf8: {  	v9 =	vxor.u32 $0x80000000, v9  }
0xf9: {  	v9 =	vperm.xlane v9, v0;
	_ =	sdelay $0x1  }
0xfa: {  	v9 =	vxor.u32 $0x80000000, v9  }
0xfb: {  	(xrf0) =	vmax.scan.msk.u32 $0xffff, v9;
	_ =	sdelay $0x5  }
0xfc: {  	v9, _, _ =	vpop (xrf0)  }
0xfd: {  	v8 =	vxor.u32 v9, v55  }
0xfe: {  	vm13 =	veq.s32 v8, $0x80000000  }
0xff: {  	vm3 =	vmand vm3, vm13  }
0x100: {  	vm2 =	vmxor vm2, vm3  }
0x101: {  	v57 =	vsel vm2, $0xF149F2CA, v46  }
0x102: {  	(xrf0) =	vmax.scan.msk.f32 $0xffff, v57;
	_ =	sdelay $0x5  }
0x103: {  	v58, _, _ =	vpop (xrf0)  }
0x104: {  	v9 =	vperm.xlane v58, v0;
	_ =	sdelay $0x1  }
0x105: {  	(xrf0) =	vmax.scan.msk.f32 $0xffff, v9;
	_ =	sdelay $0x5  }
0x106: {  	v9, _, _ =	vpop (xrf0)  }
0x107: {  	vm2 =	vmneg vm2;
	vm14 =	veq.f32 v57, v9  }
0x108: {  	vm2 =	vmand vm14, vm2  }
0x109: {  	v59 =	vnsel vm2, $0xFFFFFFF0, v1  }
0x10a: {  	v60 =	vxor.u32 $0x80000000, v59  }
0x10b: {  	(xrf0) =	vmax.scan.msk.u32 $0xffff, v60;
	_ =	sdelay $0x5  }
0x10c: {  	v9, _, _ =	vpop (xrf0)  }
0x10d: {  	v9 =	vxor.u32 $0x80000000, v9  }
0x10e: {  	v9 =	vperm.xlane v9, v0;
	_ =	sdelay $0x1  }
0x10f: {  	v5 =	vsub.f32 v46, v7;
	v9 =	vxor.u32 $0x80000000, v9  }
0x110: {  	(xrf0) =	vmax.scan.msk.u32 $0xffff, v9  }
0x111: {  	v5 =	vmul.f32 $1.442695020e+00, v5  }
0x112: {  	(erf) = vrcp.f32 v6  }
0x113: {  	(erf) = vpow2.f32 v5;
	_ =	sdelay $0x2  }
0x114: {  	v61, _, _ =	vpop (xrf0)  }
0x115: {  	v5 =	vxor.u32 v61, v59  }
0x116: {  	vm15 =	veq.s32 v5, $0x80000000  }
0x117: {  	vm2 =	vmand vm2, vm15  }
0x118: {  	vm1 =	vmor vm1, vm2  }
0x119: {  	v5 =	vpop (erf);
	vm0 =	vmor vm0, vm1  }
0x11a: {  	v62 =	vpop (erf);
	vm0 =	vmor vm3, vm0  }
0x11b: {  	v6 =	vnsel vm0, $0x0, v62  }
0x11c: {  	(xrf2) =	vadd.scan.msk.f32 $0xffff, v6;
	_ =	sdelay $0x8  }
0x11d: {  	v63 =	vld [tilespmem:$0x180]  }
0x11e: {  	v12, _, _ =	vpop (xrf2)  }
0x11f: {  	v8 =	vperm.xlane v12, v0;
	_ =	sdelay $0x1  }
0x120: {  	(xrf0) =	vmax.scan.msk.f32 $0xffff, v8  }
0x121: {  	(xrf0) =	vmax.scan.msk.f32 $0xffff, v63;
	_ =	sdelay $0x4  }
0x122: {  	v8, _, _ =	vpop (xrf0)  }
0x123: {  	v13, _, _ =	vpop (xrf0)  }
0x124: {  	v9 =	vperm.xlane v13, v0;
	_ =	sdelay $0x1  }
0x125: {  	(xrf0) =	vmax.scan.msk.f32 $0xffff, v9;
	_ =	sdelay $0x5  }
0x126: {  	v9, _, _ =	vpop (xrf0)  }
0x127: {  	vm7 =	veq.f32 v63, v9  }
0x128: {  	v10 =	vnsel vm7, $0xFFFFFFF0, v1  }
0x129: {  	v11 =	vxor.u32 $0x80000000, v10  }
0x12a: {  	(xrf0) =	vmax.scan.msk.u32 $0xffff, v11;
	_ =	sdelay $0x5  }
0x12b: {  	v11, _, _ =	vpop (xrf0)  }
0x12c: {  	v11 =	vxor.u32 $0x80000000, v11  }
0x12d: {  	v11 =	vperm.xlane v11, v0;
	_ =	sdelay $0x1  }
0x12e: {  	v11 =	vxor.u32 $0x80000000, v11  }
0x12f: {  	(xrf0) =	vmax.scan.msk.u32 $0xffff, v11;
	_ =	sdelay $0x5  }
0x130: {  	v11, _, _ =	vpop (xrf0)  }
0x131: {  	v10 =	vxor.u32 v10, v11  }
0x132: {  	vm8 =	veq.s32 v10, $0x80000000  }
0x133: {  	vm0 =	vmand vm7, vm8  }
0x134: {  	v14 =	vsel vm0, $0xF149F2CA, v63  }
0x135: {  	(xrf0) =	vmax.scan.msk.f32 $0xffff, v14;
	_ =	sdelay $0x5  }
0x136: {  	v15, _, _ =	vpop (xrf0)  }
0x137: {  	v11 =	vperm.xlane v15, v0;
	_ =	sdelay $0x1  }
0x138: {  	(xrf0) =	vmax.scan.msk.f32 $0xffff, v11;
	_ =	sdelay $0x5  }
0x139: {  	v11, _, _ =	vpop (xrf0)  }
0x13a: {  	vm1 =	vmneg vm0;
	vm9 =	veq.f32 v14, v11  }
0x13b: {  	vm1 =	vmand vm9, vm1  }
0x13c: {  	v16 =	vnsel vm1, $0xFFFFFFF0, v1  }
0x13d: {  	v17 =	vxor.u32 $0x80000000, v16  }
0x13e: {  	(xrf0) =	vmax.scan.msk.u32 $0xffff, v17;
	_ =	sdelay $0x5  }
0x13f: {  	v11, _, _ =	vpop (xrf0)  }
0x140: {  	v11 =	vxor.u32 $0x80000000, v11  }
0x141: {  	v11 =	vperm.xlane v11, v0;
	_ =	sdelay $0x1  }
0x142: {  	v11 =	vxor.u32 $0x80000000, v11  }
0x143: {  	(xrf0) =	vmax.scan.msk.u32 $0xffff, v11;
	_ =	sdelay $0x5  }
0x144: {  	v11, _, _ =	vpop (xrf0)  }
0x145: {  	v10 =	vxor.u32 v11, v16  }
0x146: {  	vm10 =	veq.s32 v10, $0x80000000  }
0x147: {  	vm1 =	vmand vm1, vm10  }
0x148: {  	vm2 =	vmxor vm0, vm1  }
0x149: {  	v18 =	vsel vm2, $0xF149F2CA, v63  }
0x14a: {  	(xrf0) =	vmax.scan.msk.f32 $0xffff, v18;
	_ =	sdelay $0x5  }
0x14b: {  	v19, _, _ =	vpop (xrf0)  }
0x14c: {  	v11 =	vperm.xlane v19, v0;
	_ =	sdelay $0x1  }
0x14d: {  	(xrf0) =	vmax.scan.msk.f32 $0xffff, v11;
	_ =	sdelay $0x5  }
0x14e: {  	v11, _, _ =	vpop (xrf0)  }
0x14f: {  	vm11 =	vmneg vm2;
	vm12 =	veq.f32 v18, v11  }
0x150: {  	vm3 =	vmand vm12, vm11  }
0x151: {  	v20 =	vnsel vm3, $0xFFFFFFF0, v1  }
0x152: {  	v21 =	vxor.u32 $0x80000000, v20  }
0x153: {  	(xrf0) =	vmax.scan.msk.u32 $0xffff, v21;
	_ =	sdelay $0x5  }
0x154: {  	v11, _, _ =	vpop (xrf0)  }
0x155: {  	v11 =	vxor.u32 $0x80000000, v11  }
0x156: {  	v11 =	vperm.xlane v11, v0;
	_ =	sdelay $0x1  }
0x157: {  	v11 =	vxor.u32 $0x80000000, v11  }
0x158: {  	(xrf0) =	vmax.scan.msk.u32 $0xffff, v11;
	_ =	sdelay $0x5  }
0x159: {  	v11, _, _ =	vpop (xrf0)  }
0x15a: {  	v10 =	vxor.u32 v11, v20  }
0x15b: {  	vm13 =	veq.s32 v10, $0x80000000  }
0x15c: {  	vm3 =	vmand vm3, vm13  }
0x15d: {  	vm2 =	vmxor vm2, vm3  }
0x15e: {  	v22 =	vsel vm2, $0xF149F2CA, v63  }
0x15f: {  	(xrf0) =	vmax.scan.msk.f32 $0xffff, v22;
	_ =	sdelay $0x5  }
0x160: {  	v23, _, _ =	vpop (xrf0)  }
0x161: {  	v11 =	vperm.xlane v23, v0;
	_ =	sdelay $0x1  }
0x162: {  	(xrf0) =	vmax.scan.msk.f32 $0xffff, v11;
	_ =	sdelay $0x5  }
0x163: {  	v11, _, _ =	vpop (xrf0)  }
0x164: {  	vm2 =	vmneg vm2;
	vm14 =	veq.f32 v22, v11  }
0x165: {  	vm2 =	vmand vm14, vm2  }
0x166: {  	v24 =	vnsel vm2, $0xFFFFFFF0, v1  }
0x167: {  	v25 =	vxor.u32 $0x80000000, v24  }
0x168: {  	(xrf0) =	vmax.scan.msk.u32 $0xffff, v25;
	_ =	sdelay $0x5  }
0x169: {  	v11, _, _ =	vpop (xrf0)  }
0x16a: {  	v11 =	vxor.u32 $0x80000000, v11  }
0x16b: {  	v11 =	vperm.xlane v11, v0;
	_ =	sdelay $0x1  }
0x16c: {  	v7 =	vsub.f32 v63, v9;
	v11 =	vxor.u32 $0x80000000, v11  }
0x16d: {  	(xrf0) =	vmax.scan.msk.u32 $0xffff, v11  }
0x16e: {  	v7 =	vmul.f32 $1.442695020e+00, v7  }
0x16f: {  	(erf) = vrcp.f32 v8  }
0x170: {  	(erf) = vpow2.f32 v7;
	_ =	sdelay $0x2  }
0x171: {  	v26, _, _ =	vpop (xrf0)  }
0x172: {  	v7 =	vxor.u32 v26, v24  }
0x173: {  	vm15 =	veq.s32 v7, $0x80000000  }
0x174: {  	vm2 =	vmand vm2, vm15  }
0x175: {  	vm1 =	vmor vm1, vm2  }
0x176: {  	v7 =	vpop (erf);
	vm0 =	vmor vm0, vm1  }
0x177: {  	v27 =	vpop (erf);
	vm0 =	vmor vm3, vm0  }
0x178: {  	v8 =	vnsel vm0, $0x0, v27  }
0x179: {  	(xrf2) =	vadd.scan.msk.f32 $0xffff, v8;
	_ =	sdelay $0x8  }
0x17a: {  	v28 =	vld [tilespmem:$0x200]  }
0x17b: {  	v29, _, _ =	vpop (xrf2)  }
0x17c: {  	v10 =	vperm.xlane v29, v0;
	_ =	sdelay $0x1  }
0x17d: {  	(xrf0) =	vmax.scan.msk.f32 $0xffff, v10  }
0x17e: {  	(xrf0) =	vmax.scan.msk.f32 $0xffff, v28;
	_ =	sdelay $0x4  }
0x17f: {  	v10, _, _ =	vpop (xrf0)  }
0x180: {  	v30, _, _ =	vpop (xrf0)  }
0x181: {  	v11 =	vperm.xlane v30, v0;
	_ =	sdelay $0x1  }
0x182: {  	(xrf0) =	vmax.scan.msk.f32 $0xffff, v11;
	_ =	sdelay $0x5  }
0x183: {  	v11, _, _ =	vpop (xrf0)  }
0x184: {  	vm7 =	veq.f32 v28, v11  }
0x185: {  	v12 =	vnsel vm7, $0xFFFFFFF0, v1  }
0x186: {  	v13 =	vxor.u32 $0x80000000, v12  }
0x187: {  	(xrf0) =	vmax.scan.msk.u32 $0xffff, v13;
	_ =	sdelay $0x5  }
0x188: {  	v13, _, _ =	vpop (xrf0)  }
0x189: {  	v13 =	vxor.u32 $0x80000000, v13  }
0x18a: {  	v13 =	vperm.xlane v13, v0;
	_ =	sdelay $0x1  }
0x18b: {  	v13 =	vxor.u32 $0x80000000, v13  }
0x18c: {  	(xrf0) =	vmax.scan.msk.u32 $0xffff, v13;
	_ =	sdelay $0x5  }
0x18d: {  	v13, _, _ =	vpop (xrf0)  }
0x18e: {  	v12 =	vxor.u32 v12, v13  }
0x18f: {  	vm8 =	veq.s32 v12, $0x80000000  }
0x190: {  	vm0 =	vmand vm7, vm8  }
0x191: {  	v31 =	vsel vm0, $0xF149F2CA, v28  }
0x192: {  	(xrf0) =	vmax.scan.msk.f32 $0xffff, v31;
	_ =	sdelay $0x5  }
0x193: {  	v32, _, _ =	vpop (xrf0)  }
0x194: {  	v13 =	vperm.xlane v32, v0;
	_ =	sdelay $0x1  }
0x195: {  	(xrf0) =	vmax.scan.msk.f32 $0xffff, v13;
	_ =	sdelay $0x5  }
0x196: {  	v13, _, _ =	vpop (xrf0)  }
0x197: {  	vm1 =	vmneg vm0;
	vm9 =	veq.f32 v31, v13  }
0x198: {  	vm1 =	vmand vm9, vm1  }
0x199: {  	v33 =	vnsel vm1, $0xFFFFFFF0, v1  }
0x19a: {  	v34 =	vxor.u32 $0x80000000, v33  }
0x19b: {  	(xrf0) =	vmax.scan.msk.u32 $0xffff, v34;
	_ =	sdelay $0x5  }
0x19c: {  	v13, _, _ =	vpop (xrf0)  }
0x19d: {  	v13 =	vxor.u32 $0x80000000, v13  }
0x19e: {  	v13 =	vperm.xlane v13, v0;
	_ =	sdelay $0x1  }
0x19f: {  	v13 =	vxor.u32 $0x80000000, v13  }
0x1a0: {  	(xrf0) =	vmax.scan.msk.u32 $0xffff, v13;
	_ =	sdelay $0x5  }
0x1a1: {  	v13, _, _ =	vpop (xrf0)  }
0x1a2: {  	v12 =	vxor.u32 v13, v33  }
0x1a3: {  	vm10 =	veq.s32 v12, $0x80000000  }
0x1a4: {  	vm1 =	vmand vm1, vm10  }
0x1a5: {  	vm2 =	vmxor vm0, vm1  }
0x1a6: {  	v35 =	vsel vm2, $0xF149F2CA, v28  }
0x1a7: {  	(xrf0) =	vmax.scan.msk.f32 $0xffff, v35;
	_ =	sdelay $0x5  }
0x1a8: {  	v36, _, _ =	vpop (xrf0)  }
0x1a9: {  	v13 =	vperm.xlane v36, v0;
	_ =	sdelay $0x1  }
0x1aa: {  	(xrf0) =	vmax.scan.msk.f32 $0xffff, v13;
	_ =	sdelay $0x5  }
0x1ab: {  	v13, _, _ =	vpop (xrf0)  }
0x1ac: {  	vm11 =	vmneg vm2;
	vm12 =	veq.f32 v35, v13  }
0x1ad: {  	vm3 =	vmand vm12, vm11  }
0x1ae: {  	v37 =	vnsel vm3, $0xFFFFFFF0, v1  }
0x1af: {  	v38 =	vxor.u32 $0x80000000, v37  }
0x1b0: {  	(xrf0) =	vmax.scan.msk.u32 $0xffff, v38;
	_ =	sdelay $0x5  }
0x1b1: {  	v13, _, _ =	vpop (xrf0)  }
0x1b2: {  	v13 =	vxor.u32 $0x80000000, v13  }
0x1b3: {  	v13 =	vperm.xlane v13, v0;
	_ =	sdelay $0x1  }
0x1b4: {  	v13 =	vxor.u32 $0x80000000, v13  }
0x1b5: {  	(xrf0) =	vmax.scan.msk.u32 $0xffff, v13;
	_ =	sdelay $0x5  }
0x1b6: {  	v13, _, _ =	vpop (xrf0)  }
0x1b7: {  	v12 =	vxor.u32 v13, v37  }
0x1b8: {  	vm13 =	veq.s32 v12, $0x80000000  }
0x1b9: {  	vm3 =	vmand vm3, vm13  }
0x1ba: {  	vm2 =	vmxor vm2, vm3  }
0x1bb: {  	v39 =	vsel vm2, $0xF149F2CA, v28  }
0x1bc: {  	(xrf0) =	vmax.scan.msk.f32 $0xffff, v39;
	_ =	sdelay $0x5  }
0x1bd: {  	v40, _, _ =	vpop (xrf0)  }
0x1be: {  	v13 =	vperm.xlane v40, v0;
	_ =	sdelay $0x1  }
0x1bf: {  	(xrf0) =	vmax.scan.msk.f32 $0xffff, v13;
	_ =	sdelay $0x5  }
0x1c0: {  	v13, _, _ =	vpop (xrf0)  }
0x1c1: {  	vm2 =	vmneg vm2;
	vm14 =	veq.f32 v39, v13  }
0x1c2: {  	vm2 =	vmand vm14, vm2  }
0x1c3: {  	v41 =	vnsel vm2, $0xFFFFFFF0, v1  }
0x1c4: {  	v42 =	vxor.u32 $0x80000000, v41  }
0x1c5: {  	(xrf0) =	vmax.scan.msk.u32 $0xffff, v42;
	_ =	sdelay $0x5  }
0x1c6: {  	v13, _, _ =	vpop (xrf0)  }
0x1c7: {  	v13 =	vxor.u32 $0x80000000, v13  }
0x1c8: {  	v13 =	vperm.xlane v13, v0;
	_ =	sdelay $0x1  }
0x1c9: {  	v9 =	vsub.f32 v28, v11;
	v13 =	vxor.u32 $0x80000000, v13  }
0x1ca: {  	(xrf0) =	vmax.scan.msk.u32 $0xffff, v13  }
0x1cb: {  	v9 =	vmul.f32 $1.442695020e+00, v9  }
0x1cc: {  	(erf) = vrcp.f32 v10  }
0x1cd: {  	(erf) = vpow2.f32 v9;
	_ =	sdelay $0x2  }
0x1ce: {  	v43, _, _ =	vpop (xrf0)  }
0x1cf: {  	v9 =	vxor.u32 v43, v41  }
0x1d0: {  	vm15 =	veq.s32 v9, $0x80000000  }
0x1d1: {  	vm2 =	vmand vm2, vm15  }
0x1d2: {  	vm1 =	vmor vm1, vm2  }
0x1d3: {  	v9 =	vpop (erf);
	vm0 =	vmor vm0, vm1  }
0x1d4: {  	v44 =	vpop (erf);
	vm0 =	vmor vm3, vm0  }
0x1d5: {  	v10 =	vnsel vm0, $0x0, v44  }
0x1d6: {  	(xrf2) =	vadd.scan.msk.f32 $0xffff, v10;
	_ =	sdelay $0x8  }
0x1d7: {  	v45 =	vld [tilespmem:$0x280]  }
0x1d8: {  	v46, _, _ =	vpop (xrf2)  }
0x1d9: {  	v12 =	vperm.xlane v46, v0;
	_ =	sdelay $0x1  }
0x1da: {  	(xrf0) =	vmax.scan.msk.f32 $0xffff, v12  }
0x1db: {  	(xrf0) =	vmax.scan.msk.f32 $0xffff, v45;
	_ =	sdelay $0x4  }
0x1dc: {  	v12, _, _ =	vpop (xrf0)  }
0x1dd: {  	v47, _, _ =	vpop (xrf0)  }
0x1de: {  	v13 =	vperm.xlane v47, v0;
	_ =	sdelay $0x1  }
0x1df: {  	(xrf0) =	vmax.scan.msk.f32 $0xffff, v13;
	_ =	sdelay $0x5  }
0x1e0: {  	v13, _, _ =	vpop (xrf0)  }
0x1e1: {  	vm7 =	veq.f32 v45, v13  }
0x1e2: {  	v14 =	vnsel vm7, $0xFFFFFFF0, v1  }
0x1e3: {  	v15 =	vxor.u32 $0x80000000, v14  }
0x1e4: {  	(xrf0) =	vmax.scan.msk.u32 $0xffff, v15;
	_ =	sdelay $0x5  }
0x1e5: {  	v15, _, _ =	vpop (xrf0)  }
0x1e6: {  	v15 =	vxor.u32 $0x80000000, v15  }
0x1e7: {  	v15 =	vperm.xlane v15, v0;
	_ =	sdelay $0x1  }
0x1e8: {  	v15 =	vxor.u32 $0x80000000, v15  }
0x1e9: {  	(xrf0) =	vmax.scan.msk.u32 $0xffff, v15;
	_ =	sdelay $0x5  }
0x1ea: {  	v15, _, _ =	vpop (xrf0)  }
0x1eb: {  	v14 =	vxor.u32 v14, v15  }
0x1ec: {  	vm8 =	veq.s32 v14, $0x80000000  }
0x1ed: {  	vm0 =	vmand vm7, vm8  }
0x1ee: {  	v48 =	vsel vm0, $0xF149F2CA, v45  }
0x1ef: {  	(xrf0) =	vmax.scan.msk.f32 $0xffff, v48;
	_ =	sdelay $0x5  }
0x1f0: {  	v49, _, _ =	vpop (xrf0)  }
0x1f1: {  	v15 =	vperm.xlane v49, v0;
	_ =	sdelay $0x1  }
0x1f2: {  	(xrf0) =	vmax.scan.msk.f32 $0xffff, v15;
	_ =	sdelay $0x5  }
0x1f3: {  	v15, _, _ =	vpop (xrf0)  }
0x1f4: {  	vm1 =	vmneg vm0;
	vm9 =	veq.f32 v48, v15  }
0x1f5: {  	vm1 =	vmand vm9, vm1  }
0x1f6: {  	v50 =	vnsel vm1, $0xFFFFFFF0, v1  }
0x1f7: {  	v51 =	vxor.u32 $0x80000000, v50  }
0x1f8: {  	(xrf0) =	vmax.scan.msk.u32 $0xffff, v51;
	_ =	sdelay $0x5  }
0x1f9: {  	v15, _, _ =	vpop (xrf0)  }
0x1fa: {  	v15 =	vxor.u32 $0x80000000, v15  }
0x1fb: {  	v15 =	vperm.xlane v15, v0;
	_ =	sdelay $0x1  }
0x1fc: {  	v15 =	vxor.u32 $0x80000000, v15  }
0x1fd: {  	(xrf0) =	vmax.scan.msk.u32 $0xffff, v15;
	_ =	sdelay $0x5  }
0x1fe: {  	v15, _, _ =	vpop (xrf0)  }
0x1ff: {  	v14 =	vxor.u32 v15, v50  }
0x200: {  	vm10 =	veq.s32 v14, $0x80000000  }
0x201: {  	vm1 =	vmand vm1, vm10  }
0x202: {  	vm2 =	vmxor vm0, vm1  }
0x203: {  	v52 =	vsel vm2, $0xF149F2CA, v45  }
0x204: {  	(xrf0) =	vmax.scan.msk.f32 $0xffff, v52;
	_ =	sdelay $0x5  }
0x205: {  	v53, _, _ =	vpop (xrf0)  }
0x206: {  	v15 =	vperm.xlane v53, v0;
	_ =	sdelay $0x1  }
0x207: {  	(xrf0) =	vmax.scan.msk.f32 $0xffff, v15;
	_ =	sdelay $0x5  }
0x208: {  	v15, _, _ =	vpop (xrf0)  }
0x209: {  	vm11 =	vmneg vm2;
	vm12 =	veq.f32 v52, v15  }
0x20a: {  	vm3 =	vmand vm12, vm11  }
0x20b: {  	v54 =	vnsel vm3, $0xFFFFFFF0, v1  }
0x20c: {  	v55 =	vxor.u32 $0x80000000, v54  }
0x20d: {  	(xrf0) =	vmax.scan.msk.u32 $0xffff, v55;
	_ =	sdelay $0x5  }
0x20e: {  	v15, _, _ =	vpop (xrf0)  }
0x20f: {  	v15 =	vxor.u32 $0x80000000, v15  }
0x210: {  	v15 =	vperm.xlane v15, v0;
	_ =	sdelay $0x1  }
0x211: {  	v15 =	vxor.u32 $0x80000000, v15  }
0x212: {  	(xrf0) =	vmax.scan.msk.u32 $0xffff, v15;
	_ =	sdelay $0x5  }
0x213: {  	v15, _, _ =	vpop (xrf0)  }
0x214: {  	v14 =	vxor.u32 v15, v54  }
0x215: {  	vm13 =	veq.s32 v14, $0x80000000  }
0x216: {  	vm3 =	vmand vm3, vm13  }
0x217: {  	vm2 =	vmxor vm2, vm3  }
0x218: {  	v56 =	vsel vm2, $0xF149F2CA, v45  }
0x219: {  	(xrf0) =	vmax.scan.msk.f32 $0xffff, v56;
	_ =	sdelay $0x5  }
0x21a: {  	v57, _, _ =	vpop (xrf0)  }
0x21b: {  	v15 =	vperm.xlane v57, v0;
	_ =	sdelay $0x1  }
0x21c: {  	(xrf0) =	vmax.scan.msk.f32 $0xffff, v15;
	_ =	sdelay $0x5  }
0x21d: {  	v15, _, _ =	vpop (xrf0)  }
0x21e: {  	vm2 =	vmneg vm2;
	vm14 =	veq.f32 v56, v15  }
0x21f: {  	vm2 =	vmand vm14, vm2  }
0x220: {  	v58 =	vnsel vm2, $0xFFFFFFF0, v1  }
0x221: {  	v59 =	vxor.u32 $0x80000000, v58  }
0x222: {  	(xrf0) =	vmax.scan.msk.u32 $0xffff, v59;
	_ =	sdelay $0x5  }
0x223: {  	v15, _, _ =	vpop (xrf0)  }
0x224: {  	v15 =	vxor.u32 $0x80000000, v15  }
0x225: {  	v15 =	vperm.xlane v15, v0;
	_ =	sdelay $0x1  }
0x226: {  	v11 =	vsub.f32 v45, v13;
	v15 =	vxor.u32 $0x80000000, v15  }
0x227: {  	(xrf0) =	vmax.scan.msk.u32 $0xffff, v15  }
0x228: {  	v11 =	vmul.f32 $1.442695020e+00, v11  }
0x229: {  	(erf) = vrcp.f32 v12  }
0x22a: {  	(erf) = vpow2.f32 v11;
	_ =	sdelay $0x2  }
0x22b: {  	v60, _, _ =	vpop (xrf0)  }
0x22c: {  	v11 =	vxor.u32 v60, v58  }
0x22d: {  	vm15 =	veq.s32 v11, $0x80000000  }
0x22e: {  	vm2 =	vmand vm2, vm15  }
0x22f: {  	vm1 =	vmor vm1, vm2  }
0x230: {  	v61 =	vpop (erf);
	vm0 =	vmor vm0, vm1  }
0x231: {  	v62 =	vpop (erf);
	vm0 =	vmor vm3, vm0  }
0x232: {  	v12 =	vnsel vm0, $0x0, v62  }
0x233: {  	(xrf2) =	vadd.scan.msk.f32 $0xffff, v12;
	_ =	sdelay $0x8  }
0x234: {  	v63 =	vld [tilespmem:$0x300]  }
0x235: {  	v20, _, _ =	vpop (xrf2)  }
0x236: {  	v14 =	vperm.xlane v20, v0;
	_ =	sdelay $0x1  }
0x237: {  	(xrf0) =	vmax.scan.msk.f32 $0xffff, v14  }
0x238: {  	(xrf0) =	vmax.scan.msk.f32 $0xffff, v63;
	_ =	sdelay $0x4  }
0x239: {  	v14, _, _ =	vpop (xrf0)  }
0x23a: {  	v21, _, _ =	vpop (xrf0)  }
0x23b: {  	v15 =	vperm.xlane v21, v0;
	_ =	sdelay $0x1  }
0x23c: {  	(xrf0) =	vmax.scan.msk.f32 $0xffff, v15;
	_ =	sdelay $0x5  }
0x23d: {  	v15, _, _ =	vpop (xrf0)  }
0x23e: {  	vm7 =	veq.f32 v63, v15  }
0x23f: {  	v16 =	vnsel vm7, $0xFFFFFFF0, v1  }
0x240: {  	v17 =	vxor.u32 $0x80000000, v16  }
0x241: {  	(xrf0) =	vmax.scan.msk.u32 $0xffff, v17;
	_ =	sdelay $0x5  }
0x242: {  	v17, _, _ =	vpop (xrf0)  }
0x243: {  	v17 =	vxor.u32 $0x80000000, v17  }
0x244: {  	v17 =	vperm.xlane v17, v0;
	_ =	sdelay $0x1  }
0x245: {  	v17 =	vxor.u32 $0x80000000, v17  }
0x246: {  	(xrf0) =	vmax.scan.msk.u32 $0xffff, v17;
	_ =	sdelay $0x5  }
0x247: {  	v17, _, _ =	vpop (xrf0)  }
0x248: {  	v16 =	vxor.u32 v16, v17  }
0x249: {  	vm8 =	veq.s32 v16, $0x80000000  }
0x24a: {  	vm0 =	vmand vm7, vm8  }
0x24b: {  	v22 =	vsel vm0, $0xF149F2CA, v63  }
0x24c: {  	(xrf0) =	vmax.scan.msk.f32 $0xffff, v22;
	_ =	sdelay $0x5  }
0x24d: {  	v23, _, _ =	vpop (xrf0)  }
0x24e: {  	v17 =	vperm.xlane v23, v0;
	_ =	sdelay $0x1  }
0x24f: {  	(xrf0) =	vmax.scan.msk.f32 $0xffff, v17;
	_ =	sdelay $0x5  }
0x250: {  	v17, _, _ =	vpop (xrf0)  }
0x251: {  	vm1 =	vmneg vm0;
	vm9 =	veq.f32 v22, v17  }
0x252: {  	vm1 =	vmand vm9, vm1  }
0x253: {  	v24 =	vnsel vm1, $0xFFFFFFF0, v1  }
0x254: {  	v25 =	vxor.u32 $0x80000000, v24  }
0x255: {  	(xrf0) =	vmax.scan.msk.u32 $0xffff, v25;
	_ =	sdelay $0x5  }
0x256: {  	v17, _, _ =	vpop (xrf0)  }
0x257: {  	v17 =	vxor.u32 $0x80000000, v17  }
0x258: {  	v17 =	vperm.xlane v17, v0;
	_ =	sdelay $0x1  }
0x259: {  	v17 =	vxor.u32 $0x80000000, v17  }
0x25a: {  	(xrf0) =	vmax.scan.msk.u32 $0xffff, v17;
	_ =	sdelay $0x5  }
0x25b: {  	v17, _, _ =	vpop (xrf0)  }
0x25c: {  	v16 =	vxor.u32 v17, v24  }
0x25d: {  	vm10 =	veq.s32 v16, $0x80000000  }
0x25e: {  	vm1 =	vmand vm1, vm10  }
0x25f: {  	vm2 =	vmxor vm0, vm1  }
0x260: {  	v26 =	vsel vm2, $0xF149F2CA, v63  }
0x261: {  	(xrf0) =	vmax.scan.msk.f32 $0xffff, v26;
	_ =	sdelay $0x5  }
0x262: {  	v27, _, _ =	vpop (xrf0)  }
0x263: {  	v17 =	vperm.xlane v27, v0;
	_ =	sdelay $0x1  }
0x264: {  	(xrf0) =	vmax.scan.msk.f32 $0xffff, v17;
	_ =	sdelay $0x5  }
0x265: {  	v17, _, _ =	vpop (xrf0)  }
0x266: {  	vm11 =	vmneg vm2;
	vm12 =	veq.f32 v26, v17  }
0x267: {  	vm3 =	vmand vm12, vm11  }
0x268: {  	v28 =	vnsel vm3, $0xFFFFFFF0, v1  }
0x269: {  	v29 =	vxor.u32 $0x80000000, v28  }
0x26a: {  	(xrf0) =	vmax.scan.msk.u32 $0xffff, v29;
	_ =	sdelay $0x5  }
0x26b: {  	v17, _, _ =	vpop (xrf0)  }
0x26c: {  	v17 =	vxor.u32 $0x80000000, v17  }
0x26d: {  	v17 =	vperm.xlane v17, v0;
	_ =	sdelay $0x1  }
0x26e: {  	v17 =	vxor.u32 $0x80000000, v17  }
0x26f: {  	(xrf0) =	vmax.scan.msk.u32 $0xffff, v17;
	_ =	sdelay $0x5  }
0x270: {  	v17, _, _ =	vpop (xrf0)  }
0x271: {  	v16 =	vxor.u32 v17, v28  }
0x272: {  	vm13 =	veq.s32 v16, $0x80000000  }
0x273: {  	vm3 =	vmand vm3, vm13  }
0x274: {  	vm2 =	vmxor vm2, vm3  }
0x275: {  	v30 =	vsel vm2, $0xF149F2CA, v63  }
0x276: {  	(xrf0) =	vmax.scan.msk.f32 $0xffff, v30;
	_ =	sdelay $0x5  }
0x277: {  	v31, _, _ =	vpop (xrf0)  }
0x278: {  	v17 =	vperm.xlane v31, v0;
	_ =	sdelay $0x1  }
0x279: {  	(xrf0) =	vmax.scan.msk.f32 $0xffff, v17;
	_ =	sdelay $0x5  }
0x27a: {  	v17, _, _ =	vpop (xrf0)  }
0x27b: {  	vm2 =	vmneg vm2;
	vm14 =	veq.f32 v30, v17  }
0x27c: {  	vm2 =	vmand vm14, vm2  }
0x27d: {  	v32 =	vnsel vm2, $0xFFFFFFF0, v1  }
0x27e: {  	v33 =	vxor.u32 $0x80000000, v32  }
0x27f: {  	(xrf0) =	vmax.scan.msk.u32 $0xffff, v33;
	_ =	sdelay $0x5  }
0x280: {  	v17, _, _ =	vpop (xrf0)  }
0x281: {  	v17 =	vxor.u32 $0x80000000, v17  }
0x282: {  	v17 =	vperm.xlane v17, v0;
	_ =	sdelay $0x1  }
0x283: {  	v13 =	vsub.f32 v63, v15;
	v17 =	vxor.u32 $0x80000000, v17  }
0x284: {  	(xrf0) =	vmax.scan.msk.u32 $0xffff, v17  }
0x285: {  	v13 =	vmul.f32 $1.442695020e+00, v13  }
0x286: {  	(erf) = vrcp.f32 v14  }
0x287: {  	(erf) = vpow2.f32 v13;
	_ =	sdelay $0x2  }
0x288: {  	v34, _, _ =	vpop (xrf0)  }
0x289: {  	v13 =	vxor.u32 v34, v32  }
0x28a: {  	vm15 =	veq.s32 v13, $0x80000000  }
0x28b: {  	vm2 =	vmand vm2, vm15  }
0x28c: {  	vm1 =	vmor vm1, vm2  }
0x28d: {  	v35 =	vpop (erf);
	vm0 =	vmor vm0, vm1  }
0x28e: {  	v36 =	vpop (erf);
	vm0 =	vmor vm3, vm0  }
0x28f: {  	v14 =	vnsel vm0, $0x0, v36  }
0x290: {  	(xrf2) =	vadd.scan.msk.f32 $0xffff, v14;
	_ =	sdelay $0x8  }
0x291: {  	v37 =	vld [tilespmem:$0x380]  }
0x292: {  	v38, _, _ =	vpop (xrf2)  }
0x293: {  	v16 =	vperm.xlane v38, v0;
	_ =	sdelay $0x1  }
0x294: {  	(xrf0) =	vmax.scan.msk.f32 $0xffff, v16  }
0x295: {  	(xrf0) =	vmax.scan.msk.f32 $0xffff, v37;
	_ =	sdelay $0x4  }
0x296: {  	v16, _, _ =	vpop (xrf0)  }
0x297: {  	v39, _, _ =	vpop (xrf0)  }
0x298: {  	v17 =	vperm.xlane v39, v0;
	_ =	sdelay $0x1  }
0x299: {  	(xrf0) =	vmax.scan.msk.f32 $0xffff, v17;
	_ =	sdelay $0x5  }
0x29a: {  	v17, _, _ =	vpop (xrf0)  }
0x29b: {  	vm7 =	veq.f32 v37, v17  }
0x29c: {  	v18 =	vnsel vm7, $0xFFFFFFF0, v1  }
0x29d: {  	v19 =	vxor.u32 $0x80000000, v18  }
0x29e: {  	(xrf0) =	vmax.scan.msk.u32 $0xffff, v19;
	_ =	sdelay $0x5  }
0x29f: {  	v19, _, _ =	vpop (xrf0)  }
0x2a0: {  	v19 =	vxor.u32 $0x80000000, v19  }
0x2a1: {  	v19 =	vperm.xlane v19, v0;
	_ =	sdelay $0x1  }
0x2a2: {  	v19 =	vxor.u32 $0x80000000, v19  }
0x2a3: {  	(xrf0) =	vmax.scan.msk.u32 $0xffff, v19;
	_ =	sdelay $0x5  }
0x2a4: {  	v19, _, _ =	vpop (xrf0)  }
0x2a5: {  	v18 =	vxor.u32 v18, v19  }
0x2a6: {  	vm8 =	veq.s32 v18, $0x80000000  }
0x2a7: {  	vm0 =	vmand vm7, vm8  }
0x2a8: {  	v40 =	vsel vm0, $0xF149F2CA, v37  }
0x2a9: {  	(xrf0) =	vmax.scan.msk.f32 $0xffff, v40;
	_ =	sdelay $0x5  }
0x2aa: {  	v41, _, _ =	vpop (xrf0)  }
0x2ab: {  	v19 =	vperm.xlane v41, v0;
	_ =	sdelay $0x1  }
0x2ac: {  	(xrf0) =	vmax.scan.msk.f32 $0xffff, v19;
	_ =	sdelay $0x5  }
0x2ad: {  	v19, _, _ =	vpop (xrf0)  }
0x2ae: {  	vm1 =	vmneg vm0;
	vm9 =	veq.f32 v40, v19  }
0x2af: {  	vm1 =	vmand vm9, vm1  }
0x2b0: {  	v42 =	vnsel vm1, $0xFFFFFFF0, v1  }
0x2b1: {  	v43 =	vxor.u32 $0x80000000, v42  }
0x2b2: {  	(xrf0) =	vmax.scan.msk.u32 $0xffff, v43;
	_ =	sdelay $0x5  }
0x2b3: {  	v19, _, _ =	vpop (xrf0)  }
0x2b4: {  	v19 =	vxor.u32 $0x80000000, v19  }
0x2b5: {  	v19 =	vperm.xlane v19, v0;
	_ =	sdelay $0x1  }
0x2b6: {  	v19 =	vxor.u32 $0x80000000, v19  }
0x2b7: {  	(xrf0) =	vmax.scan.msk.u32 $0xffff, v19;
	_ =	sdelay $0x5  }
0x2b8: {  	v19, _, _ =	vpop (xrf0)  }
0x2b9: {  	v18 =	vxor.u32 v19, v42  }
0x2ba: {  	vm10 =	veq.s32 v18, $0x80000000  }
0x2bb: {  	vm1 =	vmand vm1, vm10  }
0x2bc: {  	vm2 =	vmxor vm0, vm1  }
0x2bd: {  	v44 =	vsel vm2, $0xF149F2CA, v37  }
0x2be: {  	(xrf0) =	vmax.scan.msk.f32 $0xffff, v44;
	_ =	sdelay $0x5  }
0x2bf: {  	v45, _, _ =	vpop (xrf0)  }
0x2c0: {  	v19 =	vperm.xlane v45, v0;
	_ =	sdelay $0x1  }
0x2c1: {  	(xrf0) =	vmax.scan.msk.f32 $0xffff, v19;
	_ =	sdelay $0x5  }
0x2c2: {  	v19, _, _ =	vpop (xrf0)  }
0x2c3: {  	vm11 =	vmneg vm2;
	vm12 =	veq.f32 v44, v19  }
0x2c4: {  	vm3 =	vmand vm12, vm11  }
0x2c5: {  	v46 =	vnsel vm3, $0xFFFFFFF0, v1  }
0x2c6: {  	v47 =	vxor.u32 $0x80000000, v46  }
0x2c7: {  	(xrf0) =	vmax.scan.msk.u32 $0xffff, v47;
	_ =	sdelay $0x5  }
0x2c8: {  	v19, _, _ =	vpop (xrf0)  }
0x2c9: {  	v19 =	vxor.u32 $0x80000000, v19  }
0x2ca: {  	v19 =	vperm.xlane v19, v0;
	_ =	sdelay $0x1  }
0x2cb: {  	v19 =	vxor.u32 $0x80000000, v19  }
0x2cc: {  	(xrf0) =	vmax.scan.msk.u32 $0xffff, v19;
	_ =	sdelay $0x5  }
0x2cd: {  	v19, _, _ =	vpop (xrf0)  }
0x2ce: {  	v18 =	vxor.u32 v19, v46  }
0x2cf: {  	vm13 =	veq.s32 v18, $0x80000000  }
0x2d0: {  	vm3 =	vmand vm3, vm13  }
0x2d1: {  	vm2 =	vmxor vm2, vm3  }
0x2d2: {  	v48 =	vsel vm2, $0xF149F2CA, v37  }
0x2d3: {  	(xrf0) =	vmax.scan.msk.f32 $0xffff, v48;
	_ =	sdelay $0x5  }
0x2d4: {  	v49, _, _ =	vpop (xrf0)  }
0x2d5: {  	v19 =	vperm.xlane v49, v0;
	_ =	sdelay $0x1  }
0x2d6: {  	(xrf0) =	vmax.scan.msk.f32 $0xffff, v19;
	_ =	sdelay $0x5  }
0x2d7: {  	v19, _, _ =	vpop (xrf0)  }
0x2d8: {  	vm2 =	vmneg vm2;
	vm14 =	veq.f32 v48, v19  }
0x2d9: {  	vm2 =	vmand vm14, vm2  }
0x2da: {  	v1 =	vnsel vm2, $0xFFFFFFF0, v1  }
0x2db: {  	v50 =	vxor.u32 $0x80000000, v1  }
0x2dc: {  	(xrf0) =	vmax.scan.msk.u32 $0xffff, v50;
	_ =	sdelay $0x5  }
0x2dd: {  	v18, _, _ =	vpop (xrf0)  }
0x2de: {  	v18 =	vxor.u32 $0x80000000, v18  }
0x2df: {  	v18 =	vperm.xlane v18, v0;
	_ =	sdelay $0x1  }
0x2e0: {  	v15 =	vsub.f32 v37, v17;
	v51 =	vxor.u32 $0x80000000, v18  }
0x2e1: {  	(xrf0) =	vmax.scan.msk.u32 $0xffff, v51  }
0x2e2: {  	v15 =	vmul.f32 $1.442695020e+00, v15  }
0x2e3: {  	(erf) = vrcp.f32 v16  }
0x2e4: {  	(erf) = vpow2.f32 v15;
	_ =	sdelay $0x2  }
0x2e5: {  	v52, _, _ =	vpop (xrf0)  }
0x2e6: {  	v1 =	vxor.u32 v52, v1  }
0x2e7: {  	vm15 =	veq.s32 v1, $0x80000000  }
0x2e8: {  	vm2 =	vmand vm2, vm15  }
0x2e9: {  	vm1 =	vmor vm1, vm2  }
0x2ea: {  	v53 =	vpop (erf);
	vm0 =	vmor vm0, vm1  }
0x2eb: {  	v54 =	vpop (erf);
	vm0 =	vmor vm3, vm0  }
0x2ec: {  	v15 =	vnsel vm0, $0x0, v54  }
0x2ed: {  	(xrf2) =	vadd.scan.msk.f32 $0xffff, v15;
	_ =	sdelay $0x9  }
0x2ee: {  	v55, _, _ =	vpop (xrf2)  }
0x2ef: {  	v0 =	vperm.xlane v55, v0;
	_ =	sdelay $0x1  }
0x2f0: {  	(xrf0) =	vmax.scan.msk.f32 $0xffff, v0;
	_ =	sdelay $0x5  }
0x2f1: {  	v0, _, _ =	vpop (xrf0)  }
0x2f2: {  	(erf) = vrcp.f32 v0;
	_ =	sdelay $0x2  }
0x2f3: {  	v57 =	vmul.f32 v4, v5  }
0x2f4: {  	v56 =	vmul.f32 v2, v3  }
0x2f5: {  	[tilespmem:$0x480] =	vst v57;
	v59 =	vmul.f32 v8, v9  }
0x2f6: {  	[tilespmem:$0x400] =	vst v56;
	v58 =	vmul.f32 v6, v7  }
0x2f7: {  	[tilespmem:$0x580] =	vst v59;
	v60 =	vmul.f32 v10, v61  }
0x2f8: {  	[tilespmem:$0x500] =	vst v58;
	v61 =	vmul.f32 v12, v35  }
0x2f9: {  	[tilespmem:$0x600] =	vst v60;
	v62 =	vmul.f32 v14, v53;
	v63 =	vpop (erf)  }
0x2fa: {  	[tilespmem:$0x680] =	vst v61;
	v1 =	vmul.f32 v15, v63  }
0x2fb: {  	[tilespmem:$0x700] =	vst v62  }
0x2fc: {  	s5 =	simm.s32 $0x400;
	s4 =	sadd.s32 $0xDC00, s4;
	[tilespmem:$0x780] =	vst v1  }
0x2fd: {  	[hbm4b:s4+s2] =	stream.linear.scatter [tilespmem:s5], [sflag:$0x1], $0x400, $0x38;
	[tilespmem:$0x800] =	vst v63  }
0x2fe: {  	_ =	swait.ge [sflag:s31], $0x400  }
0x2ff: {  	[sflag:s31] =	ssyncset.done $0x0  }
0x300: {  	[sflag:s31] =	ssyncadd.s32 $0xFFFFFC00  }
0x301: {  	_ =	sfence.sel $0x180000  }
0x302: {  	[bflag:$0x0] =	sbarrier.arrive $0xFFFF  }
0x303: {  	p0 =	sne.s32 s1, $0x0;
	_ =	strace $0x90000047  }
0x304: {  	s0 =	sadd.s32 @!p0 $0x100000, s0;
	[bflag:$0x2] =	sbarrier.arrive $0xFFFF  }
0x305: {  	[sflag:s0] =	ssyncadd.tile.s32 @!p0 $0x1;
	_ =	shalt  }
.Lfunc_end2:
_tile_overlayer_lowered:
.L_overlay_start_2:
0x306: {  	(tag) =	ssettag $0x2  }
0x307: {  	s0 =	rddreg [dreg:$0x0];
	s2 =	stileid.u32  }
0x308: {  	s1 =	rddreg [dreg:$0x1];
	p0 =	sne.s32 s2, $0x0  }
0x309: {  	s3 =	rddreg [dreg:$0x2];
	[bflag:$0x3] =	sbarrier.arrive $0xFFFF;
	s2 =	simm.s32 @!p0 $0x1C01  }
0x30a: {  	[timem:s3], [sflag:s2] =	dma.local @!p0 [hbm:s0], s1  }
0x30b: {  	s0 =	simm.s32 @!p0 $0x1  }
0x30c: {  	_ =	swait.ge @!p0 [sflag:s0], s1  }
0x30d: {  	s1 =	ssub.s32 @!p0 $0x0, s1;
	[sflag:s0] =	ssyncset.done @!p0 $0x0  }
0x30e: {  	[sflag:s0] =	ssyncadd.s32 @!p0 s1  }
0x30f: {  	[bflag:$0x3] =	sbarrier.arrive $0xFFFF  }
0x310: {  	_ =	shalt  }

</sc_bundles>
